<compile_context>
chip_gen: v7x
topology: tpu7x:2x2x1
jax: 0.10.2.dev20260603
libtpu: 0.0.44.dev20260713+nightly
codegen_flags: <defaults>
</compile_context>

<pallas_src>
import functools

import jax
import jax.numpy as jnp
from jax import lax
from jax.experimental import pallas as pl
from jax.experimental.pallas import tpu as pltpu
from jax.experimental.pallas import tpu_sc as plsc

M = 100000
D = 128
B = 16384
N = B * D
NC = 2
NS = 16
L = 16
CHUNK_ROWS = 12512
NCHUNK = NC * 4
CW = CHUNK_ROWS * D
LAST_ROWS = M - 7 * CHUNK_ROWS
PER_TILE = N // NS
NR = 64
BI = NR * D
TILE_ROWS = B // NS
NBLK = TILE_ROWS // NR


def _copy_rows(src_ref, src_base, dst_ref, dst_base, nrows, s):
    npt = nrows // NS
    w = npt * D
    pltpu.sync_copy(src_ref.at[pl.ds(src_base + s * w, w)],
                    dst_ref.at[pl.ds(dst_base + s * w, w)])


def _scatter_pass(idx_hbm, src_hbm, spmem, idx_vm, src_vm, sem,
                  tile_base, word_lo, span, sid):
    cols = [lax.iota(jnp.int32, L) + (u * L) for u in range(8)]
    uspan = jnp.uint32(span)
    pads = [CW + sid * 64 + ((u * L) & 63) + lax.iota(jnp.int32, L)
            for u in range(8)]

    def blk_body(blk, carry):
        off = tile_base + blk * BI
        d1 = pltpu.async_copy(idx_hbm.at[pl.ds(off, BI)], idx_vm, sem)
        d2 = pltpu.async_copy(src_hbm.at[pl.ds(off, BI)], src_vm, sem)
        d1.wait()
        d2.wait()

        def row_body(r, c2):
            for u in range(8):
                sl = pl.ds(r * 128 + u * L, L)
                idxv = idx_vm[sl]
                srcv = src_vm[sl]
                w = idxv * D + (cols[u] - word_lo)
                m = w.astype(jnp.uint32) < uspan
                idx_vm[sl] = jnp.where(m, w, pads[u])
                src_vm[sl] = jnp.where(m, srcv, jnp.float32(0))
            return c2

        lax.fori_loop(0, BI // 128, row_body, 0)

        pltpu.async_copy(src_vm, spmem.at[idx_vm], sem, add=True).wait()
        return carry

    lax.fori_loop(0, NBLK, blk_body, 0)


def _body(t_hbm, idx_hbm, src_hbm, out_hbm, spmem, idx_vm, src_vm, sem):
    core = lax.axis_index("c")
    s = lax.axis_index("s")
    tile_base = s * PER_TILE
    for cc in range(4):
        chunk = core * 4 + cc
        row_lo = chunk * CHUNK_ROWS
        word_lo = row_lo * D
        is_last = cc == 3

        if not is_last:
            _copy_rows(t_hbm, word_lo, spmem, 0, CHUNK_ROWS, s)
        else:
            @pl.when(core == 0)
            def _():
                _copy_rows(t_hbm, word_lo, spmem, 0, CHUNK_ROWS, s)

            @pl.when(core == 1)
            def _():
                _copy_rows(t_hbm, word_lo, spmem, 0, LAST_ROWS, s)

        plsc.subcore_barrier()

        if not is_last:
            _scatter_pass(idx_hbm, src_hbm, spmem, idx_vm, src_vm, sem,
                          tile_base, word_lo, CW, s)
        else:
            @pl.when(core == 0)
            def _():
                _scatter_pass(idx_hbm, src_hbm, spmem, idx_vm, src_vm, sem,
                              tile_base, word_lo, CW, s)

            @pl.when(core == 1)
            def _():
                _scatter_pass(idx_hbm, src_hbm, spmem, idx_vm, src_vm, sem,
                              tile_base, word_lo, LAST_ROWS * D, s)

        plsc.subcore_barrier()

        if not is_last:
            _copy_rows(spmem, 0, out_hbm, word_lo, CHUNK_ROWS, s)
        else:
            @pl.when(core == 0)
            def _():
                _copy_rows(spmem, 0, out_hbm, word_lo, CHUNK_ROWS, s)

            @pl.when(core == 1)
            def _():
                _copy_rows(spmem, 0, out_hbm, word_lo, LAST_ROWS, s)

        plsc.subcore_barrier()


@functools.partial(jax.jit, static_argnums=())
def _scatter_add_flat(t_flat, idx_flat, src_flat):
    f = pl.kernel(
        _body,
        out_type=jax.ShapeDtypeStruct((M * D,), jnp.float32),
        mesh=plsc.VectorSubcoreMesh(core_axis_name="c", subcore_axis_name="s",
                                    num_cores=NC, num_subcores=NS),
        scratch_types=[
            pltpu.VMEM_SHARED((CW + 1024,), jnp.float32),
            pltpu.VMEM((BI,), jnp.int32),
            pltpu.VMEM((BI,), jnp.float32),
            pltpu.SemaphoreType.DMA,
        ],
    )
    return f(t_flat, idx_flat, src_flat)


def kernel(t, dim, index, src):
    del dim
    out = _scatter_add_flat(t.reshape(-1), index.astype(jnp.int32).reshape(-1),
                            src.reshape(-1))
    return out.reshape(t.shape)

# --- scband reference (transcript-rebuilt; emitter-appended) ---
"""Pipeline reference for scband-single-op-11879879541196 (READ-ONLY COPY).

The authoritative reference and input builder live on the scoring server;
editing this copy changes nothing except your own understanding.
"""

import jax, jax.numpy as jnp
import numpy as np

M = 100000
D = 128
B = 16384

def setup_inputs(seed: int = 0) -> dict:
    key = jax.random.key(seed)
    k1, k2, k3 = jax.random.split(key, 3)
    t = jax.random.normal(k1, (M, D), dtype=jnp.float32)
    src = jax.random.normal(k2, (B, D), dtype=jnp.float32)
    index = jax.random.randint(k3, (B, D), 0, M, dtype=jnp.int64)
    return {"t": t, "dim": 0, "index": index, "src": src}

def reference(t, dim, index, src):
    # torch.ops.aten.scatter_add(t, dim=0, index, src):
    #   out[index[i, j], j] += src[i, j]
    # dim is 0 here (closed over structurally); faithful jax scatter-add.
    cols = jnp.broadcast_to(jnp.arange(src.shape[1]), index.shape)
    out = t.at[index, cols].add(src)
    return out

if __name__ == "__main__":
    import jax
    _d = setup_inputs()
    print(jax.jit(kernel)(*tuple(_d.values())))

</pallas_src>

<mosaic_0001>
#map = affine_map<(d0, d1) -> (0)>
module attributes {stable_mosaic.version = 14 : i64} {
  func.func @_body(%arg0: i32, %arg1: i32, %arg2: memref<12800000xf32, #tpu.memory_space<hbm>>, %arg3: memref<2097152xi32, #tpu.memory_space<hbm>>, %arg4: memref<2097152xf32, #tpu.memory_space<hbm>>, %arg5: memref<12800000xf32, #tpu.memory_space<hbm>>, %arg6: memref<1602560xf32, #tpu.memory_space<vmem_shared>>, %arg7: memref<8192xi32, #tpu.memory_space<vmem>>, %arg8: memref<8192xf32, #tpu.memory_space<vmem>>, %arg9: memref<!tpu.dma_semaphore, #tpu.memory_space<semaphore_mem>>) attributes {dimension_semantics = [#tpu.dimension_semantics<core_parallel>, #tpu.dimension_semantics<subcore_parallel>], iteration_bounds = array<i64: 2, 16>, scalar_prefetch = 0 : i64, scratch_operands = 4 : i64, tpu.core_type = #tpu.core_type<sc_vector_subcore>, window_params = [{transform_indices = #map}, {transform_indices = #map}, {transform_indices = #map}, {transform_indices = #map}]} {
    %mul3A = arith.constant 131072 : i32
    %mul3A_0 = arith.muli %arg1, %mul3A : i32
    %mul3A_1 = arith.constant 4 : i32
    %mul3A_2 = arith.muli %arg0, %mul3A_1 : i32
    %add3A = arith.constant 0 : i32
    %add3A_3 = arith.addi %mul3A_2, %add3A : i32
    %mul3A_4 = arith.constant 12512 : i32
    %mul3A_5 = arith.muli %add3A_3, %mul3A_4 : i32
    %mul3A_6 = arith.constant 128 : i32
    %mul3A_7 = arith.muli %mul3A_5, %mul3A_6 : i32
    %mul3A_8 = arith.constant 100096 : i32
    %mul3A_9 = arith.muli %arg1, %mul3A_8 : i32
    %add3A_10 = arith.addi %mul3A_7, %mul3A_9 : i32
    %mul3A_11 = arith.constant 100096 : i32
    %mul3A_12 = arith.muli %arg1, %mul3A_11 : i32
    %add3A_13 = arith.constant 0 : i32
    %add3A_14 = arith.addi %add3A_13, %mul3A_12 : i32
    "tpu.region"() ({
      %run_scoped3A = tpu.sem_alloc : memref<!tpu.dma_semaphore, #tpu.memory_space<semaphore_mem>>
      %dma_start3A = tpu.memref_slice %arg6[%add3A_14] : memref<1602560xf32, #tpu.memory_space<vmem_shared>> -> memref<100096xf32, #tpu.memory_space<vmem_shared>>
      %dma_start3A_443 = tpu.memref_slice %arg2[%add3A_10] : memref<12800000xf32, #tpu.memory_space<hbm>> -> memref<100096xf32, #tpu.memory_space<hbm>>
      tpu.enqueue_dma source(%dma_start3A_443 : memref<100096xf32, #tpu.memory_space<hbm>>) target(%dma_start3A : memref<100096xf32, #tpu.memory_space<vmem_shared>>) target_semaphore(%run_scoped3A : memref<!tpu.dma_semaphore, #tpu.memory_space<semaphore_mem>>)
      %dma_wait3A = tpu.memref_slice %arg6[%add3A_14] : memref<1602560xf32, #tpu.memory_space<vmem_shared>> -> memref<100096xf32, #tpu.memory_space<vmem_shared>>
      %dma_wait3A_444 = tpu.memref_slice %arg2[%add3A_10] : memref<12800000xf32, #tpu.memory_space<hbm>> -> memref<100096xf32, #tpu.memory_space<hbm>>
      tpu.wait_dma2 semaphore(%run_scoped3A : memref<!tpu.dma_semaphore, #tpu.memory_space<semaphore_mem>>) src(%dma_wait3A_444 : memref<100096xf32, #tpu.memory_space<hbm>>) dst(%dma_wait3A : memref<100096xf32, #tpu.memory_space<vmem_shared>>)
      tpu.yield
    }) : () -> ()
    %barrier3A = arith.constant 0 : index
    tpu.barrier barrier_id(%barrier3A)
    %iota3A = tpu.iota {dimensions = array<i32: 0>} : vector<16xi32>
    %add3A_15 = arith.constant 0 : i32
    %add3A_16 = vector.broadcast %add3A_15 : i32 to vector<16xi32>
    %add3A_17 = arith.addi %iota3A, %add3A_16 : vector<16xi32>
    %iota3A_18 = tpu.iota {dimensions = array<i32: 0>} : vector<16xi32>
    %add3A_19 = arith.constant 16 : i32
    %add3A_20 = vector.broadcast %add3A_19 : i32 to vector<16xi32>
    %add3A_21 = arith.addi %iota3A_18, %add3A_20 : vector<16xi32>
    %iota3A_22 = tpu.iota {dimensions = array<i32: 0>} : vector<16xi32>
    %add3A_23 = arith.constant 32 : i32
    %add3A_24 = vector.broadcast %add3A_23 : i32 to vector<16xi32>
    %add3A_25 = arith.addi %iota3A_22, %add3A_24 : vector<16xi32>
    %iota3A_26 = tpu.iota {dimensions = array<i32: 0>} : vector<16xi32>
    %add3A_27 = arith.constant 48 : i32
    %add3A_28 = vector.broadcast %add3A_27 : i32 to vector<16xi32>
    %add3A_29 = arith.addi %iota3A_26, %add3A_28 : vector<16xi32>
    %iota3A_30 = tpu.iota {dimensions = array<i32: 0>} : vector<16xi32>
    %add3A_31 = arith.constant 64 : i32
    %add3A_32 = vector.broadcast %add3A_31 : i32 to vector<16xi32>
    %add3A_33 = arith.addi %iota3A_30, %add3A_32 : vector<16xi32>
    %iota3A_34 = tpu.iota {dimensions = array<i32: 0>} : vector<16xi32>
    %add3A_35 = arith.constant 80 : i32
    %add3A_36 = vector.broadcast %add3A_35 : i32 to vector<16xi32>
    %add3A_37 = arith.addi %iota3A_34, %add3A_36 : vector<16xi32>
    %iota3A_38 = tpu.iota {dimensions = array<i32: 0>} : vector<16xi32>
    %add3A_39 = arith.constant 96 : i32
    %add3A_40 = vector.broadcast %add3A_39 : i32 to vector<16xi32>
    %add3A_41 = arith.addi %iota3A_38, %add3A_40 : vector<16xi32>
    %iota3A_42 = tpu.iota {dimensions = array<i32: 0>} : vector<16xi32>
    %add3A_43 = arith.constant 112 : i32
    %add3A_44 = vector.broadcast %add3A_43 : i32 to vector<16xi32>
    %add3A_45 = arith.addi %iota3A_42, %add3A_44 : vector<16xi32>
    %mul3A_46 = arith.constant 64 : i32
    %mul3A_47 = arith.muli %arg1, %mul3A_46 : i32
    %add3A_48 = arith.constant 1601536 : i32
    %add3A_49 = arith.addi %add3A_48, %mul3A_47 : i32
    %add3A_50 = arith.constant 0 : i32
    %add3A_51 = arith.addi %add3A_49, %add3A_50 : i32
    %iota3A_52 = tpu.iota {dimensions = array<i32: 0>} : vector<16xi32>
    %add3A_53 = vector.broadcast %add3A_51 : i32 to vector<16xi32>
    %add3A_54 = arith.addi %add3A_53, %iota3A_52 : vector<16xi32>
    %mul3A_55 = arith.constant 64 : i32
    %mul3A_56 = arith.muli %arg1, %mul3A_55 : i32
    %add3A_57 = arith.constant 1601536 : i32
    %add3A_58 = arith.addi %add3A_57, %mul3A_56 : i32
    %add3A_59 = arith.constant 16 : i32
    %add3A_60 = arith.addi %add3A_58, %add3A_59 : i32
    %iota3A_61 = tpu.iota {dimensions = array<i32: 0>} : vector<16xi32>
    %add3A_62 = vector.broadcast %add3A_60 : i32 to vector<16xi32>
    %add3A_63 = arith.addi %add3A_62, %iota3A_61 : vector<16xi32>
    %mul3A_64 = arith.constant 64 : i32
    %mul3A_65 = arith.muli %arg1, %mul3A_64 : i32
    %add3A_66 = arith.constant 1601536 : i32
    %add3A_67 = arith.addi %add3A_66, %mul3A_65 : i32
    %add3A_68 = arith.constant 32 : i32
    %add3A_69 = arith.addi %add3A_67, %add3A_68 : i32
    %iota3A_70 = tpu.iota {dimensions = array<i32: 0>} : vector<16xi32>
    %add3A_71 = vector.broadcast %add3A_69 : i32 to vector<16xi32>
    %add3A_72 = arith.addi %add3A_71, %iota3A_70 : vector<16xi32>
    %mul3A_73 = arith.constant 64 : i32
    %mul3A_74 = arith.muli %arg1, %mul3A_73 : i32
    %add3A_75 = arith.constant 1601536 : i32
    %add3A_76 = arith.addi %add3A_75, %mul3A_74 : i32
    %add3A_77 = arith.constant 48 : i32
    %add3A_78 = arith.addi %add3A_76, %add3A_77 : i32
    %iota3A_79 = tpu.iota {dimensions = array<i32: 0>} : vector<16xi32>
    %add3A_80 = vector.broadcast %add3A_78 : i32 to vector<16xi32>
    %add3A_81 = arith.addi %add3A_80, %iota3A_79 : vector<16xi32>
    %mul3A_82 = arith.constant 64 : i32
    %mul3A_83 = arith.muli %arg1, %mul3A_82 : i32
    %add3A_84 = arith.constant 1601536 : i32
    %add3A_85 = arith.addi %add3A_84, %mul3A_83 : i32
    %add3A_86 = arith.constant 0 : i32
    %add3A_87 = arith.addi %add3A_85, %add3A_86 : i32
    %iota3A_88 = tpu.iota {dimensions = array<i32: 0>} : vector<16xi32>
    %add3A_89 = vector.broadcast %add3A_87 : i32 to vector<16xi32>
    %add3A_90 = arith.addi %add3A_89, %iota3A_88 : vector<16xi32>
    %mul3A_91 = arith.constant 64 : i32
    %mul3A_92 = arith.muli %arg1, %mul3A_91 : i32
    %add3A_93 = arith.constant 1601536 : i32
    %add3A_94 = arith.addi %add3A_93, %mul3A_92 : i32
    %add3A_95 = arith.constant 16 : i32
    %add3A_96 = arith.addi %add3A_94, %add3A_95 : i32
    %iota3A_97 = tpu.iota {dimensions = array<i32: 0>} : vector<16xi32>
    %add3A_98 = vector.broadcast %add3A_96 : i32 to vector<16xi32>
    %add3A_99 = arith.addi %add3A_98, %iota3A_97 : vector<16xi32>
    %mul3A_100 = arith.constant 64 : i32
    %mul3A_101 = arith.muli %arg1, %mul3A_100 : i32
    %add3A_102 = arith.constant 1601536 : i32
    %add3A_103 = arith.addi %add3A_102, %mul3A_101 : i32
    %add3A_104 = arith.constant 32 : i32
    %add3A_105 = arith.addi %add3A_103, %add3A_104 : i32
    %iota3A_106 = tpu.iota {dimensions = array<i32: 0>} : vector<16xi32>
    %add3A_107 = vector.broadcast %add3A_105 : i32 to vector<16xi32>
    %add3A_108 = arith.addi %add3A_107, %iota3A_106 : vector<16xi32>
    %mul3A_109 = arith.constant 64 : i32
    %mul3A_110 = arith.muli %arg1, %mul3A_109 : i32
    %add3A_111 = arith.constant 1601536 : i32
    %add3A_112 = arith.addi %add3A_111, %mul3A_110 : i32
    %add3A_113 = arith.constant 48 : i32
    %add3A_114 = arith.addi %add3A_112, %add3A_113 : i32
    %iota3A_115 = tpu.iota {dimensions = array<i32: 0>} : vector<16xi32>
    %add3A_116 = vector.broadcast %add3A_114 : i32 to vector<16xi32>
    %add3A_117 = arith.addi %add3A_116, %iota3A_115 : vector<16xi32>
    %scan3A = arith.constant 0 : i32
    %scan3A_118 = arith.constant 1601536 : i32
    %scan3A_119 = arith.constant 0 : i32
    %scan3A_120 = arith.constant 16 : i32
    %scan3A_121 = arith.addi %scan3A_119, %scan3A_120 : i32
    %scan3A_122 = arith.constant 1 : i32
    scf.for %scan3A_443 = %scan3A_119 to %scan3A_121 step %scan3A_122  : i32 {
      %mul3A_444 = arith.constant 8192 : i32
      %mul3A_445 = arith.muli %scan3A_443, %mul3A_444 : i32
      %add3A_446 = arith.addi %mul3A_0, %mul3A_445 : i32
      %dma_start3A = tpu.memref_slice %arg3[%add3A_446] : memref<2097152xi32, #tpu.memory_space<hbm>> -> memref<8192xi32, #tpu.memory_space<hbm>>
      %dma_start3A_447 = tpu.memref_slice %arg3[%add3A_446] : memref<2097152xi32, #tpu.memory_space<hbm>> -> memref<8192xi32, #tpu.memory_space<hbm>>
      tpu.enqueue_dma source(%dma_start3A_447 : memref<8192xi32, #tpu.memory_space<hbm>>) target(%arg7 : memref<8192xi32, #tpu.memory_space<vmem>>) target_semaphore(%arg9 : memref<!tpu.dma_semaphore, #tpu.memory_space<semaphore_mem>>)
      %dma_start3A_448 = tpu.memref_slice %arg4[%add3A_446] : memref<2097152xf32, #tpu.memory_space<hbm>> -> memref<8192xf32, #tpu.memory_space<hbm>>
      %dma_start3A_449 = tpu.memref_slice %arg4[%add3A_446] : memref<2097152xf32, #tpu.memory_space<hbm>> -> memref<8192xf32, #tpu.memory_space<hbm>>
      tpu.enqueue_dma source(%dma_start3A_449 : memref<8192xf32, #tpu.memory_space<hbm>>) target(%arg8 : memref<8192xf32, #tpu.memory_space<vmem>>) target_semaphore(%arg9 : memref<!tpu.dma_semaphore, #tpu.memory_space<semaphore_mem>>)
      %dma_wait3A = tpu.memref_slice %arg3[%add3A_446] : memref<2097152xi32, #tpu.memory_space<hbm>> -> memref<8192xi32, #tpu.memory_space<hbm>>
      %dma_wait3A_450 = tpu.memref_slice %arg3[%add3A_446] : memref<2097152xi32, #tpu.memory_space<hbm>> -> memref<8192xi32, #tpu.memory_space<hbm>>
      tpu.wait_dma2 semaphore(%arg9 : memref<!tpu.dma_semaphore, #tpu.memory_space<semaphore_mem>>) src(%dma_wait3A_450 : memref<8192xi32, #tpu.memory_space<hbm>>) dst(%arg7 : memref<8192xi32, #tpu.memory_space<vmem>>)
      %dma_wait3A_451 = tpu.memref_slice %arg4[%add3A_446] : memref<2097152xf32, #tpu.memory_space<hbm>> -> memref<8192xf32, #tpu.memory_space<hbm>>
      %dma_wait3A_452 = tpu.memref_slice %arg4[%add3A_446] : memref<2097152xf32, #tpu.memory_space<hbm>> -> memref<8192xf32, #tpu.memory_space<hbm>>
      tpu.wait_dma2 semaphore(%arg9 : memref<!tpu.dma_semaphore, #tpu.memory_space<semaphore_mem>>) src(%dma_wait3A_452 : memref<8192xf32, #tpu.memory_space<hbm>>) dst(%arg8 : memref<8192xf32, #tpu.memory_space<vmem>>)
      %scan3A_453 = arith.constant 0 : i32
      %scan3A_454 = arith.constant 0 : i32
      %scan3A_455 = arith.constant 64 : i32
      %scan3A_456 = arith.addi %scan3A_454, %scan3A_455 : i32
      %scan3A_457 = arith.constant 1 : i32
      scf.for %scan3A_463 = %scan3A_454 to %scan3A_456 step %scan3A_457  : i32 {
        %mul3A_464 = arith.constant 128 : i32
        %mul3A_465 = arith.muli %scan3A_463, %mul3A_464 : i32
        %add3A_466 = arith.constant 0 : i32
        %add3A_467 = arith.addi %mul3A_465, %add3A_466 : i32
        %get3A = arith.index_cast %add3A_467 : i32 to index
        %get3A_468 = tpu.vector_load %arg7[%get3A] {strides = array<i32>} : memref<8192xi32, #tpu.memory_space<vmem>>, vector<16xi32>,
        %get3A_469 = vector.shape_cast %get3A_468 : vector<16xi32> to vector<16xi32>
        %get3A_470 = arith.index_cast %add3A_467 : i32 to index
        %get3A_471 = tpu.vector_load %arg8[%get3A_470] {strides = array<i32>} : memref<8192xf32, #tpu.memory_space<vmem>>, vector<16xf32>,
        %get3A_472 = vector.shape_cast %get3A_471 : vector<16xf32> to vector<16xf32>
        %mul3A_473 = arith.constant 128 : i32
        %mul3A_474 = vector.broadcast %mul3A_473 : i32 to vector<16xi32>
        %mul3A_475 = arith.muli %get3A_469, %mul3A_474 : vector<16xi32>
        %sub3A = vector.broadcast %mul3A_7 : i32 to vector<16xi32>
        %sub3A_476 = arith.subi %add3A_17, %sub3A : vector<16xi32>
        %add3A_477 = arith.addi %mul3A_475, %sub3A_476 : vector<16xi32>
        %lt3A = vector.broadcast %scan3A_118 : i32 to vector<16xi32>
        %lt3A_478 = arith.cmpi ult, %add3A_477, %lt3A : vector<16xi32>
        %select_n3A = arith.select %lt3A_478, %add3A_477, %add3A_54 : vector<16xi1>, vector<16xi32>
        %swap3A = arith.index_cast %add3A_467 : i32 to index
        %swap3A_479 = tpu.vector_load %arg7[%swap3A] {strides = array<i32>} : memref<8192xi32, #tpu.memory_space<vmem>>, vector<16xi32>,
        %swap3A_480 = vector.shape_cast %swap3A_479 : vector<16xi32> to vector<16xi32>
        %swap3A_481 = vector.shape_cast %select_n3A : vector<16xi32> to vector<16xi32>
        tpu.vector_store %arg7[%swap3A], %swap3A_481 {strides = array<i32>} : memref<8192xi32, #tpu.memory_space<vmem>>, vector<16xi32>,
        %jit3A = arith.constant 0.000000e+00 : f32
        %broadcast_in_dim3A = vector.broadcast %jit3A : f32 to vector<16xf32>
        %select_n3A_482 = arith.select %lt3A_478, %get3A_472, %broadcast_in_dim3A : vector<16xi1>, vector<16xf32>
        %swap3A_483 = arith.index_cast %add3A_467 : i32 to index
        %swap3A_484 = tpu.vector_load %arg8[%swap3A_483] {strides = array<i32>} : memref<8192xf32, #tpu.memory_space<vmem>>, vector<16xf32>,
        %swap3A_485 = vector.shape_cast %swap3A_484 : vector<16xf32> to vector<16xf32>
        %swap3A_486 = vector.shape_cast %select_n3A_482 : vector<16xf32> to vector<16xf32>
        tpu.vector_store %arg8[%swap3A_483], %swap3A_486 {strides = array<i32>} : memref<8192xf32, #tpu.memory_space<vmem>>, vector<16xf32>,
        %mul3A_487 = arith.constant 128 : i32
        %mul3A_488 = arith.muli %scan3A_463, %mul3A_487 : i32
        %add3A_489 = arith.constant 16 : i32
        %add3A_490 = arith.addi %mul3A_488, %add3A_489 : i32
        %get3A_491 = arith.index_cast %add3A_490 : i32 to index
        %get3A_492 = tpu.vector_load %arg7[%get3A_491] {strides = array<i32>} : memref<8192xi32, #tpu.memory_space<vmem>>, vector<16xi32>,
        %get3A_493 = vector.shape_cast %get3A_492 : vector<16xi32> to vector<16xi32>
        %get3A_494 = arith.index_cast %add3A_490 : i32 to index
        %get3A_495 = tpu.vector_load %arg8[%get3A_494] {strides = array<i32>} : memref<8192xf32, #tpu.memory_space<vmem>>, vector<16xf32>,
        %get3A_496 = vector.shape_cast %get3A_495 : vector<16xf32> to vector<16xf32>
        %mul3A_497 = arith.constant 128 : i32
        %mul3A_498 = vector.broadcast %mul3A_497 : i32 to vector<16xi32>
        %mul3A_499 = arith.muli %get3A_493, %mul3A_498 : vector<16xi32>
        %sub3A_500 = vector.broadcast %mul3A_7 : i32 to vector<16xi32>
        %sub3A_501 = arith.subi %add3A_21, %sub3A_500 : vector<16xi32>
        %add3A_502 = arith.addi %mul3A_499, %sub3A_501 : vector<16xi32>
        %lt3A_503 = vector.broadcast %scan3A_118 : i32 to vector<16xi32>
        %lt3A_504 = arith.cmpi ult, %add3A_502, %lt3A_503 : vector<16xi32>
        %select_n3A_505 = arith.select %lt3A_504, %add3A_502, %add3A_63 : vector<16xi1>, vector<16xi32>
        %swap3A_506 = arith.index_cast %add3A_490 : i32 to index
        %swap3A_507 = tpu.vector_load %arg7[%swap3A_506] {strides = array<i32>} : memref<8192xi32, #tpu.memory_space<vmem>>, vector<16xi32>,
        %swap3A_508 = vector.shape_cast %swap3A_507 : vector<16xi32> to vector<16xi32>
        %swap3A_509 = vector.shape_cast %select_n3A_505 : vector<16xi32> to vector<16xi32>
        tpu.vector_store %arg7[%swap3A_506], %swap3A_509 {strides = array<i32>} : memref<8192xi32, #tpu.memory_space<vmem>>, vector<16xi32>,
        %jit3A_510 = arith.constant 0.000000e+00 : f32
        %broadcast_in_dim3A_511 = vector.broadcast %jit3A_510 : f32 to vector<16xf32>
        %select_n3A_512 = arith.select %lt3A_504, %get3A_496, %broadcast_in_dim3A_511 : vector<16xi1>, vector<16xf32>
        %swap3A_513 = arith.index_cast %add3A_490 : i32 to index
        %swap3A_514 = tpu.vector_load %arg8[%swap3A_513] {strides = array<i32>} : memref<8192xf32, #tpu.memory_space<vmem>>, vector<16xf32>,
        %swap3A_515 = vector.shape_cast %swap3A_514 : vector<16xf32> to vector<16xf32>
        %swap3A_516 = vector.shape_cast %select_n3A_512 : vector<16xf32> to vector<16xf32>
        tpu.vector_store %arg8[%swap3A_513], %swap3A_516 {strides = array<i32>} : memref<8192xf32, #tpu.memory_space<vmem>>, vector<16xf32>,
        %mul3A_517 = arith.constant 128 : i32
        %mul3A_518 = arith.muli %scan3A_463, %mul3A_517 : i32
        %add3A_519 = arith.constant 32 : i32
        %add3A_520 = arith.addi %mul3A_518, %add3A_519 : i32
        %get3A_521 = arith.index_cast %add3A_520 : i32 to index
        %get3A_522 = tpu.vector_load %arg7[%get3A_521] {strides = array<i32>} : memref<8192xi32, #tpu.memory_space<vmem>>, vector<16xi32>,
        %get3A_523 = vector.shape_cast %get3A_522 : vector<16xi32> to vector<16xi32>
        %get3A_524 = arith.index_cast %add3A_520 : i32 to index
        %get3A_525 = tpu.vector_load %arg8[%get3A_524] {strides = array<i32>} : memref<8192xf32, #tpu.memory_space<vmem>>, vector<16xf32>,
        %get3A_526 = vector.shape_cast %get3A_525 : vector<16xf32> to vector<16xf32>
        %mul3A_527 = arith.constant 128 : i32
        %mul3A_528 = vector.broadcast %mul3A_527 : i32 to vector<16xi32>
        %mul3A_529 = arith.muli %get3A_523, %mul3A_528 : vector<16xi32>
        %sub3A_530 = vector.broadcast %mul3A_7 : i32 to vector<16xi32>
        %sub3A_531 = arith.subi %add3A_25, %sub3A_530 : vector<16xi32>
        %add3A_532 = arith.addi %mul3A_529, %sub3A_531 : vector<16xi32>
        %lt3A_533 = vector.broadcast %scan3A_118 : i32 to vector<16xi32>
        %lt3A_534 = arith.cmpi ult, %add3A_532, %lt3A_533 : vector<16xi32>
        %select_n3A_535 = arith.select %lt3A_534, %add3A_532, %add3A_72 : vector<16xi1>, vector<16xi32>
        %swap3A_536 = arith.index_cast %add3A_520 : i32 to index
        %swap3A_537 = tpu.vector_load %arg7[%swap3A_536] {strides = array<i32>} : memref<8192xi32, #tpu.memory_space<vmem>>, vector<16xi32>,
        %swap3A_538 = vector.shape_cast %swap3A_537 : vector<16xi32> to vector<16xi32>
        %swap3A_539 = vector.shape_cast %select_n3A_535 : vector<16xi32> to vector<16xi32>
        tpu.vector_store %arg7[%swap3A_536], %swap3A_539 {strides = array<i32>} : memref<8192xi32, #tpu.memory_space<vmem>>, vector<16xi32>,
        %jit3A_540 = arith.constant 0.000000e+00 : f32
        %broadcast_in_dim3A_541 = vector.broadcast %jit3A_540 : f32 to vector<16xf32>
        %select_n3A_542 = arith.select %lt3A_534, %get3A_526, %broadcast_in_dim3A_541 : vector<16xi1>, vector<16xf32>
        %swap3A_543 = arith.index_cast %add3A_520 : i32 to index
        %swap3A_544 = tpu.vector_load %arg8[%swap3A_543] {strides = array<i32>} : memref<8192xf32, #tpu.memory_space<vmem>>, vector<16xf32>,
        %swap3A_545 = vector.shape_cast %swap3A_544 : vector<16xf32> to vector<16xf32>
        %swap3A_546 = vector.shape_cast %select_n3A_542 : vector<16xf32> to vector<16xf32>
        tpu.vector_store %arg8[%swap3A_543], %swap3A_546 {strides = array<i32>} : memref<8192xf32, #tpu.memory_space<vmem>>, vector<16xf32>,
        %mul3A_547 = arith.constant 128 : i32
        %mul3A_548 = arith.muli %scan3A_463, %mul3A_547 : i32
        %add3A_549 = arith.constant 48 : i32
        %add3A_550 = arith.addi %mul3A_548, %add3A_549 : i32
        %get3A_551 = arith.index_cast %add3A_550 : i32 to index
        %get3A_552 = tpu.vector_load %arg7[%get3A_551] {strides = array<i32>} : memref<8192xi32, #tpu.memory_space<vmem>>, vector<16xi32>,
        %get3A_553 = vector.shape_cast %get3A_552 : vector<16xi32> to vector<16xi32>
        %get3A_554 = arith.index_cast %add3A_550 : i32 to index
        %get3A_555 = tpu.vector_load %arg8[%get3A_554] {strides = array<i32>} : memref<8192xf32, #tpu.memory_space<vmem>>, vector<16xf32>,
        %get3A_556 = vector.shape_cast %get3A_555 : vector<16xf32> to vector<16xf32>
        %mul3A_557 = arith.constant 128 : i32
        %mul3A_558 = vector.broadcast %mul3A_557 : i32 to vector<16xi32>
        %mul3A_559 = arith.muli %get3A_553, %mul3A_558 : vector<16xi32>
        %sub3A_560 = vector.broadcast %mul3A_7 : i32 to vector<16xi32>
        %sub3A_561 = arith.subi %add3A_29, %sub3A_560 : vector<16xi32>
        %add3A_562 = arith.addi %mul3A_559, %sub3A_561 : vector<16xi32>
        %lt3A_563 = vector.broadcast %scan3A_118 : i32 to vector<16xi32>
        %lt3A_564 = arith.cmpi ult, %add3A_562, %lt3A_563 : vector<16xi32>
        %select_n3A_565 = arith.select %lt3A_564, %add3A_562, %add3A_81 : vector<16xi1>, vector<16xi32>
        %swap3A_566 = arith.index_cast %add3A_550 : i32 to index
        %swap3A_567 = tpu.vector_load %arg7[%swap3A_566] {strides = array<i32>} : memref<8192xi32, #tpu.memory_space<vmem>>, vector<16xi32>,
        %swap3A_568 = vector.shape_cast %swap3A_567 : vector<16xi32> to vector<16xi32>
        %swap3A_569 = vector.shape_cast %select_n3A_565 : vector<16xi32> to vector<16xi32>
        tpu.vector_store %arg7[%swap3A_566], %swap3A_569 {strides = array<i32>} : memref<8192xi32, #tpu.memory_space<vmem>>, vector<16xi32>,
        %jit3A_570 = arith.constant 0.000000e+00 : f32
        %broadcast_in_dim3A_571 = vector.broadcast %jit3A_570 : f32 to vector<16xf32>
        %select_n3A_572 = arith.select %lt3A_564, %get3A_556, %broadcast_in_dim3A_571 : vector<16xi1>, vector<16xf32>
        %swap3A_573 = arith.index_cast %add3A_550 : i32 to index
        %swap3A_574 = tpu.vector_load %arg8[%swap3A_573] {strides = array<i32>} : memref<8192xf32, #tpu.memory_space<vmem>>, vector<16xf32>,
        %swap3A_575 = vector.shape_cast %swap3A_574 : vector<16xf32> to vector<16xf32>
        %swap3A_576 = vector.shape_cast %select_n3A_572 : vector<16xf32> to vector<16xf32>
        tpu.vector_store %arg8[%swap3A_573], %swap3A_576 {strides = array<i32>} : memref<8192xf32, #tpu.memory_space<vmem>>, vector<16xf32>,
        %mul3A_577 = arith.constant 128 : i32
        %mul3A_578 = arith.muli %scan3A_463, %mul3A_577 : i32
        %add3A_579 = arith.constant 64 : i32
        %add3A_580 = arith.addi %mul3A_578, %add3A_579 : i32
        %get3A_581 = arith.index_cast %add3A_580 : i32 to index
        %get3A_582 = tpu.vector_load %arg7[%get3A_581] {strides = array<i32>} : memref<8192xi32, #tpu.memory_space<vmem>>, vector<16xi32>,
        %get3A_583 = vector.shape_cast %get3A_582 : vector<16xi32> to vector<16xi32>
        %get3A_584 = arith.index_cast %add3A_580 : i32 to index
        %get3A_585 = tpu.vector_load %arg8[%get3A_584] {strides = array<i32>} : memref<8192xf32, #tpu.memory_space<vmem>>, vector<16xf32>,
        %get3A_586 = vector.shape_cast %get3A_585 : vector<16xf32> to vector<16xf32>
        %mul3A_587 = arith.constant 128 : i32
        %mul3A_588 = vector.broadcast %mul3A_587 : i32 to vector<16xi32>
        %mul3A_589 = arith.muli %get3A_583, %mul3A_588 : vector<16xi32>
        %sub3A_590 = vector.broadcast %mul3A_7 : i32 to vector<16xi32>
        %sub3A_591 = arith.subi %add3A_33, %sub3A_590 : vector<16xi32>
        %add3A_592 = arith.addi %mul3A_589, %sub3A_591 : vector<16xi32>
        %lt3A_593 = vector.broadcast %scan3A_118 : i32 to vector<16xi32>
        %lt3A_594 = arith.cmpi ult, %add3A_592, %lt3A_593 : vector<16xi32>
        %select_n3A_595 = arith.select %lt3A_594, %add3A_592, %add3A_90 : vector<16xi1>, vector<16xi32>
        %swap3A_596 = arith.index_cast %add3A_580 : i32 to index
        %swap3A_597 = tpu.vector_load %arg7[%swap3A_596] {strides = array<i32>} : memref<8192xi32, #tpu.memory_space<vmem>>, vector<16xi32>,
        %swap3A_598 = vector.shape_cast %swap3A_597 : vector<16xi32> to vector<16xi32>
        %swap3A_599 = vector.shape_cast %select_n3A_595 : vector<16xi32> to vector<16xi32>
        tpu.vector_store %arg7[%swap3A_596], %swap3A_599 {strides = array<i32>} : memref<8192xi32, #tpu.memory_space<vmem>>, vector<16xi32>,
        %jit3A_600 = arith.constant 0.000000e+00 : f32
        %broadcast_in_dim3A_601 = vector.broadcast %jit3A_600 : f32 to vector<16xf32>
        %select_n3A_602 = arith.select %lt3A_594, %get3A_586, %broadcast_in_dim3A_601 : vector<16xi1>, vector<16xf32>
        %swap3A_603 = arith.index_cast %add3A_580 : i32 to index
        %swap3A_604 = tpu.vector_load %arg8[%swap3A_603] {strides = array<i32>} : memref<8192xf32, #tpu.memory_space<vmem>>, vector<16xf32>,
        %swap3A_605 = vector.shape_cast %swap3A_604 : vector<16xf32> to vector<16xf32>
        %swap3A_606 = vector.shape_cast %select_n3A_602 : vector<16xf32> to vector<16xf32>
        tpu.vector_store %arg8[%swap3A_603], %swap3A_606 {strides = array<i32>} : memref<8192xf32, #tpu.memory_space<vmem>>, vector<16xf32>,
        %mul3A_607 = arith.constant 128 : i32
        %mul3A_608 = arith.muli %scan3A_463, %mul3A_607 : i32
        %add3A_609 = arith.constant 80 : i32
        %add3A_610 = arith.addi %mul3A_608, %add3A_609 : i32
        %get3A_611 = arith.index_cast %add3A_610 : i32 to index
        %get3A_612 = tpu.vector_load %arg7[%get3A_611] {strides = array<i32>} : memref<8192xi32, #tpu.memory_space<vmem>>, vector<16xi32>,
        %get3A_613 = vector.shape_cast %get3A_612 : vector<16xi32> to vector<16xi32>
        %get3A_614 = arith.index_cast %add3A_610 : i32 to index
        %get3A_615 = tpu.vector_load %arg8[%get3A_614] {strides = array<i32>} : memref<8192xf32, #tpu.memory_space<vmem>>, vector<16xf32>,
        %get3A_616 = vector.shape_cast %get3A_615 : vector<16xf32> to vector<16xf32>
        %mul3A_617 = arith.constant 128 : i32
        %mul3A_618 = vector.broadcast %mul3A_617 : i32 to vector<16xi32>
        %mul3A_619 = arith.muli %get3A_613, %mul3A_618 : vector<16xi32>
        %sub3A_620 = vector.broadcast %mul3A_7 : i32 to vector<16xi32>
        %sub3A_621 = arith.subi %add3A_37, %sub3A_620 : vector<16xi32>
        %add3A_622 = arith.addi %mul3A_619, %sub3A_621 : vector<16xi32>
        %lt3A_623 = vector.broadcast %scan3A_118 : i32 to vector<16xi32>
        %lt3A_624 = arith.cmpi ult, %add3A_622, %lt3A_623 : vector<16xi32>
        %select_n3A_625 = arith.select %lt3A_624, %add3A_622, %add3A_99 : vector<16xi1>, vector<16xi32>
        %swap3A_626 = arith.index_cast %add3A_610 : i32 to index
        %swap3A_627 = tpu.vector_load %arg7[%swap3A_626] {strides = array<i32>} : memref<8192xi32, #tpu.memory_space<vmem>>, vector<16xi32>,
        %swap3A_628 = vector.shape_cast %swap3A_627 : vector<16xi32> to vector<16xi32>
        %swap3A_629 = vector.shape_cast %select_n3A_625 : vector<16xi32> to vector<16xi32>
        tpu.vector_store %arg7[%swap3A_626], %swap3A_629 {strides = array<i32>} : memref<8192xi32, #tpu.memory_space<vmem>>, vector<16xi32>,
        %jit3A_630 = arith.constant 0.000000e+00 : f32
        %broadcast_in_dim3A_631 = vector.broadcast %jit3A_630 : f32 to vector<16xf32>
        %select_n3A_632 = arith.select %lt3A_624, %get3A_616, %broadcast_in_dim3A_631 : vector<16xi1>, vector<16xf32>
        %swap3A_633 = arith.index_cast %add3A_610 : i32 to index
        %swap3A_634 = tpu.vector_load %arg8[%swap3A_633] {strides = array<i32>} : memref<8192xf32, #tpu.memory_space<vmem>>, vector<16xf32>,
        %swap3A_635 = vector.shape_cast %swap3A_634 : vector<16xf32> to vector<16xf32>
        %swap3A_636 = vector.shape_cast %select_n3A_632 : vector<16xf32> to vector<16xf32>
        tpu.vector_store %arg8[%swap3A_633], %swap3A_636 {strides = array<i32>} : memref<8192xf32, #tpu.memory_space<vmem>>, vector<16xf32>,
        %mul3A_637 = arith.constant 128 : i32
        %mul3A_638 = arith.muli %scan3A_463, %mul3A_637 : i32
        %add3A_639 = arith.constant 96 : i32
        %add3A_640 = arith.addi %mul3A_638, %add3A_639 : i32
        %get3A_641 = arith.index_cast %add3A_640 : i32 to index
        %get3A_642 = tpu.vector_load %arg7[%get3A_641] {strides = array<i32>} : memref<8192xi32, #tpu.memory_space<vmem>>, vector<16xi32>,
        %get3A_643 = vector.shape_cast %get3A_642 : vector<16xi32> to vector<16xi32>
        %get3A_644 = arith.index_cast %add3A_640 : i32 to index
        %get3A_645 = tpu.vector_load %arg8[%get3A_644] {strides = array<i32>} : memref<8192xf32, #tpu.memory_space<vmem>>, vector<16xf32>,
        %get3A_646 = vector.shape_cast %get3A_645 : vector<16xf32> to vector<16xf32>
        %mul3A_647 = arith.constant 128 : i32
        %mul3A_648 = vector.broadcast %mul3A_647 : i32 to vector<16xi32>
        %mul3A_649 = arith.muli %get3A_643, %mul3A_648 : vector<16xi32>
        %sub3A_650 = vector.broadcast %mul3A_7 : i32 to vector<16xi32>
        %sub3A_651 = arith.subi %add3A_41, %sub3A_650 : vector<16xi32>
        %add3A_652 = arith.addi %mul3A_649, %sub3A_651 : vector<16xi32>
        %lt3A_653 = vector.broadcast %scan3A_118 : i32 to vector<16xi32>
        %lt3A_654 = arith.cmpi ult, %add3A_652, %lt3A_653 : vector<16xi32>
        %select_n3A_655 = arith.select %lt3A_654, %add3A_652, %add3A_108 : vector<16xi1>, vector<16xi32>
        %swap3A_656 = arith.index_cast %add3A_640 : i32 to index
        %swap3A_657 = tpu.vector_load %arg7[%swap3A_656] {strides = array<i32>} : memref<8192xi32, #tpu.memory_space<vmem>>, vector<16xi32>,
        %swap3A_658 = vector.shape_cast %swap3A_657 : vector<16xi32> to vector<16xi32>
        %swap3A_659 = vector.shape_cast %select_n3A_655 : vector<16xi32> to vector<16xi32>
        tpu.vector_store %arg7[%swap3A_656], %swap3A_659 {strides = array<i32>} : memref<8192xi32, #tpu.memory_space<vmem>>, vector<16xi32>,
        %jit3A_660 = arith.constant 0.000000e+00 : f32
        %broadcast_in_dim3A_661 = vector.broadcast %jit3A_660 : f32 to vector<16xf32>
        %select_n3A_662 = arith.select %lt3A_654, %get3A_646, %broadcast_in_dim3A_661 : vector<16xi1>, vector<16xf32>
        %swap3A_663 = arith.index_cast %add3A_640 : i32 to index
        %swap3A_664 = tpu.vector_load %arg8[%swap3A_663] {strides = array<i32>} : memref<8192xf32, #tpu.memory_space<vmem>>, vector<16xf32>,
        %swap3A_665 = vector.shape_cast %swap3A_664 : vector<16xf32> to vector<16xf32>
        %swap3A_666 = vector.shape_cast %select_n3A_662 : vector<16xf32> to vector<16xf32>
        tpu.vector_store %arg8[%swap3A_663], %swap3A_666 {strides = array<i32>} : memref<8192xf32, #tpu.memory_space<vmem>>, vector<16xf32>,
        %mul3A_667 = arith.constant 128 : i32
        %mul3A_668 = arith.muli %scan3A_463, %mul3A_667 : i32
        %add3A_669 = arith.constant 112 : i32
        %add3A_670 = arith.addi %mul3A_668, %add3A_669 : i32
        %get3A_671 = arith.index_cast %add3A_670 : i32 to index
        %get3A_672 = tpu.vector_load %arg7[%get3A_671] {strides = array<i32>} : memref<8192xi32, #tpu.memory_space<vmem>>, vector<16xi32>,
        %get3A_673 = vector.shape_cast %get3A_672 : vector<16xi32> to vector<16xi32>
        %get3A_674 = arith.index_cast %add3A_670 : i32 to index
        %get3A_675 = tpu.vector_load %arg8[%get3A_674] {strides = array<i32>} : memref<8192xf32, #tpu.memory_space<vmem>>, vector<16xf32>,
        %get3A_676 = vector.shape_cast %get3A_675 : vector<16xf32> to vector<16xf32>
        %mul3A_677 = arith.constant 128 : i32
        %mul3A_678 = vector.broadcast %mul3A_677 : i32 to vector<16xi32>
        %mul3A_679 = arith.muli %get3A_673, %mul3A_678 : vector<16xi32>
        %sub3A_680 = vector.broadcast %mul3A_7 : i32 to vector<16xi32>
        %sub3A_681 = arith.subi %add3A_45, %sub3A_680 : vector<16xi32>
        %add3A_682 = arith.addi %mul3A_679, %sub3A_681 : vector<16xi32>
        %lt3A_683 = vector.broadcast %scan3A_118 : i32 to vector<16xi32>
        %lt3A_684 = arith.cmpi ult, %add3A_682, %lt3A_683 : vector<16xi32>
        %select_n3A_685 = arith.select %lt3A_684, %add3A_682, %add3A_117 : vector<16xi1>, vector<16xi32>
        %swap3A_686 = arith.index_cast %add3A_670 : i32 to index
        %swap3A_687 = tpu.vector_load %arg7[%swap3A_686] {strides = array<i32>} : memref<8192xi32, #tpu.memory_space<vmem>>, vector<16xi32>,
        %swap3A_688 = vector.shape_cast %swap3A_687 : vector<16xi32> to vector<16xi32>
        %swap3A_689 = vector.shape_cast %select_n3A_685 : vector<16xi32> to vector<16xi32>
        tpu.vector_store %arg7[%swap3A_686], %swap3A_689 {strides = array<i32>} : memref<8192xi32, #tpu.memory_space<vmem>>, vector<16xi32>,
        %jit3A_690 = arith.constant 0.000000e+00 : f32
        %broadcast_in_dim3A_691 = vector.broadcast %jit3A_690 : f32 to vector<16xf32>
        %select_n3A_692 = arith.select %lt3A_684, %get3A_676, %broadcast_in_dim3A_691 : vector<16xi1>, vector<16xf32>
        %swap3A_693 = arith.index_cast %add3A_670 : i32 to index
        %swap3A_694 = tpu.vector_load %arg8[%swap3A_693] {strides = array<i32>} : memref<8192xf32, #tpu.memory_space<vmem>>, vector<16xf32>,
        %swap3A_695 = vector.shape_cast %swap3A_694 : vector<16xf32> to vector<16xf32>
        %swap3A_696 = vector.shape_cast %select_n3A_692 : vector<16xf32> to vector<16xf32>
        tpu.vector_store %arg8[%swap3A_693], %swap3A_696 {strides = array<i32>} : memref<8192xf32, #tpu.memory_space<vmem>>, vector<16xf32>,
      }
      %scan3A_458 = arith.constant 64 : i32
      %dma_start3A_459 = arith.constant 0 : i32
      %dma_start3A_460 = tpu.memref_slice %arg6[%dma_start3A_459] : memref<1602560xf32, #tpu.memory_space<vmem_shared>> -> memref<1602560xf32, #tpu.memory_space<vmem_shared>>
      tpu.enqueue_indirect_dma source(%arg8 : memref<8192xf32, #tpu.memory_space<vmem>>) target(%dma_start3A_460 : memref<1602560xf32, #tpu.memory_space<vmem_shared>>) offsets(%arg7 : memref<8192xi32, #tpu.memory_space<vmem>>) semaphore(%arg9 : memref<!tpu.dma_semaphore, #tpu.memory_space<semaphore_mem>>) {add = true}
      %dma_wait3A_461 = arith.constant 0 : i32
      %dma_wait3A_462 = tpu.memref_slice %arg6[%dma_wait3A_461] : memref<1602560xf32, #tpu.memory_space<vmem_shared>> -> memref<1602560xf32, #tpu.memory_space<vmem_shared>>
      tpu.wait_indirect_dma semaphore(%arg9 : memref<!tpu.dma_semaphore, #tpu.memory_space<semaphore_mem>>) src(%arg8 : memref<8192xf32, #tpu.memory_space<vmem>>) dst(%dma_wait3A_462 : memref<1602560xf32, #tpu.memory_space<vmem_shared>>)
    }
    %scan3A_123 = arith.constant 16 : i32
    %barrier3A_124 = arith.constant 0 : index
    tpu.barrier barrier_id(%barrier3A_124)
    %mul3A_125 = arith.constant 100096 : i32
    %mul3A_126 = arith.muli %arg1, %mul3A_125 : i32
    %add3A_127 = arith.constant 0 : i32
    %add3A_128 = arith.addi %add3A_127, %mul3A_126 : i32
    %mul3A_129 = arith.constant 100096 : i32
    %mul3A_130 = arith.muli %arg1, %mul3A_129 : i32
    %add3A_131 = arith.addi %mul3A_7, %mul3A_130 : i32
    "tpu.region"() ({
      %run_scoped3A = tpu.sem_alloc : memref<!tpu.dma_semaphore, #tpu.memory_space<semaphore_mem>>
      %dma_start3A = tpu.memref_slice %arg5[%add3A_131] : memref<12800000xf32, #tpu.memory_space<hbm>> -> memref<100096xf32, #tpu.memory_space<hbm>>
      %dma_start3A_443 = tpu.memref_slice %arg6[%add3A_128] : memref<1602560xf32, #tpu.memory_space<vmem_shared>> -> memref<100096xf32, #tpu.memory_space<vmem_shared>>
      tpu.enqueue_dma source(%dma_start3A_443 : memref<100096xf32, #tpu.memory_space<vmem_shared>>) target(%dma_start3A : memref<100096xf32, #tpu.memory_space<hbm>>) target_semaphore(%run_scoped3A : memref<!tpu.dma_semaphore, #tpu.memory_space<semaphore_mem>>)
      %dma_wait3A = tpu.memref_slice %arg5[%add3A_131] : memref<12800000xf32, #tpu.memory_space<hbm>> -> memref<100096xf32, #tpu.memory_space<hbm>>
      %dma_wait3A_444 = tpu.memref_slice %arg6[%add3A_128] : memref<1602560xf32, #tpu.memory_space<vmem_shared>> -> memref<100096xf32, #tpu.memory_space<vmem_shared>>
      tpu.wait_dma2 semaphore(%run_scoped3A : memref<!tpu.dma_semaphore, #tpu.memory_space<semaphore_mem>>) src(%dma_wait3A_444 : memref<100096xf32, #tpu.memory_space<vmem_shared>>) dst(%dma_wait3A : memref<100096xf32, #tpu.memory_space<hbm>>)
      tpu.yield
    }) : () -> ()
    %barrier3A_132 = arith.constant 0 : index
    tpu.barrier barrier_id(%barrier3A_132)
    %mul3A_133 = arith.constant 4 : i32
    %mul3A_134 = arith.muli %arg0, %mul3A_133 : i32
    %add3A_135 = arith.constant 1 : i32
    %add3A_136 = arith.addi %mul3A_134, %add3A_135 : i32
    %mul3A_137 = arith.constant 12512 : i32
    %mul3A_138 = arith.muli %add3A_136, %mul3A_137 : i32
    %mul3A_139 = arith.constant 128 : i32
    %mul3A_140 = arith.muli %mul3A_138, %mul3A_139 : i32
    %mul3A_141 = arith.constant 100096 : i32
    %mul3A_142 = arith.muli %arg1, %mul3A_141 : i32
    %add3A_143 = arith.addi %mul3A_140, %mul3A_142 : i32
    %mul3A_144 = arith.constant 100096 : i32
    %mul3A_145 = arith.muli %arg1, %mul3A_144 : i32
    %add3A_146 = arith.constant 0 : i32
    %add3A_147 = arith.addi %add3A_146, %mul3A_145 : i32
    "tpu.region"() ({
      %run_scoped3A = tpu.sem_alloc : memref<!tpu.dma_semaphore, #tpu.memory_space<semaphore_mem>>
      %dma_start3A = tpu.memref_slice %arg6[%add3A_147] : memref<1602560xf32, #tpu.memory_space<vmem_shared>> -> memref<100096xf32, #tpu.memory_space<vmem_shared>>
      %dma_start3A_443 = tpu.memref_slice %arg2[%add3A_143] : memref<12800000xf32, #tpu.memory_space<hbm>> -> memref<100096xf32, #tpu.memory_space<hbm>>
      tpu.enqueue_dma source(%dma_start3A_443 : memref<100096xf32, #tpu.memory_space<hbm>>) target(%dma_start3A : memref<100096xf32, #tpu.memory_space<vmem_shared>>) target_semaphore(%run_scoped3A : memref<!tpu.dma_semaphore, #tpu.memory_space<semaphore_mem>>)
      %dma_wait3A = tpu.memref_slice %arg6[%add3A_147] : memref<1602560xf32, #tpu.memory_space<vmem_shared>> -> memref<100096xf32, #tpu.memory_space<vmem_shared>>
      %dma_wait3A_444 = tpu.memref_slice %arg2[%add3A_143] : memref<12800000xf32, #tpu.memory_space<hbm>> -> memref<100096xf32, #tpu.memory_space<hbm>>
      tpu.wait_dma2 semaphore(%run_scoped3A : memref<!tpu.dma_semaphore, #tpu.memory_space<semaphore_mem>>) src(%dma_wait3A_444 : memref<100096xf32, #tpu.memory_space<hbm>>) dst(%dma_wait3A : memref<100096xf32, #tpu.memory_space<vmem_shared>>)
      tpu.yield
    }) : () -> ()
    %barrier3A_148 = arith.constant 0 : index
    tpu.barrier barrier_id(%barrier3A_148)
    %iota3A_149 = tpu.iota {dimensions = array<i32: 0>} : vector<16xi32>
    %add3A_150 = arith.constant 0 : i32
    %add3A_151 = vector.broadcast %add3A_150 : i32 to vector<16xi32>
    %add3A_152 = arith.addi %iota3A_149, %add3A_151 : vector<16xi32>
    %iota3A_153 = tpu.iota {dimensions = array<i32: 0>} : vector<16xi32>
    %add3A_154 = arith.constant 16 : i32
    %add3A_155 = vector.broadcast %add3A_154 : i32 to vector<16xi32>
    %add3A_156 = arith.addi %iota3A_153, %add3A_155 : vector<16xi32>
    %iota3A_157 = tpu.iota {dimensions = array<i32: 0>} : vector<16xi32>
    %add3A_158 = arith.constant 32 : i32
    %add3A_159 = vector.broadcast %add3A_158 : i32 to vector<16xi32>
    %add3A_160 = arith.addi %iota3A_157, %add3A_159 : vector<16xi32>
    %iota3A_161 = tpu.iota {dimensions = array<i32: 0>} : vector<16xi32>
    %add3A_162 = arith.constant 48 : i32
    %add3A_163 = vector.broadcast %add3A_162 : i32 to vector<16xi32>
    %add3A_164 = arith.addi %iota3A_161, %add3A_163 : vector<16xi32>
    %iota3A_165 = tpu.iota {dimensions = array<i32: 0>} : vector<16xi32>
    %add3A_166 = arith.constant 64 : i32
    %add3A_167 = vector.broadcast %add3A_166 : i32 to vector<16xi32>
    %add3A_168 = arith.addi %iota3A_165, %add3A_167 : vector<16xi32>
    %iota3A_169 = tpu.iota {dimensions = array<i32: 0>} : vector<16xi32>
    %add3A_170 = arith.constant 80 : i32
    %add3A_171 = vector.broadcast %add3A_170 : i32 to vector<16xi32>
    %add3A_172 = arith.addi %iota3A_169, %add3A_171 : vector<16xi32>
    %iota3A_173 = tpu.iota {dimensions = array<i32: 0>} : vector<16xi32>
    %add3A_174 = arith.constant 96 : i32
    %add3A_175 = vector.broadcast %add3A_174 : i32 to vector<16xi32>
    %add3A_176 = arith.addi %iota3A_173, %add3A_175 : vector<16xi32>
    %iota3A_177 = tpu.iota {dimensions = array<i32: 0>} : vector<16xi32>
    %add3A_178 = arith.constant 112 : i32
    %add3A_179 = vector.broadcast %add3A_178 : i32 to vector<16xi32>
    %add3A_180 = arith.addi %iota3A_177, %add3A_179 : vector<16xi32>
    %mul3A_181 = arith.constant 64 : i32
    %mul3A_182 = arith.muli %arg1, %mul3A_181 : i32
    %add3A_183 = arith.constant 1601536 : i32
    %add3A_184 = arith.addi %add3A_183, %mul3A_182 : i32
    %add3A_185 = arith.constant 0 : i32
    %add3A_186 = arith.addi %add3A_184, %add3A_185 : i32
    %iota3A_187 = tpu.iota {dimensions = array<i32: 0>} : vector<16xi32>
    %add3A_188 = vector.broadcast %add3A_186 : i32 to vector<16xi32>
    %add3A_189 = arith.addi %add3A_188, %iota3A_187 : vector<16xi32>
    %mul3A_190 = arith.constant 64 : i32
    %mul3A_191 = arith.muli %arg1, %mul3A_190 : i32
    %add3A_192 = arith.constant 1601536 : i32
    %add3A_193 = arith.addi %add3A_192, %mul3A_191 : i32
    %add3A_194 = arith.constant 16 : i32
    %add3A_195 = arith.addi %add3A_193, %add3A_194 : i32
    %iota3A_196 = tpu.iota {dimensions = array<i32: 0>} : vector<16xi32>
    %add3A_197 = vector.broadcast %add3A_195 : i32 to vector<16xi32>
    %add3A_198 = arith.addi %add3A_197, %iota3A_196 : vector<16xi32>
    %mul3A_199 = arith.constant 64 : i32
    %mul3A_200 = arith.muli %arg1, %mul3A_199 : i32
    %add3A_201 = arith.constant 1601536 : i32
    %add3A_202 = arith.addi %add3A_201, %mul3A_200 : i32
    %add3A_203 = arith.constant 32 : i32
    %add3A_204 = arith.addi %add3A_202, %add3A_203 : i32
    %iota3A_205 = tpu.iota {dimensions = array<i32: 0>} : vector<16xi32>
    %add3A_206 = vector.broadcast %add3A_204 : i32 to vector<16xi32>
    %add3A_207 = arith.addi %add3A_206, %iota3A_205 : vector<16xi32>
    %mul3A_208 = arith.constant 64 : i32
    %mul3A_209 = arith.muli %arg1, %mul3A_208 : i32
    %add3A_210 = arith.constant 1601536 : i32
    %add3A_211 = arith.addi %add3A_210, %mul3A_209 : i32
    %add3A_212 = arith.constant 48 : i32
    %add3A_213 = arith.addi %add3A_211, %add3A_212 : i32
    %iota3A_214 = tpu.iota {dimensions = array<i32: 0>} : vector<16xi32>
    %add3A_215 = vector.broadcast %add3A_213 : i32 to vector<16xi32>
    %add3A_216 = arith.addi %add3A_215, %iota3A_214 : vector<16xi32>
    %mul3A_217 = arith.constant 64 : i32
    %mul3A_218 = arith.muli %arg1, %mul3A_217 : i32
    %add3A_219 = arith.constant 1601536 : i32
    %add3A_220 = arith.addi %add3A_219, %mul3A_218 : i32
    %add3A_221 = arith.constant 0 : i32
    %add3A_222 = arith.addi %add3A_220, %add3A_221 : i32
    %iota3A_223 = tpu.iota {dimensions = array<i32: 0>} : vector<16xi32>
    %add3A_224 = vector.broadcast %add3A_222 : i32 to vector<16xi32>
    %add3A_225 = arith.addi %add3A_224, %iota3A_223 : vector<16xi32>
    %mul3A_226 = arith.constant 64 : i32
    %mul3A_227 = arith.muli %arg1, %mul3A_226 : i32
    %add3A_228 = arith.constant 1601536 : i32
    %add3A_229 = arith.addi %add3A_228, %mul3A_227 : i32
    %add3A_230 = arith.constant 16 : i32
    %add3A_231 = arith.addi %add3A_229, %add3A_230 : i32
    %iota3A_232 = tpu.iota {dimensions = array<i32: 0>} : vector<16xi32>
    %add3A_233 = vector.broadcast %add3A_231 : i32 to vector<16xi32>
    %add3A_234 = arith.addi %add3A_233, %iota3A_232 : vector<16xi32>
    %mul3A_235 = arith.constant 64 : i32
    %mul3A_236 = arith.muli %arg1, %mul3A_235 : i32
    %add3A_237 = arith.constant 1601536 : i32
    %add3A_238 = arith.addi %add3A_237, %mul3A_236 : i32
    %add3A_239 = arith.constant 32 : i32
    %add3A_240 = arith.addi %add3A_238, %add3A_239 : i32
    %iota3A_241 = tpu.iota {dimensions = array<i32: 0>} : vector<16xi32>
    %add3A_242 = vector.broadcast %add3A_240 : i32 to vector<16xi32>
    %add3A_243 = arith.addi %add3A_242, %iota3A_241 : vector<16xi32>
    %mul3A_244 = arith.constant 64 : i32
    %mul3A_245 = arith.muli %arg1, %mul3A_244 : i32
    %add3A_246 = arith.constant 1601536 : i32
    %add3A_247 = arith.addi %add3A_246, %mul3A_245 : i32
    %add3A_248 = arith.constant 48 : i32
    %add3A_249 = arith.addi %add3A_247, %add3A_248 : i32
    %iota3A_250 = tpu.iota {dimensions = array<i32: 0>} : vector<16xi32>
    %add3A_251 = vector.broadcast %add3A_249 : i32 to vector<16xi32>
    %add3A_252 = arith.addi %add3A_251, %iota3A_250 : vector<16xi32>
    %scan3A_253 = arith.constant 0 : i32
    %scan3A_254 = arith.constant 1601536 : i32
    %scan3A_255 = arith.constant 0 : i32
    %scan3A_256 = arith.constant 16 : i32
    %scan3A_257 = arith.addi %scan3A_255, %scan3A_256 : i32
    %scan3A_258 = arith.constant 1 : i32
    scf.for %scan3A_443 = %scan3A_255 to %scan3A_257 step %scan3A_258  : i32 {
      %mul3A_444 = arith.constant 8192 : i32
      %mul3A_445 = arith.muli %scan3A_443, %mul3A_444 : i32
      %add3A_446 = arith.addi %mul3A_0, %mul3A_445 : i32
      %dma_start3A = tpu.memref_slice %arg3[%add3A_446] : memref<2097152xi32, #tpu.memory_space<hbm>> -> memref<8192xi32, #tpu.memory_space<hbm>>
      %dma_start3A_447 = tpu.memref_slice %arg3[%add3A_446] : memref<2097152xi32, #tpu.memory_space<hbm>> -> memref<8192xi32, #tpu.memory_space<hbm>>
      tpu.enqueue_dma source(%dma_start3A_447 : memref<8192xi32, #tpu.memory_space<hbm>>) target(%arg7 : memref<8192xi32, #tpu.memory_space<vmem>>) target_semaphore(%arg9 : memref<!tpu.dma_semaphore, #tpu.memory_space<semaphore_mem>>)
      %dma_start3A_448 = tpu.memref_slice %arg4[%add3A_446] : memref<2097152xf32, #tpu.memory_space<hbm>> -> memref<8192xf32, #tpu.memory_space<hbm>>
      %dma_start3A_449 = tpu.memref_slice %arg4[%add3A_446] : memref<2097152xf32, #tpu.memory_space<hbm>> -> memref<8192xf32, #tpu.memory_space<hbm>>
      tpu.enqueue_dma source(%dma_start3A_449 : memref<8192xf32, #tpu.memory_space<hbm>>) target(%arg8 : memref<8192xf32, #tpu.memory_space<vmem>>) target_semaphore(%arg9 : memref<!tpu.dma_semaphore, #tpu.memory_space<semaphore_mem>>)
      %dma_wait3A = tpu.memref_slice %arg3[%add3A_446] : memref<2097152xi32, #tpu.memory_space<hbm>> -> memref<8192xi32, #tpu.memory_space<hbm>>
      %dma_wait3A_450 = tpu.memref_slice %arg3[%add3A_446] : memref<2097152xi32, #tpu.memory_space<hbm>> -> memref<8192xi32, #tpu.memory_space<hbm>>
      tpu.wait_dma2 semaphore(%arg9 : memref<!tpu.dma_semaphore, #tpu.memory_space<semaphore_mem>>) src(%dma_wait3A_450 : memref<8192xi32, #tpu.memory_space<hbm>>) dst(%arg7 : memref<8192xi32, #tpu.memory_space<vmem>>)
      %dma_wait3A_451 = tpu.memref_slice %arg4[%add3A_446] : memref<2097152xf32, #tpu.memory_space<hbm>> -> memref<8192xf32, #tpu.memory_space<hbm>>
      %dma_wait3A_452 = tpu.memref_slice %arg4[%add3A_446] : memref<2097152xf32, #tpu.memory_space<hbm>> -> memref<8192xf32, #tpu.memory_space<hbm>>
      tpu.wait_dma2 semaphore(%arg9 : memref<!tpu.dma_semaphore, #tpu.memory_space<semaphore_mem>>) src(%dma_wait3A_452 : memref<8192xf32, #tpu.memory_space<hbm>>) dst(%arg8 : memref<8192xf32, #tpu.memory_space<vmem>>)
      %scan3A_453 = arith.constant 0 : i32
      %scan3A_454 = arith.constant 0 : i32
      %scan3A_455 = arith.constant 64 : i32
      %scan3A_456 = arith.addi %scan3A_454, %scan3A_455 : i32
      %scan3A_457 = arith.constant 1 : i32
      scf.for %scan3A_463 = %scan3A_454 to %scan3A_456 step %scan3A_457  : i32 {
        %mul3A_464 = arith.constant 128 : i32
        %mul3A_465 = arith.muli %scan3A_463, %mul3A_464 : i32
        %add3A_466 = arith.constant 0 : i32
        %add3A_467 = arith.addi %mul3A_465, %add3A_466 : i32
        %get3A = arith.index_cast %add3A_467 : i32 to index
        %get3A_468 = tpu.vector_load %arg7[%get3A] {strides = array<i32>} : memref<8192xi32, #tpu.memory_space<vmem>>, vector<16xi32>,
        %get3A_469 = vector.shape_cast %get3A_468 : vector<16xi32> to vector<16xi32>
        %get3A_470 = arith.index_cast %add3A_467 : i32 to index
        %get3A_471 = tpu.vector_load %arg8[%get3A_470] {strides = array<i32>} : memref<8192xf32, #tpu.memory_space<vmem>>, vector<16xf32>,
        %get3A_472 = vector.shape_cast %get3A_471 : vector<16xf32> to vector<16xf32>
        %mul3A_473 = arith.constant 128 : i32
        %mul3A_474 = vector.broadcast %mul3A_473 : i32 to vector<16xi32>
        %mul3A_475 = arith.muli %get3A_469, %mul3A_474 : vector<16xi32>
        %sub3A = vector.broadcast %mul3A_140 : i32 to vector<16xi32>
        %sub3A_476 = arith.subi %add3A_152, %sub3A : vector<16xi32>
        %add3A_477 = arith.addi %mul3A_475, %sub3A_476 : vector<16xi32>
        %lt3A = vector.broadcast %scan3A_254 : i32 to vector<16xi32>
        %lt3A_478 = arith.cmpi ult, %add3A_477, %lt3A : vector<16xi32>
        %select_n3A = arith.select %lt3A_478, %add3A_477, %add3A_189 : vector<16xi1>, vector<16xi32>
        %swap3A = arith.index_cast %add3A_467 : i32 to index
        %swap3A_479 = tpu.vector_load %arg7[%swap3A] {strides = array<i32>} : memref<8192xi32, #tpu.memory_space<vmem>>, vector<16xi32>,
        %swap3A_480 = vector.shape_cast %swap3A_479 : vector<16xi32> to vector<16xi32>
        %swap3A_481 = vector.shape_cast %select_n3A : vector<16xi32> to vector<16xi32>
        tpu.vector_store %arg7[%swap3A], %swap3A_481 {strides = array<i32>} : memref<8192xi32, #tpu.memory_space<vmem>>, vector<16xi32>,
        %jit3A = arith.constant 0.000000e+00 : f32
        %broadcast_in_dim3A = vector.broadcast %jit3A : f32 to vector<16xf32>
        %select_n3A_482 = arith.select %lt3A_478, %get3A_472, %broadcast_in_dim3A : vector<16xi1>, vector<16xf32>
        %swap3A_483 = arith.index_cast %add3A_467 : i32 to index
        %swap3A_484 = tpu.vector_load %arg8[%swap3A_483] {strides = array<i32>} : memref<8192xf32, #tpu.memory_space<vmem>>, vector<16xf32>,
        %swap3A_485 = vector.shape_cast %swap3A_484 : vector<16xf32> to vector<16xf32>
        %swap3A_486 = vector.shape_cast %select_n3A_482 : vector<16xf32> to vector<16xf32>
        tpu.vector_store %arg8[%swap3A_483], %swap3A_486 {strides = array<i32>} : memref<8192xf32, #tpu.memory_space<vmem>>, vector<16xf32>,
        %mul3A_487 = arith.constant 128 : i32
        %mul3A_488 = arith.muli %scan3A_463, %mul3A_487 : i32
        %add3A_489 = arith.constant 16 : i32
        %add3A_490 = arith.addi %mul3A_488, %add3A_489 : i32
        %get3A_491 = arith.index_cast %add3A_490 : i32 to index
        %get3A_492 = tpu.vector_load %arg7[%get3A_491] {strides = array<i32>} : memref<8192xi32, #tpu.memory_space<vmem>>, vector<16xi32>,
        %get3A_493 = vector.shape_cast %get3A_492 : vector<16xi32> to vector<16xi32>
        %get3A_494 = arith.index_cast %add3A_490 : i32 to index
        %get3A_495 = tpu.vector_load %arg8[%get3A_494] {strides = array<i32>} : memref<8192xf32, #tpu.memory_space<vmem>>, vector<16xf32>,
        %get3A_496 = vector.shape_cast %get3A_495 : vector<16xf32> to vector<16xf32>
        %mul3A_497 = arith.constant 128 : i32
        %mul3A_498 = vector.broadcast %mul3A_497 : i32 to vector<16xi32>
        %mul3A_499 = arith.muli %get3A_493, %mul3A_498 : vector<16xi32>
        %sub3A_500 = vector.broadcast %mul3A_140 : i32 to vector<16xi32>
        %sub3A_501 = arith.subi %add3A_156, %sub3A_500 : vector<16xi32>
        %add3A_502 = arith.addi %mul3A_499, %sub3A_501 : vector<16xi32>
        %lt3A_503 = vector.broadcast %scan3A_254 : i32 to vector<16xi32>
        %lt3A_504 = arith.cmpi ult, %add3A_502, %lt3A_503 : vector<16xi32>
        %select_n3A_505 = arith.select %lt3A_504, %add3A_502, %add3A_198 : vector<16xi1>, vector<16xi32>
        %swap3A_506 = arith.index_cast %add3A_490 : i32 to index
        %swap3A_507 = tpu.vector_load %arg7[%swap3A_506] {strides = array<i32>} : memref<8192xi32, #tpu.memory_space<vmem>>, vector<16xi32>,
        %swap3A_508 = vector.shape_cast %swap3A_507 : vector<16xi32> to vector<16xi32>
        %swap3A_509 = vector.shape_cast %select_n3A_505 : vector<16xi32> to vector<16xi32>
        tpu.vector_store %arg7[%swap3A_506], %swap3A_509 {strides = array<i32>} : memref<8192xi32, #tpu.memory_space<vmem>>, vector<16xi32>,
        %jit3A_510 = arith.constant 0.000000e+00 : f32
        %broadcast_in_dim3A_511 = vector.broadcast %jit3A_510 : f32 to vector<16xf32>
        %select_n3A_512 = arith.select %lt3A_504, %get3A_496, %broadcast_in_dim3A_511 : vector<16xi1>, vector<16xf32>
        %swap3A_513 = arith.index_cast %add3A_490 : i32 to index
        %swap3A_514 = tpu.vector_load %arg8[%swap3A_513] {strides = array<i32>} : memref<8192xf32, #tpu.memory_space<vmem>>, vector<16xf32>,
        %swap3A_515 = vector.shape_cast %swap3A_514 : vector<16xf32> to vector<16xf32>
        %swap3A_516 = vector.shape_cast %select_n3A_512 : vector<16xf32> to vector<16xf32>
        tpu.vector_store %arg8[%swap3A_513], %swap3A_516 {strides = array<i32>} : memref<8192xf32, #tpu.memory_space<vmem>>, vector<16xf32>,
        %mul3A_517 = arith.constant 128 : i32
        %mul3A_518 = arith.muli %scan3A_463, %mul3A_517 : i32
        %add3A_519 = arith.constant 32 : i32
        %add3A_520 = arith.addi %mul3A_518, %add3A_519 : i32
        %get3A_521 = arith.index_cast %add3A_520 : i32 to index
        %get3A_522 = tpu.vector_load %arg7[%get3A_521] {strides = array<i32>} : memref<8192xi32, #tpu.memory_space<vmem>>, vector<16xi32>,
        %get3A_523 = vector.shape_cast %get3A_522 : vector<16xi32> to vector<16xi32>
        %get3A_524 = arith.index_cast %add3A_520 : i32 to index
        %get3A_525 = tpu.vector_load %arg8[%get3A_524] {strides = array<i32>} : memref<8192xf32, #tpu.memory_space<vmem>>, vector<16xf32>,
        %get3A_526 = vector.shape_cast %get3A_525 : vector<16xf32> to vector<16xf32>
        %mul3A_527 = arith.constant 128 : i32
        %mul3A_528 = vector.broadcast %mul3A_527 : i32 to vector<16xi32>
        %mul3A_529 = arith.muli %get3A_523, %mul3A_528 : vector<16xi32>
        %sub3A_530 = vector.broadcast %mul3A_140 : i32 to vector<16xi32>
        %sub3A_531 = arith.subi %add3A_160, %sub3A_530 : vector<16xi32>
        %add3A_532 = arith.addi %mul3A_529, %sub3A_531 : vector<16xi32>
        %lt3A_533 = vector.broadcast %scan3A_254 : i32 to vector<16xi32>
        %lt3A_534 = arith.cmpi ult, %add3A_532, %lt3A_533 : vector<16xi32>
        %select_n3A_535 = arith.select %lt3A_534, %add3A_532, %add3A_207 : vector<16xi1>, vector<16xi32>
        %swap3A_536 = arith.index_cast %add3A_520 : i32 to index
        %swap3A_537 = tpu.vector_load %arg7[%swap3A_536] {strides = array<i32>} : memref<8192xi32, #tpu.memory_space<vmem>>, vector<16xi32>,
        %swap3A_538 = vector.shape_cast %swap3A_537 : vector<16xi32> to vector<16xi32>
        %swap3A_539 = vector.shape_cast %select_n3A_535 : vector<16xi32> to vector<16xi32>
        tpu.vector_store %arg7[%swap3A_536], %swap3A_539 {strides = array<i32>} : memref<8192xi32, #tpu.memory_space<vmem>>, vector<16xi32>,
        %jit3A_540 = arith.constant 0.000000e+00 : f32
        %broadcast_in_dim3A_541 = vector.broadcast %jit3A_540 : f32 to vector<16xf32>
        %select_n3A_542 = arith.select %lt3A_534, %get3A_526, %broadcast_in_dim3A_541 : vector<16xi1>, vector<16xf32>
        %swap3A_543 = arith.index_cast %add3A_520 : i32 to index
        %swap3A_544 = tpu.vector_load %arg8[%swap3A_543] {strides = array<i32>} : memref<8192xf32, #tpu.memory_space<vmem>>, vector<16xf32>,
        %swap3A_545 = vector.shape_cast %swap3A_544 : vector<16xf32> to vector<16xf32>
        %swap3A_546 = vector.shape_cast %select_n3A_542 : vector<16xf32> to vector<16xf32>
        tpu.vector_store %arg8[%swap3A_543], %swap3A_546 {strides = array<i32>} : memref<8192xf32, #tpu.memory_space<vmem>>, vector<16xf32>,
        %mul3A_547 = arith.constant 128 : i32
        %mul3A_548 = arith.muli %scan3A_463, %mul3A_547 : i32
        %add3A_549 = arith.constant 48 : i32
        %add3A_550 = arith.addi %mul3A_548, %add3A_549 : i32
        %get3A_551 = arith.index_cast %add3A_550 : i32 to index
        %get3A_552 = tpu.vector_load %arg7[%get3A_551] {strides = array<i32>} : memref<8192xi32, #tpu.memory_space<vmem>>, vector<16xi32>,
        %get3A_553 = vector.shape_cast %get3A_552 : vector<16xi32> to vector<16xi32>
        %get3A_554 = arith.index_cast %add3A_550 : i32 to index
        %get3A_555 = tpu.vector_load %arg8[%get3A_554] {strides = array<i32>} : memref<8192xf32, #tpu.memory_space<vmem>>, vector<16xf32>,
        %get3A_556 = vector.shape_cast %get3A_555 : vector<16xf32> to vector<16xf32>
        %mul3A_557 = arith.constant 128 : i32
        %mul3A_558 = vector.broadcast %mul3A_557 : i32 to vector<16xi32>
        %mul3A_559 = arith.muli %get3A_553, %mul3A_558 : vector<16xi32>
        %sub3A_560 = vector.broadcast %mul3A_140 : i32 to vector<16xi32>
        %sub3A_561 = arith.subi %add3A_164, %sub3A_560 : vector<16xi32>
        %add3A_562 = arith.addi %mul3A_559, %sub3A_561 : vector<16xi32>
        %lt3A_563 = vector.broadcast %scan3A_254 : i32 to vector<16xi32>
        %lt3A_564 = arith.cmpi ult, %add3A_562, %lt3A_563 : vector<16xi32>
        %select_n3A_565 = arith.select %lt3A_564, %add3A_562, %add3A_216 : vector<16xi1>, vector<16xi32>
        %swap3A_566 = arith.index_cast %add3A_550 : i32 to index
        %swap3A_567 = tpu.vector_load %arg7[%swap3A_566] {strides = array<i32>} : memref<8192xi32, #tpu.memory_space<vmem>>, vector<16xi32>,
        %swap3A_568 = vector.shape_cast %swap3A_567 : vector<16xi32> to vector<16xi32>
        %swap3A_569 = vector.shape_cast %select_n3A_565 : vector<16xi32> to vector<16xi32>
        tpu.vector_store %arg7[%swap3A_566], %swap3A_569 {strides = array<i32>} : memref<8192xi32, #tpu.memory_space<vmem>>, vector<16xi32>,
        %jit3A_570 = arith.constant 0.000000e+00 : f32
        %broadcast_in_dim3A_571 = vector.broadcast %jit3A_570 : f32 to vector<16xf32>
        %select_n3A_572 = arith.select %lt3A_564, %get3A_556, %broadcast_in_dim3A_571 : vector<16xi1>, vector<16xf32>
        %swap3A_573 = arith.index_cast %add3A_550 : i32 to index
        %swap3A_574 = tpu.vector_load %arg8[%swap3A_573] {strides = array<i32>} : memref<8192xf32, #tpu.memory_space<vmem>>, vector<16xf32>,
        %swap3A_575 = vector.shape_cast %swap3A_574 : vector<16xf32> to vector<16xf32>
        %swap3A_576 = vector.shape_cast %select_n3A_572 : vector<16xf32> to vector<16xf32>
        tpu.vector_store %arg8[%swap3A_573], %swap3A_576 {strides = array<i32>} : memref<8192xf32, #tpu.memory_space<vmem>>, vector<16xf32>,
        %mul3A_577 = arith.constant 128 : i32
        %mul3A_578 = arith.muli %scan3A_463, %mul3A_577 : i32
        %add3A_579 = arith.constant 64 : i32
        %add3A_580 = arith.addi %mul3A_578, %add3A_579 : i32
        %get3A_581 = arith.index_cast %add3A_580 : i32 to index
        %get3A_582 = tpu.vector_load %arg7[%get3A_581] {strides = array<i32>} : memref<8192xi32, #tpu.memory_space<vmem>>, vector<16xi32>,
        %get3A_583 = vector.shape_cast %get3A_582 : vector<16xi32> to vector<16xi32>
        %get3A_584 = arith.index_cast %add3A_580 : i32 to index
        %get3A_585 = tpu.vector_load %arg8[%get3A_584] {strides = array<i32>} : memref<8192xf32, #tpu.memory_space<vmem>>, vector<16xf32>,
        %get3A_586 = vector.shape_cast %get3A_585 : vector<16xf32> to vector<16xf32>
        %mul3A_587 = arith.constant 128 : i32
        %mul3A_588 = vector.broadcast %mul3A_587 : i32 to vector<16xi32>
        %mul3A_589 = arith.muli %get3A_583, %mul3A_588 : vector<16xi32>
        %sub3A_590 = vector.broadcast %mul3A_140 : i32 to vector<16xi32>
        %sub3A_591 = arith.subi %add3A_168, %sub3A_590 : vector<16xi32>
        %add3A_592 = arith.addi %mul3A_589, %sub3A_591 : vector<16xi32>
        %lt3A_593 = vector.broadcast %scan3A_254 : i32 to vector<16xi32>
        %lt3A_594 = arith.cmpi ult, %add3A_592, %lt3A_593 : vector<16xi32>
        %select_n3A_595 = arith.select %lt3A_594, %add3A_592, %add3A_225 : vector<16xi1>, vector<16xi32>
        %swap3A_596 = arith.index_cast %add3A_580 : i32 to index
        %swap3A_597 = tpu.vector_load %arg7[%swap3A_596] {strides = array<i32>} : memref<8192xi32, #tpu.memory_space<vmem>>, vector<16xi32>,
        %swap3A_598 = vector.shape_cast %swap3A_597 : vector<16xi32> to vector<16xi32>
        %swap3A_599 = vector.shape_cast %select_n3A_595 : vector<16xi32> to vector<16xi32>
        tpu.vector_store %arg7[%swap3A_596], %swap3A_599 {strides = array<i32>} : memref<8192xi32, #tpu.memory_space<vmem>>, vector<16xi32>,
        %jit3A_600 = arith.constant 0.000000e+00 : f32
        %broadcast_in_dim3A_601 = vector.broadcast %jit3A_600 : f32 to vector<16xf32>
        %select_n3A_602 = arith.select %lt3A_594, %get3A_586, %broadcast_in_dim3A_601 : vector<16xi1>, vector<16xf32>
        %swap3A_603 = arith.index_cast %add3A_580 : i32 to index
        %swap3A_604 = tpu.vector_load %arg8[%swap3A_603] {strides = array<i32>} : memref<8192xf32, #tpu.memory_space<vmem>>, vector<16xf32>,
        %swap3A_605 = vector.shape_cast %swap3A_604 : vector<16xf32> to vector<16xf32>
        %swap3A_606 = vector.shape_cast %select_n3A_602 : vector<16xf32> to vector<16xf32>
        tpu.vector_store %arg8[%swap3A_603], %swap3A_606 {strides = array<i32>} : memref<8192xf32, #tpu.memory_space<vmem>>, vector<16xf32>,
        %mul3A_607 = arith.constant 128 : i32
        %mul3A_608 = arith.muli %scan3A_463, %mul3A_607 : i32
        %add3A_609 = arith.constant 80 : i32
        %add3A_610 = arith.addi %mul3A_608, %add3A_609 : i32
        %get3A_611 = arith.index_cast %add3A_610 : i32 to index
        %get3A_612 = tpu.vector_load %arg7[%get3A_611] {strides = array<i32>} : memref<8192xi32, #tpu.memory_space<vmem>>, vector<16xi32>,
        %get3A_613 = vector.shape_cast %get3A_612 : vector<16xi32> to vector<16xi32>
        %get3A_614 = arith.index_cast %add3A_610 : i32 to index
        %get3A_615 = tpu.vector_load %arg8[%get3A_614] {strides = array<i32>} : memref<8192xf32, #tpu.memory_space<vmem>>, vector<16xf32>,
        %get3A_616 = vector.shape_cast %get3A_615 : vector<16xf32> to vector<16xf32>
        %mul3A_617 = arith.constant 128 : i32
        %mul3A_618 = vector.broadcast %mul3A_617 : i32 to vector<16xi32>
        %mul3A_619 = arith.muli %get3A_613, %mul3A_618 : vector<16xi32>
        %sub3A_620 = vector.broadcast %mul3A_140 : i32 to vector<16xi32>
        %sub3A_621 = arith.subi %add3A_172, %sub3A_620 : vector<16xi32>
        %add3A_622 = arith.addi %mul3A_619, %sub3A_621 : vector<16xi32>
        %lt3A_623 = vector.broadcast %scan3A_254 : i32 to vector<16xi32>
        %lt3A_624 = arith.cmpi ult, %add3A_622, %lt3A_623 : vector<16xi32>
        %select_n3A_625 = arith.select %lt3A_624, %add3A_622, %add3A_234 : vector<16xi1>, vector<16xi32>
        %swap3A_626 = arith.index_cast %add3A_610 : i32 to index
        %swap3A_627 = tpu.vector_load %arg7[%swap3A_626] {strides = array<i32>} : memref<8192xi32, #tpu.memory_space<vmem>>, vector<16xi32>,
        %swap3A_628 = vector.shape_cast %swap3A_627 : vector<16xi32> to vector<16xi32>
        %swap3A_629 = vector.shape_cast %select_n3A_625 : vector<16xi32> to vector<16xi32>
        tpu.vector_store %arg7[%swap3A_626], %swap3A_629 {strides = array<i32>} : memref<8192xi32, #tpu.memory_space<vmem>>, vector<16xi32>,
        %jit3A_630 = arith.constant 0.000000e+00 : f32
        %broadcast_in_dim3A_631 = vector.broadcast %jit3A_630 : f32 to vector<16xf32>
        %select_n3A_632 = arith.select %lt3A_624, %get3A_616, %broadcast_in_dim3A_631 : vector<16xi1>, vector<16xf32>
        %swap3A_633 = arith.index_cast %add3A_610 : i32 to index
        %swap3A_634 = tpu.vector_load %arg8[%swap3A_633] {strides = array<i32>} : memref<8192xf32, #tpu.memory_space<vmem>>, vector<16xf32>,
        %swap3A_635 = vector.shape_cast %swap3A_634 : vector<16xf32> to vector<16xf32>
        %swap3A_636 = vector.shape_cast %select_n3A_632 : vector<16xf32> to vector<16xf32>
        tpu.vector_store %arg8[%swap3A_633], %swap3A_636 {strides = array<i32>} : memref<8192xf32, #tpu.memory_space<vmem>>, vector<16xf32>,
        %mul3A_637 = arith.constant 128 : i32
        %mul3A_638 = arith.muli %scan3A_463, %mul3A_637 : i32
        %add3A_639 = arith.constant 96 : i32
        %add3A_640 = arith.addi %mul3A_638, %add3A_639 : i32
        %get3A_641 = arith.index_cast %add3A_640 : i32 to index
        %get3A_642 = tpu.vector_load %arg7[%get3A_641] {strides = array<i32>} : memref<8192xi32, #tpu.memory_space<vmem>>, vector<16xi32>,
        %get3A_643 = vector.shape_cast %get3A_642 : vector<16xi32> to vector<16xi32>
        %get3A_644 = arith.index_cast %add3A_640 : i32 to index
        %get3A_645 = tpu.vector_load %arg8[%get3A_644] {strides = array<i32>} : memref<8192xf32, #tpu.memory_space<vmem>>, vector<16xf32>,
        %get3A_646 = vector.shape_cast %get3A_645 : vector<16xf32> to vector<16xf32>
        %mul3A_647 = arith.constant 128 : i32
        %mul3A_648 = vector.broadcast %mul3A_647 : i32 to vector<16xi32>
        %mul3A_649 = arith.muli %get3A_643, %mul3A_648 : vector<16xi32>
        %sub3A_650 = vector.broadcast %mul3A_140 : i32 to vector<16xi32>
        %sub3A_651 = arith.subi %add3A_176, %sub3A_650 : vector<16xi32>
        %add3A_652 = arith.addi %mul3A_649, %sub3A_651 : vector<16xi32>
        %lt3A_653 = vector.broadcast %scan3A_254 : i32 to vector<16xi32>
        %lt3A_654 = arith.cmpi ult, %add3A_652, %lt3A_653 : vector<16xi32>
        %select_n3A_655 = arith.select %lt3A_654, %add3A_652, %add3A_243 : vector<16xi1>, vector<16xi32>
        %swap3A_656 = arith.index_cast %add3A_640 : i32 to index
        %swap3A_657 = tpu.vector_load %arg7[%swap3A_656] {strides = array<i32>} : memref<8192xi32, #tpu.memory_space<vmem>>, vector<16xi32>,
        %swap3A_658 = vector.shape_cast %swap3A_657 : vector<16xi32> to vector<16xi32>
        %swap3A_659 = vector.shape_cast %select_n3A_655 : vector<16xi32> to vector<16xi32>
        tpu.vector_store %arg7[%swap3A_656], %swap3A_659 {strides = array<i32>} : memref<8192xi32, #tpu.memory_space<vmem>>, vector<16xi32>,
        %jit3A_660 = arith.constant 0.000000e+00 : f32
        %broadcast_in_dim3A_661 = vector.broadcast %jit3A_660 : f32 to vector<16xf32>
        %select_n3A_662 = arith.select %lt3A_654, %get3A_646, %broadcast_in_dim3A_661 : vector<16xi1>, vector<16xf32>
        %swap3A_663 = arith.index_cast %add3A_640 : i32 to index
        %swap3A_664 = tpu.vector_load %arg8[%swap3A_663] {strides = array<i32>} : memref<8192xf32, #tpu.memory_space<vmem>>, vector<16xf32>,
        %swap3A_665 = vector.shape_cast %swap3A_664 : vector<16xf32> to vector<16xf32>
        %swap3A_666 = vector.shape_cast %select_n3A_662 : vector<16xf32> to vector<16xf32>
        tpu.vector_store %arg8[%swap3A_663], %swap3A_666 {strides = array<i32>} : memref<8192xf32, #tpu.memory_space<vmem>>, vector<16xf32>,
        %mul3A_667 = arith.constant 128 : i32
        %mul3A_668 = arith.muli %scan3A_463, %mul3A_667 : i32
        %add3A_669 = arith.constant 112 : i32
        %add3A_670 = arith.addi %mul3A_668, %add3A_669 : i32
        %get3A_671 = arith.index_cast %add3A_670 : i32 to index
        %get3A_672 = tpu.vector_load %arg7[%get3A_671] {strides = array<i32>} : memref<8192xi32, #tpu.memory_space<vmem>>, vector<16xi32>,
        %get3A_673 = vector.shape_cast %get3A_672 : vector<16xi32> to vector<16xi32>
        %get3A_674 = arith.index_cast %add3A_670 : i32 to index
        %get3A_675 = tpu.vector_load %arg8[%get3A_674] {strides = array<i32>} : memref<8192xf32, #tpu.memory_space<vmem>>, vector<16xf32>,
        %get3A_676 = vector.shape_cast %get3A_675 : vector<16xf32> to vector<16xf32>
        %mul3A_677 = arith.constant 128 : i32
        %mul3A_678 = vector.broadcast %mul3A_677 : i32 to vector<16xi32>
        %mul3A_679 = arith.muli %get3A_673, %mul3A_678 : vector<16xi32>
        %sub3A_680 = vector.broadcast %mul3A_140 : i32 to vector<16xi32>
        %sub3A_681 = arith.subi %add3A_180, %sub3A_680 : vector<16xi32>
        %add3A_682 = arith.addi %mul3A_679, %sub3A_681 : vector<16xi32>
        %lt3A_683 = vector.broadcast %scan3A_254 : i32 to vector<16xi32>
        %lt3A_684 = arith.cmpi ult, %add3A_682, %lt3A_683 : vector<16xi32>
        %select_n3A_685 = arith.select %lt3A_684, %add3A_682, %add3A_252 : vector<16xi1>, vector<16xi32>
        %swap3A_686 = arith.index_cast %add3A_670 : i32 to index
        %swap3A_687 = tpu.vector_load %arg7[%swap3A_686] {strides = array<i32>} : memref<8192xi32, #tpu.memory_space<vmem>>, vector<16xi32>,
        %swap3A_688 = vector.shape_cast %swap3A_687 : vector<16xi32> to vector<16xi32>
        %swap3A_689 = vector.shape_cast %select_n3A_685 : vector<16xi32> to vector<16xi32>
        tpu.vector_store %arg7[%swap3A_686], %swap3A_689 {strides = array<i32>} : memref<8192xi32, #tpu.memory_space<vmem>>, vector<16xi32>,
        %jit3A_690 = arith.constant 0.000000e+00 : f32
        %broadcast_in_dim3A_691 = vector.broadcast %jit3A_690 : f32 to vector<16xf32>
        %select_n3A_692 = arith.select %lt3A_684, %get3A_676, %broadcast_in_dim3A_691 : vector<16xi1>, vector<16xf32>
        %swap3A_693 = arith.index_cast %add3A_670 : i32 to index
        %swap3A_694 = tpu.vector_load %arg8[%swap3A_693] {strides = array<i32>} : memref<8192xf32, #tpu.memory_space<vmem>>, vector<16xf32>,
        %swap3A_695 = vector.shape_cast %swap3A_694 : vector<16xf32> to vector<16xf32>
        %swap3A_696 = vector.shape_cast %select_n3A_692 : vector<16xf32> to vector<16xf32>
        tpu.vector_store %arg8[%swap3A_693], %swap3A_696 {strides = array<i32>} : memref<8192xf32, #tpu.memory_space<vmem>>, vector<16xf32>,
      }
      %scan3A_458 = arith.constant 64 : i32
      %dma_start3A_459 = arith.constant 0 : i32
      %dma_start3A_460 = tpu.memref_slice %arg6[%dma_start3A_459] : memref<1602560xf32, #tpu.memory_space<vmem_shared>> -> memref<1602560xf32, #tpu.memory_space<vmem_shared>>
      tpu.enqueue_indirect_dma source(%arg8 : memref<8192xf32, #tpu.memory_space<vmem>>) target(%dma_start3A_460 : memref<1602560xf32, #tpu.memory_space<vmem_shared>>) offsets(%arg7 : memref<8192xi32, #tpu.memory_space<vmem>>) semaphore(%arg9 : memref<!tpu.dma_semaphore, #tpu.memory_space<semaphore_mem>>) {add = true}
      %dma_wait3A_461 = arith.constant 0 : i32
      %dma_wait3A_462 = tpu.memref_slice %arg6[%dma_wait3A_461] : memref<1602560xf32, #tpu.memory_space<vmem_shared>> -> memref<1602560xf32, #tpu.memory_space<vmem_shared>>
      tpu.wait_indirect_dma semaphore(%arg9 : memref<!tpu.dma_semaphore, #tpu.memory_space<semaphore_mem>>) src(%arg8 : memref<8192xf32, #tpu.memory_space<vmem>>) dst(%dma_wait3A_462 : memref<1602560xf32, #tpu.memory_space<vmem_shared>>)
    }
    %scan3A_259 = arith.constant 16 : i32
    %barrier3A_260 = arith.constant 0 : index
    tpu.barrier barrier_id(%barrier3A_260)
    %mul3A_261 = arith.constant 100096 : i32
    %mul3A_262 = arith.muli %arg1, %mul3A_261 : i32
    %add3A_263 = arith.constant 0 : i32
    %add3A_264 = arith.addi %add3A_263, %mul3A_262 : i32
    %mul3A_265 = arith.constant 100096 : i32
    %mul3A_266 = arith.muli %arg1, %mul3A_265 : i32
    %add3A_267 = arith.addi %mul3A_140, %mul3A_266 : i32
    "tpu.region"() ({
      %run_scoped3A = tpu.sem_alloc : memref<!tpu.dma_semaphore, #tpu.memory_space<semaphore_mem>>
      %dma_start3A = tpu.memref_slice %arg5[%add3A_267] : memref<12800000xf32, #tpu.memory_space<hbm>> -> memref<100096xf32, #tpu.memory_space<hbm>>
      %dma_start3A_443 = tpu.memref_slice %arg6[%add3A_264] : memref<1602560xf32, #tpu.memory_space<vmem_shared>> -> memref<100096xf32, #tpu.memory_space<vmem_shared>>
      tpu.enqueue_dma source(%dma_start3A_443 : memref<100096xf32, #tpu.memory_space<vmem_shared>>) target(%dma_start3A : memref<100096xf32, #tpu.memory_space<hbm>>) target_semaphore(%run_scoped3A : memref<!tpu.dma_semaphore, #tpu.memory_space<semaphore_mem>>)
      %dma_wait3A = tpu.memref_slice %arg5[%add3A_267] : memref<12800000xf32, #tpu.memory_space<hbm>> -> memref<100096xf32, #tpu.memory_space<hbm>>
      %dma_wait3A_444 = tpu.memref_slice %arg6[%add3A_264] : memref<1602560xf32, #tpu.memory_space<vmem_shared>> -> memref<100096xf32, #tpu.memory_space<vmem_shared>>
      tpu.wait_dma2 semaphore(%run_scoped3A : memref<!tpu.dma_semaphore, #tpu.memory_space<semaphore_mem>>) src(%dma_wait3A_444 : memref<100096xf32, #tpu.memory_space<vmem_shared>>) dst(%dma_wait3A : memref<100096xf32, #tpu.memory_space<hbm>>)
      tpu.yield
    }) : () -> ()
    %barrier3A_268 = arith.constant 0 : index
    tpu.barrier barrier_id(%barrier3A_268)
    %mul3A_269 = arith.constant 4 : i32
    %mul3A_270 = arith.muli %arg0, %mul3A_269 : i32
    %add3A_271 = arith.constant 2 : i32
    %add3A_272 = arith.addi %mul3A_270, %add3A_271 : i32
    %mul3A_273 = arith.constant 12512 : i32
    %mul3A_274 = arith.muli %add3A_272, %mul3A_273 : i32
    %mul3A_275 = arith.constant 128 : i32
    %mul3A_276 = arith.muli %mul3A_274, %mul3A_275 : i32
    %mul3A_277 = arith.constant 100096 : i32
    %mul3A_278 = arith.muli %arg1, %mul3A_277 : i32
    %add3A_279 = arith.addi %mul3A_276, %mul3A_278 : i32
    %mul3A_280 = arith.constant 100096 : i32
    %mul3A_281 = arith.muli %arg1, %mul3A_280 : i32
    %add3A_282 = arith.constant 0 : i32
    %add3A_283 = arith.addi %add3A_282, %mul3A_281 : i32
    "tpu.region"() ({
      %run_scoped3A = tpu.sem_alloc : memref<!tpu.dma_semaphore, #tpu.memory_space<semaphore_mem>>
      %dma_start3A = tpu.memref_slice %arg6[%add3A_283] : memref<1602560xf32, #tpu.memory_space<vmem_shared>> -> memref<100096xf32, #tpu.memory_space<vmem_shared>>
      %dma_start3A_443 = tpu.memref_slice %arg2[%add3A_279] : memref<12800000xf32, #tpu.memory_space<hbm>> -> memref<100096xf32, #tpu.memory_space<hbm>>
      tpu.enqueue_dma source(%dma_start3A_443 : memref<100096xf32, #tpu.memory_space<hbm>>) target(%dma_start3A : memref<100096xf32, #tpu.memory_space<vmem_shared>>) target_semaphore(%run_scoped3A : memref<!tpu.dma_semaphore, #tpu.memory_space<semaphore_mem>>)
      %dma_wait3A = tpu.memref_slice %arg6[%add3A_283] : memref<1602560xf32, #tpu.memory_space<vmem_shared>> -> memref<100096xf32, #tpu.memory_space<vmem_shared>>
      %dma_wait3A_444 = tpu.memref_slice %arg2[%add3A_279] : memref<12800000xf32, #tpu.memory_space<hbm>> -> memref<100096xf32, #tpu.memory_space<hbm>>
      tpu.wait_dma2 semaphore(%run_scoped3A : memref<!tpu.dma_semaphore, #tpu.memory_space<semaphore_mem>>) src(%dma_wait3A_444 : memref<100096xf32, #tpu.memory_space<hbm>>) dst(%dma_wait3A : memref<100096xf32, #tpu.memory_space<vmem_shared>>)
      tpu.yield
    }) : () -> ()
    %barrier3A_284 = arith.constant 0 : index
    tpu.barrier barrier_id(%barrier3A_284)
    %iota3A_285 = tpu.iota {dimensions = array<i32: 0>} : vector<16xi32>
    %add3A_286 = arith.constant 0 : i32
    %add3A_287 = vector.broadcast %add3A_286 : i32 to vector<16xi32>
    %add3A_288 = arith.addi %iota3A_285, %add3A_287 : vector<16xi32>
    %iota3A_289 = tpu.iota {dimensions = array<i32: 0>} : vector<16xi32>
    %add3A_290 = arith.constant 16 : i32
    %add3A_291 = vector.broadcast %add3A_290 : i32 to vector<16xi32>
    %add3A_292 = arith.addi %iota3A_289, %add3A_291 : vector<16xi32>
    %iota3A_293 = tpu.iota {dimensions = array<i32: 0>} : vector<16xi32>
    %add3A_294 = arith.constant 32 : i32
    %add3A_295 = vector.broadcast %add3A_294 : i32 to vector<16xi32>
    %add3A_296 = arith.addi %iota3A_293, %add3A_295 : vector<16xi32>
    %iota3A_297 = tpu.iota {dimensions = array<i32: 0>} : vector<16xi32>
    %add3A_298 = arith.constant 48 : i32
    %add3A_299 = vector.broadcast %add3A_298 : i32 to vector<16xi32>
    %add3A_300 = arith.addi %iota3A_297, %add3A_299 : vector<16xi32>
    %iota3A_301 = tpu.iota {dimensions = array<i32: 0>} : vector<16xi32>
    %add3A_302 = arith.constant 64 : i32
    %add3A_303 = vector.broadcast %add3A_302 : i32 to vector<16xi32>
    %add3A_304 = arith.addi %iota3A_301, %add3A_303 : vector<16xi32>
    %iota3A_305 = tpu.iota {dimensions = array<i32: 0>} : vector<16xi32>
    %add3A_306 = arith.constant 80 : i32
    %add3A_307 = vector.broadcast %add3A_306 : i32 to vector<16xi32>
    %add3A_308 = arith.addi %iota3A_305, %add3A_307 : vector<16xi32>
    %iota3A_309 = tpu.iota {dimensions = array<i32: 0>} : vector<16xi32>
    %add3A_310 = arith.constant 96 : i32
    %add3A_311 = vector.broadcast %add3A_310 : i32 to vector<16xi32>
    %add3A_312 = arith.addi %iota3A_309, %add3A_311 : vector<16xi32>
    %iota3A_313 = tpu.iota {dimensions = array<i32: 0>} : vector<16xi32>
    %add3A_314 = arith.constant 112 : i32
    %add3A_315 = vector.broadcast %add3A_314 : i32 to vector<16xi32>
    %add3A_316 = arith.addi %iota3A_313, %add3A_315 : vector<16xi32>
    %mul3A_317 = arith.constant 64 : i32
    %mul3A_318 = arith.muli %arg1, %mul3A_317 : i32
    %add3A_319 = arith.constant 1601536 : i32
    %add3A_320 = arith.addi %add3A_319, %mul3A_318 : i32
    %add3A_321 = arith.constant 0 : i32
    %add3A_322 = arith.addi %add3A_320, %add3A_321 : i32
    %iota3A_323 = tpu.iota {dimensions = array<i32: 0>} : vector<16xi32>
    %add3A_324 = vector.broadcast %add3A_322 : i32 to vector<16xi32>
    %add3A_325 = arith.addi %add3A_324, %iota3A_323 : vector<16xi32>
    %mul3A_326 = arith.constant 64 : i32
    %mul3A_327 = arith.muli %arg1, %mul3A_326 : i32
    %add3A_328 = arith.constant 1601536 : i32
    %add3A_329 = arith.addi %add3A_328, %mul3A_327 : i32
    %add3A_330 = arith.constant 16 : i32
    %add3A_331 = arith.addi %add3A_329, %add3A_330 : i32
    %iota3A_332 = tpu.iota {dimensions = array<i32: 0>} : vector<16xi32>
    %add3A_333 = vector.broadcast %add3A_331 : i32 to vector<16xi32>
    %add3A_334 = arith.addi %add3A_333, %iota3A_332 : vector<16xi32>
    %mul3A_335 = arith.constant 64 : i32
    %mul3A_336 = arith.muli %arg1, %mul3A_335 : i32
    %add3A_337 = arith.constant 1601536 : i32
    %add3A_338 = arith.addi %add3A_337, %mul3A_336 : i32
    %add3A_339 = arith.constant 32 : i32
    %add3A_340 = arith.addi %add3A_338, %add3A_339 : i32
    %iota3A_341 = tpu.iota {dimensions = array<i32: 0>} : vector<16xi32>
    %add3A_342 = vector.broadcast %add3A_340 : i32 to vector<16xi32>
    %add3A_343 = arith.addi %add3A_342, %iota3A_341 : vector<16xi32>
    %mul3A_344 = arith.constant 64 : i32
    %mul3A_345 = arith.muli %arg1, %mul3A_344 : i32
    %add3A_346 = arith.constant 1601536 : i32
    %add3A_347 = arith.addi %add3A_346, %mul3A_345 : i32
    %add3A_348 = arith.constant 48 : i32
    %add3A_349 = arith.addi %add3A_347, %add3A_348 : i32
    %iota3A_350 = tpu.iota {dimensions = array<i32: 0>} : vector<16xi32>
    %add3A_351 = vector.broadcast %add3A_349 : i32 to vector<16xi32>
    %add3A_352 = arith.addi %add3A_351, %iota3A_350 : vector<16xi32>
    %mul3A_353 = arith.constant 64 : i32
    %mul3A_354 = arith.muli %arg1, %mul3A_353 : i32
    %add3A_355 = arith.constant 1601536 : i32
    %add3A_356 = arith.addi %add3A_355, %mul3A_354 : i32
    %add3A_357 = arith.constant 0 : i32
    %add3A_358 = arith.addi %add3A_356, %add3A_357 : i32
    %iota3A_359 = tpu.iota {dimensions = array<i32: 0>} : vector<16xi32>
    %add3A_360 = vector.broadcast %add3A_358 : i32 to vector<16xi32>
    %add3A_361 = arith.addi %add3A_360, %iota3A_359 : vector<16xi32>
    %mul3A_362 = arith.constant 64 : i32
    %mul3A_363 = arith.muli %arg1, %mul3A_362 : i32
    %add3A_364 = arith.constant 1601536 : i32
    %add3A_365 = arith.addi %add3A_364, %mul3A_363 : i32
    %add3A_366 = arith.constant 16 : i32
    %add3A_367 = arith.addi %add3A_365, %add3A_366 : i32
    %iota3A_368 = tpu.iota {dimensions = array<i32: 0>} : vector<16xi32>
    %add3A_369 = vector.broadcast %add3A_367 : i32 to vector<16xi32>
    %add3A_370 = arith.addi %add3A_369, %iota3A_368 : vector<16xi32>
    %mul3A_371 = arith.constant 64 : i32
    %mul3A_372 = arith.muli %arg1, %mul3A_371 : i32
    %add3A_373 = arith.constant 1601536 : i32
    %add3A_374 = arith.addi %add3A_373, %mul3A_372 : i32
    %add3A_375 = arith.constant 32 : i32
    %add3A_376 = arith.addi %add3A_374, %add3A_375 : i32
    %iota3A_377 = tpu.iota {dimensions = array<i32: 0>} : vector<16xi32>
    %add3A_378 = vector.broadcast %add3A_376 : i32 to vector<16xi32>
    %add3A_379 = arith.addi %add3A_378, %iota3A_377 : vector<16xi32>
    %mul3A_380 = arith.constant 64 : i32
    %mul3A_381 = arith.muli %arg1, %mul3A_380 : i32
    %add3A_382 = arith.constant 1601536 : i32
    %add3A_383 = arith.addi %add3A_382, %mul3A_381 : i32
    %add3A_384 = arith.constant 48 : i32
    %add3A_385 = arith.addi %add3A_383, %add3A_384 : i32
    %iota3A_386 = tpu.iota {dimensions = array<i32: 0>} : vector<16xi32>
    %add3A_387 = vector.broadcast %add3A_385 : i32 to vector<16xi32>
    %add3A_388 = arith.addi %add3A_387, %iota3A_386 : vector<16xi32>
    %scan3A_389 = arith.constant 0 : i32
    %scan3A_390 = arith.constant 1601536 : i32
    %scan3A_391 = arith.constant 0 : i32
    %scan3A_392 = arith.constant 16 : i32
    %scan3A_393 = arith.addi %scan3A_391, %scan3A_392 : i32
    %scan3A_394 = arith.constant 1 : i32
    scf.for %scan3A_443 = %scan3A_391 to %scan3A_393 step %scan3A_394  : i32 {
      %mul3A_444 = arith.constant 8192 : i32
      %mul3A_445 = arith.muli %scan3A_443, %mul3A_444 : i32
      %add3A_446 = arith.addi %mul3A_0, %mul3A_445 : i32
      %dma_start3A = tpu.memref_slice %arg3[%add3A_446] : memref<2097152xi32, #tpu.memory_space<hbm>> -> memref<8192xi32, #tpu.memory_space<hbm>>
      %dma_start3A_447 = tpu.memref_slice %arg3[%add3A_446] : memref<2097152xi32, #tpu.memory_space<hbm>> -> memref<8192xi32, #tpu.memory_space<hbm>>
      tpu.enqueue_dma source(%dma_start3A_447 : memref<8192xi32, #tpu.memory_space<hbm>>) target(%arg7 : memref<8192xi32, #tpu.memory_space<vmem>>) target_semaphore(%arg9 : memref<!tpu.dma_semaphore, #tpu.memory_space<semaphore_mem>>)
      %dma_start3A_448 = tpu.memref_slice %arg4[%add3A_446] : memref<2097152xf32, #tpu.memory_space<hbm>> -> memref<8192xf32, #tpu.memory_space<hbm>>
      %dma_start3A_449 = tpu.memref_slice %arg4[%add3A_446] : memref<2097152xf32, #tpu.memory_space<hbm>> -> memref<8192xf32, #tpu.memory_space<hbm>>
      tpu.enqueue_dma source(%dma_start3A_449 : memref<8192xf32, #tpu.memory_space<hbm>>) target(%arg8 : memref<8192xf32, #tpu.memory_space<vmem>>) target_semaphore(%arg9 : memref<!tpu.dma_semaphore, #tpu.memory_space<semaphore_mem>>)
      %dma_wait3A = tpu.memref_slice %arg3[%add3A_446] : memref<2097152xi32, #tpu.memory_space<hbm>> -> memref<8192xi32, #tpu.memory_space<hbm>>
      %dma_wait3A_450 = tpu.memref_slice %arg3[%add3A_446] : memref<2097152xi32, #tpu.memory_space<hbm>> -> memref<8192xi32, #tpu.memory_space<hbm>>
      tpu.wait_dma2 semaphore(%arg9 : memref<!tpu.dma_semaphore, #tpu.memory_space<semaphore_mem>>) src(%dma_wait3A_450 : memref<8192xi32, #tpu.memory_space<hbm>>) dst(%arg7 : memref<8192xi32, #tpu.memory_space<vmem>>)
      %dma_wait3A_451 = tpu.memref_slice %arg4[%add3A_446] : memref<2097152xf32, #tpu.memory_space<hbm>> -> memref<8192xf32, #tpu.memory_space<hbm>>
      %dma_wait3A_452 = tpu.memref_slice %arg4[%add3A_446] : memref<2097152xf32, #tpu.memory_space<hbm>> -> memref<8192xf32, #tpu.memory_space<hbm>>
      tpu.wait_dma2 semaphore(%arg9 : memref<!tpu.dma_semaphore, #tpu.memory_space<semaphore_mem>>) src(%dma_wait3A_452 : memref<8192xf32, #tpu.memory_space<hbm>>) dst(%arg8 : memref<8192xf32, #tpu.memory_space<vmem>>)
      %scan3A_453 = arith.constant 0 : i32
      %scan3A_454 = arith.constant 0 : i32
      %scan3A_455 = arith.constant 64 : i32
      %scan3A_456 = arith.addi %scan3A_454, %scan3A_455 : i32
      %scan3A_457 = arith.constant 1 : i32
      scf.for %scan3A_463 = %scan3A_454 to %scan3A_456 step %scan3A_457  : i32 {
        %mul3A_464 = arith.constant 128 : i32
        %mul3A_465 = arith.muli %scan3A_463, %mul3A_464 : i32
        %add3A_466 = arith.constant 0 : i32
        %add3A_467 = arith.addi %mul3A_465, %add3A_466 : i32
        %get3A = arith.index_cast %add3A_467 : i32 to index
        %get3A_468 = tpu.vector_load %arg7[%get3A] {strides = array<i32>} : memref<8192xi32, #tpu.memory_space<vmem>>, vector<16xi32>,
        %get3A_469 = vector.shape_cast %get3A_468 : vector<16xi32> to vector<16xi32>
        %get3A_470 = arith.index_cast %add3A_467 : i32 to index
        %get3A_471 = tpu.vector_load %arg8[%get3A_470] {strides = array<i32>} : memref<8192xf32, #tpu.memory_space<vmem>>, vector<16xf32>,
        %get3A_472 = vector.shape_cast %get3A_471 : vector<16xf32> to vector<16xf32>
        %mul3A_473 = arith.constant 128 : i32
        %mul3A_474 = vector.broadcast %mul3A_473 : i32 to vector<16xi32>
        %mul3A_475 = arith.muli %get3A_469, %mul3A_474 : vector<16xi32>
        %sub3A = vector.broadcast %mul3A_276 : i32 to vector<16xi32>
        %sub3A_476 = arith.subi %add3A_288, %sub3A : vector<16xi32>
        %add3A_477 = arith.addi %mul3A_475, %sub3A_476 : vector<16xi32>
        %lt3A = vector.broadcast %scan3A_390 : i32 to vector<16xi32>
        %lt3A_478 = arith.cmpi ult, %add3A_477, %lt3A : vector<16xi32>
        %select_n3A = arith.select %lt3A_478, %add3A_477, %add3A_325 : vector<16xi1>, vector<16xi32>
        %swap3A = arith.index_cast %add3A_467 : i32 to index
        %swap3A_479 = tpu.vector_load %arg7[%swap3A] {strides = array<i32>} : memref<8192xi32, #tpu.memory_space<vmem>>, vector<16xi32>,
        %swap3A_480 = vector.shape_cast %swap3A_479 : vector<16xi32> to vector<16xi32>
        %swap3A_481 = vector.shape_cast %select_n3A : vector<16xi32> to vector<16xi32>
        tpu.vector_store %arg7[%swap3A], %swap3A_481 {strides = array<i32>} : memref<8192xi32, #tpu.memory_space<vmem>>, vector<16xi32>,
        %jit3A = arith.constant 0.000000e+00 : f32
        %broadcast_in_dim3A = vector.broadcast %jit3A : f32 to vector<16xf32>
        %select_n3A_482 = arith.select %lt3A_478, %get3A_472, %broadcast_in_dim3A : vector<16xi1>, vector<16xf32>
        %swap3A_483 = arith.index_cast %add3A_467 : i32 to index
        %swap3A_484 = tpu.vector_load %arg8[%swap3A_483] {strides = array<i32>} : memref<8192xf32, #tpu.memory_space<vmem>>, vector<16xf32>,
        %swap3A_485 = vector.shape_cast %swap3A_484 : vector<16xf32> to vector<16xf32>
        %swap3A_486 = vector.shape_cast %select_n3A_482 : vector<16xf32> to vector<16xf32>
        tpu.vector_store %arg8[%swap3A_483], %swap3A_486 {strides = array<i32>} : memref<8192xf32, #tpu.memory_space<vmem>>, vector<16xf32>,
        %mul3A_487 = arith.constant 128 : i32
        %mul3A_488 = arith.muli %scan3A_463, %mul3A_487 : i32
        %add3A_489 = arith.constant 16 : i32
        %add3A_490 = arith.addi %mul3A_488, %add3A_489 : i32
        %get3A_491 = arith.index_cast %add3A_490 : i32 to index
        %get3A_492 = tpu.vector_load %arg7[%get3A_491] {strides = array<i32>} : memref<8192xi32, #tpu.memory_space<vmem>>, vector<16xi32>,
        %get3A_493 = vector.shape_cast %get3A_492 : vector<16xi32> to vector<16xi32>
        %get3A_494 = arith.index_cast %add3A_490 : i32 to index
        %get3A_495 = tpu.vector_load %arg8[%get3A_494] {strides = array<i32>} : memref<8192xf32, #tpu.memory_space<vmem>>, vector<16xf32>,
        %get3A_496 = vector.shape_cast %get3A_495 : vector<16xf32> to vector<16xf32>
        %mul3A_497 = arith.constant 128 : i32
        %mul3A_498 = vector.broadcast %mul3A_497 : i32 to vector<16xi32>
        %mul3A_499 = arith.muli %get3A_493, %mul3A_498 : vector<16xi32>
        %sub3A_500 = vector.broadcast %mul3A_276 : i32 to vector<16xi32>
        %sub3A_501 = arith.subi %add3A_292, %sub3A_500 : vector<16xi32>
        %add3A_502 = arith.addi %mul3A_499, %sub3A_501 : vector<16xi32>
        %lt3A_503 = vector.broadcast %scan3A_390 : i32 to vector<16xi32>
        %lt3A_504 = arith.cmpi ult, %add3A_502, %lt3A_503 : vector<16xi32>
        %select_n3A_505 = arith.select %lt3A_504, %add3A_502, %add3A_334 : vector<16xi1>, vector<16xi32>
        %swap3A_506 = arith.index_cast %add3A_490 : i32 to index
        %swap3A_507 = tpu.vector_load %arg7[%swap3A_506] {strides = array<i32>} : memref<8192xi32, #tpu.memory_space<vmem>>, vector<16xi32>,
        %swap3A_508 = vector.shape_cast %swap3A_507 : vector<16xi32> to vector<16xi32>
        %swap3A_509 = vector.shape_cast %select_n3A_505 : vector<16xi32> to vector<16xi32>
        tpu.vector_store %arg7[%swap3A_506], %swap3A_509 {strides = array<i32>} : memref<8192xi32, #tpu.memory_space<vmem>>, vector<16xi32>,
        %jit3A_510 = arith.constant 0.000000e+00 : f32
        %broadcast_in_dim3A_511 = vector.broadcast %jit3A_510 : f32 to vector<16xf32>
        %select_n3A_512 = arith.select %lt3A_504, %get3A_496, %broadcast_in_dim3A_511 : vector<16xi1>, vector<16xf32>
        %swap3A_513 = arith.index_cast %add3A_490 : i32 to index
        %swap3A_514 = tpu.vector_load %arg8[%swap3A_513] {strides = array<i32>} : memref<8192xf32, #tpu.memory_space<vmem>>, vector<16xf32>,
        %swap3A_515 = vector.shape_cast %swap3A_514 : vector<16xf32> to vector<16xf32>
        %swap3A_516 = vector.shape_cast %select_n3A_512 : vector<16xf32> to vector<16xf32>
        tpu.vector_store %arg8[%swap3A_513], %swap3A_516 {strides = array<i32>} : memref<8192xf32, #tpu.memory_space<vmem>>, vector<16xf32>,
        %mul3A_517 = arith.constant 128 : i32
        %mul3A_518 = arith.muli %scan3A_463, %mul3A_517 : i32
        %add3A_519 = arith.constant 32 : i32
        %add3A_520 = arith.addi %mul3A_518, %add3A_519 : i32
        %get3A_521 = arith.index_cast %add3A_520 : i32 to index
        %get3A_522 = tpu.vector_load %arg7[%get3A_521] {strides = array<i32>} : memref<8192xi32, #tpu.memory_space<vmem>>, vector<16xi32>,
        %get3A_523 = vector.shape_cast %get3A_522 : vector<16xi32> to vector<16xi32>
        %get3A_524 = arith.index_cast %add3A_520 : i32 to index
        %get3A_525 = tpu.vector_load %arg8[%get3A_524] {strides = array<i32>} : memref<8192xf32, #tpu.memory_space<vmem>>, vector<16xf32>,
        %get3A_526 = vector.shape_cast %get3A_525 : vector<16xf32> to vector<16xf32>
        %mul3A_527 = arith.constant 128 : i32
        %mul3A_528 = vector.broadcast %mul3A_527 : i32 to vector<16xi32>
        %mul3A_529 = arith.muli %get3A_523, %mul3A_528 : vector<16xi32>
        %sub3A_530 = vector.broadcast %mul3A_276 : i32 to vector<16xi32>
        %sub3A_531 = arith.subi %add3A_296, %sub3A_530 : vector<16xi32>
        %add3A_532 = arith.addi %mul3A_529, %sub3A_531 : vector<16xi32>
        %lt3A_533 = vector.broadcast %scan3A_390 : i32 to vector<16xi32>
        %lt3A_534 = arith.cmpi ult, %add3A_532, %lt3A_533 : vector<16xi32>
        %select_n3A_535 = arith.select %lt3A_534, %add3A_532, %add3A_343 : vector<16xi1>, vector<16xi32>
        %swap3A_536 = arith.index_cast %add3A_520 : i32 to index
        %swap3A_537 = tpu.vector_load %arg7[%swap3A_536] {strides = array<i32>} : memref<8192xi32, #tpu.memory_space<vmem>>, vector<16xi32>,
        %swap3A_538 = vector.shape_cast %swap3A_537 : vector<16xi32> to vector<16xi32>
        %swap3A_539 = vector.shape_cast %select_n3A_535 : vector<16xi32> to vector<16xi32>
        tpu.vector_store %arg7[%swap3A_536], %swap3A_539 {strides = array<i32>} : memref<8192xi32, #tpu.memory_space<vmem>>, vector<16xi32>,
        %jit3A_540 = arith.constant 0.000000e+00 : f32
        %broadcast_in_dim3A_541 = vector.broadcast %jit3A_540 : f32 to vector<16xf32>
        %select_n3A_542 = arith.select %lt3A_534, %get3A_526, %broadcast_in_dim3A_541 : vector<16xi1>, vector<16xf32>
        %swap3A_543 = arith.index_cast %add3A_520 : i32 to index
        %swap3A_544 = tpu.vector_load %arg8[%swap3A_543] {strides = array<i32>} : memref<8192xf32, #tpu.memory_space<vmem>>, vector<16xf32>,
        %swap3A_545 = vector.shape_cast %swap3A_544 : vector<16xf32> to vector<16xf32>
        %swap3A_546 = vector.shape_cast %select_n3A_542 : vector<16xf32> to vector<16xf32>
        tpu.vector_store %arg8[%swap3A_543], %swap3A_546 {strides = array<i32>} : memref<8192xf32, #tpu.memory_space<vmem>>, vector<16xf32>,
        %mul3A_547 = arith.constant 128 : i32
        %mul3A_548 = arith.muli %scan3A_463, %mul3A_547 : i32
        %add3A_549 = arith.constant 48 : i32
        %add3A_550 = arith.addi %mul3A_548, %add3A_549 : i32
        %get3A_551 = arith.index_cast %add3A_550 : i32 to index
        %get3A_552 = tpu.vector_load %arg7[%get3A_551] {strides = array<i32>} : memref<8192xi32, #tpu.memory_space<vmem>>, vector<16xi32>,
        %get3A_553 = vector.shape_cast %get3A_552 : vector<16xi32> to vector<16xi32>
        %get3A_554 = arith.index_cast %add3A_550 : i32 to index
        %get3A_555 = tpu.vector_load %arg8[%get3A_554] {strides = array<i32>} : memref<8192xf32, #tpu.memory_space<vmem>>, vector<16xf32>,
        %get3A_556 = vector.shape_cast %get3A_555 : vector<16xf32> to vector<16xf32>
        %mul3A_557 = arith.constant 128 : i32
        %mul3A_558 = vector.broadcast %mul3A_557 : i32 to vector<16xi32>
        %mul3A_559 = arith.muli %get3A_553, %mul3A_558 : vector<16xi32>
        %sub3A_560 = vector.broadcast %mul3A_276 : i32 to vector<16xi32>
        %sub3A_561 = arith.subi %add3A_300, %sub3A_560 : vector<16xi32>
        %add3A_562 = arith.addi %mul3A_559, %sub3A_561 : vector<16xi32>
        %lt3A_563 = vector.broadcast %scan3A_390 : i32 to vector<16xi32>
        %lt3A_564 = arith.cmpi ult, %add3A_562, %lt3A_563 : vector<16xi32>
        %select_n3A_565 = arith.select %lt3A_564, %add3A_562, %add3A_352 : vector<16xi1>, vector<16xi32>
        %swap3A_566 = arith.index_cast %add3A_550 : i32 to index
        %swap3A_567 = tpu.vector_load %arg7[%swap3A_566] {strides = array<i32>} : memref<8192xi32, #tpu.memory_space<vmem>>, vector<16xi32>,
        %swap3A_568 = vector.shape_cast %swap3A_567 : vector<16xi32> to vector<16xi32>
        %swap3A_569 = vector.shape_cast %select_n3A_565 : vector<16xi32> to vector<16xi32>
        tpu.vector_store %arg7[%swap3A_566], %swap3A_569 {strides = array<i32>} : memref<8192xi32, #tpu.memory_space<vmem>>, vector<16xi32>,
        %jit3A_570 = arith.constant 0.000000e+00 : f32
        %broadcast_in_dim3A_571 = vector.broadcast %jit3A_570 : f32 to vector<16xf32>
        %select_n3A_572 = arith.select %lt3A_564, %get3A_556, %broadcast_in_dim3A_571 : vector<16xi1>, vector<16xf32>
        %swap3A_573 = arith.index_cast %add3A_550 : i32 to index
        %swap3A_574 = tpu.vector_load %arg8[%swap3A_573] {strides = array<i32>} : memref<8192xf32, #tpu.memory_space<vmem>>, vector<16xf32>,
        %swap3A_575 = vector.shape_cast %swap3A_574 : vector<16xf32> to vector<16xf32>
        %swap3A_576 = vector.shape_cast %select_n3A_572 : vector<16xf32> to vector<16xf32>
        tpu.vector_store %arg8[%swap3A_573], %swap3A_576 {strides = array<i32>} : memref<8192xf32, #tpu.memory_space<vmem>>, vector<16xf32>,
        %mul3A_577 = arith.constant 128 : i32
        %mul3A_578 = arith.muli %scan3A_463, %mul3A_577 : i32
        %add3A_579 = arith.constant 64 : i32
        %add3A_580 = arith.addi %mul3A_578, %add3A_579 : i32
        %get3A_581 = arith.index_cast %add3A_580 : i32 to index
        %get3A_582 = tpu.vector_load %arg7[%get3A_581] {strides = array<i32>} : memref<8192xi32, #tpu.memory_space<vmem>>, vector<16xi32>,
        %get3A_583 = vector.shape_cast %get3A_582 : vector<16xi32> to vector<16xi32>
        %get3A_584 = arith.index_cast %add3A_580 : i32 to index
        %get3A_585 = tpu.vector_load %arg8[%get3A_584] {strides = array<i32>} : memref<8192xf32, #tpu.memory_space<vmem>>, vector<16xf32>,
        %get3A_586 = vector.shape_cast %get3A_585 : vector<16xf32> to vector<16xf32>
        %mul3A_587 = arith.constant 128 : i32
        %mul3A_588 = vector.broadcast %mul3A_587 : i32 to vector<16xi32>
        %mul3A_589 = arith.muli %get3A_583, %mul3A_588 : vector<16xi32>
        %sub3A_590 = vector.broadcast %mul3A_276 : i32 to vector<16xi32>
        %sub3A_591 = arith.subi %add3A_304, %sub3A_590 : vector<16xi32>
        %add3A_592 = arith.addi %mul3A_589, %sub3A_591 : vector<16xi32>
        %lt3A_593 = vector.broadcast %scan3A_390 : i32 to vector<16xi32>
        %lt3A_594 = arith.cmpi ult, %add3A_592, %lt3A_593 : vector<16xi32>
        %select_n3A_595 = arith.select %lt3A_594, %add3A_592, %add3A_361 : vector<16xi1>, vector<16xi32>
        %swap3A_596 = arith.index_cast %add3A_580 : i32 to index
        %swap3A_597 = tpu.vector_load %arg7[%swap3A_596] {strides = array<i32>} : memref<8192xi32, #tpu.memory_space<vmem>>, vector<16xi32>,
        %swap3A_598 = vector.shape_cast %swap3A_597 : vector<16xi32> to vector<16xi32>
        %swap3A_599 = vector.shape_cast %select_n3A_595 : vector<16xi32> to vector<16xi32>
        tpu.vector_store %arg7[%swap3A_596], %swap3A_599 {strides = array<i32>} : memref<8192xi32, #tpu.memory_space<vmem>>, vector<16xi32>,
        %jit3A_600 = arith.constant 0.000000e+00 : f32
        %broadcast_in_dim3A_601 = vector.broadcast %jit3A_600 : f32 to vector<16xf32>
        %select_n3A_602 = arith.select %lt3A_594, %get3A_586, %broadcast_in_dim3A_601 : vector<16xi1>, vector<16xf32>
        %swap3A_603 = arith.index_cast %add3A_580 : i32 to index
        %swap3A_604 = tpu.vector_load %arg8[%swap3A_603] {strides = array<i32>} : memref<8192xf32, #tpu.memory_space<vmem>>, vector<16xf32>,
        %swap3A_605 = vector.shape_cast %swap3A_604 : vector<16xf32> to vector<16xf32>
        %swap3A_606 = vector.shape_cast %select_n3A_602 : vector<16xf32> to vector<16xf32>
        tpu.vector_store %arg8[%swap3A_603], %swap3A_606 {strides = array<i32>} : memref<8192xf32, #tpu.memory_space<vmem>>, vector<16xf32>,
        %mul3A_607 = arith.constant 128 : i32
        %mul3A_608 = arith.muli %scan3A_463, %mul3A_607 : i32
        %add3A_609 = arith.constant 80 : i32
        %add3A_610 = arith.addi %mul3A_608, %add3A_609 : i32
        %get3A_611 = arith.index_cast %add3A_610 : i32 to index
        %get3A_612 = tpu.vector_load %arg7[%get3A_611] {strides = array<i32>} : memref<8192xi32, #tpu.memory_space<vmem>>, vector<16xi32>,
        %get3A_613 = vector.shape_cast %get3A_612 : vector<16xi32> to vector<16xi32>
        %get3A_614 = arith.index_cast %add3A_610 : i32 to index
        %get3A_615 = tpu.vector_load %arg8[%get3A_614] {strides = array<i32>} : memref<8192xf32, #tpu.memory_space<vmem>>, vector<16xf32>,
        %get3A_616 = vector.shape_cast %get3A_615 : vector<16xf32> to vector<16xf32>
        %mul3A_617 = arith.constant 128 : i32
        %mul3A_618 = vector.broadcast %mul3A_617 : i32 to vector<16xi32>
        %mul3A_619 = arith.muli %get3A_613, %mul3A_618 : vector<16xi32>
        %sub3A_620 = vector.broadcast %mul3A_276 : i32 to vector<16xi32>
        %sub3A_621 = arith.subi %add3A_308, %sub3A_620 : vector<16xi32>
        %add3A_622 = arith.addi %mul3A_619, %sub3A_621 : vector<16xi32>
        %lt3A_623 = vector.broadcast %scan3A_390 : i32 to vector<16xi32>
        %lt3A_624 = arith.cmpi ult, %add3A_622, %lt3A_623 : vector<16xi32>
        %select_n3A_625 = arith.select %lt3A_624, %add3A_622, %add3A_370 : vector<16xi1>, vector<16xi32>
        %swap3A_626 = arith.index_cast %add3A_610 : i32 to index
        %swap3A_627 = tpu.vector_load %arg7[%swap3A_626] {strides = array<i32>} : memref<8192xi32, #tpu.memory_space<vmem>>, vector<16xi32>,
        %swap3A_628 = vector.shape_cast %swap3A_627 : vector<16xi32> to vector<16xi32>
        %swap3A_629 = vector.shape_cast %select_n3A_625 : vector<16xi32> to vector<16xi32>
        tpu.vector_store %arg7[%swap3A_626], %swap3A_629 {strides = array<i32>} : memref<8192xi32, #tpu.memory_space<vmem>>, vector<16xi32>,
        %jit3A_630 = arith.constant 0.000000e+00 : f32
        %broadcast_in_dim3A_631 = vector.broadcast %jit3A_630 : f32 to vector<16xf32>
        %select_n3A_632 = arith.select %lt3A_624, %get3A_616, %broadcast_in_dim3A_631 : vector<16xi1>, vector<16xf32>
        %swap3A_633 = arith.index_cast %add3A_610 : i32 to index
        %swap3A_634 = tpu.vector_load %arg8[%swap3A_633] {strides = array<i32>} : memref<8192xf32, #tpu.memory_space<vmem>>, vector<16xf32>,
        %swap3A_635 = vector.shape_cast %swap3A_634 : vector<16xf32> to vector<16xf32>
        %swap3A_636 = vector.shape_cast %select_n3A_632 : vector<16xf32> to vector<16xf32>
        tpu.vector_store %arg8[%swap3A_633], %swap3A_636 {strides = array<i32>} : memref<8192xf32, #tpu.memory_space<vmem>>, vector<16xf32>,
        %mul3A_637 = arith.constant 128 : i32
        %mul3A_638 = arith.muli %scan3A_463, %mul3A_637 : i32
        %add3A_639 = arith.constant 96 : i32
        %add3A_640 = arith.addi %mul3A_638, %add3A_639 : i32
        %get3A_641 = arith.index_cast %add3A_640 : i32 to index
        %get3A_642 = tpu.vector_load %arg7[%get3A_641] {strides = array<i32>} : memref<8192xi32, #tpu.memory_space<vmem>>, vector<16xi32>,
        %get3A_643 = vector.shape_cast %get3A_642 : vector<16xi32> to vector<16xi32>
        %get3A_644 = arith.index_cast %add3A_640 : i32 to index
        %get3A_645 = tpu.vector_load %arg8[%get3A_644] {strides = array<i32>} : memref<8192xf32, #tpu.memory_space<vmem>>, vector<16xf32>,
        %get3A_646 = vector.shape_cast %get3A_645 : vector<16xf32> to vector<16xf32>
        %mul3A_647 = arith.constant 128 : i32
        %mul3A_648 = vector.broadcast %mul3A_647 : i32 to vector<16xi32>
        %mul3A_649 = arith.muli %get3A_643, %mul3A_648 : vector<16xi32>
        %sub3A_650 = vector.broadcast %mul3A_276 : i32 to vector<16xi32>
        %sub3A_651 = arith.subi %add3A_312, %sub3A_650 : vector<16xi32>
        %add3A_652 = arith.addi %mul3A_649, %sub3A_651 : vector<16xi32>
        %lt3A_653 = vector.broadcast %scan3A_390 : i32 to vector<16xi32>
        %lt3A_654 = arith.cmpi ult, %add3A_652, %lt3A_653 : vector<16xi32>
        %select_n3A_655 = arith.select %lt3A_654, %add3A_652, %add3A_379 : vector<16xi1>, vector<16xi32>
        %swap3A_656 = arith.index_cast %add3A_640 : i32 to index
        %swap3A_657 = tpu.vector_load %arg7[%swap3A_656] {strides = array<i32>} : memref<8192xi32, #tpu.memory_space<vmem>>, vector<16xi32>,
        %swap3A_658 = vector.shape_cast %swap3A_657 : vector<16xi32> to vector<16xi32>
        %swap3A_659 = vector.shape_cast %select_n3A_655 : vector<16xi32> to vector<16xi32>
        tpu.vector_store %arg7[%swap3A_656], %swap3A_659 {strides = array<i32>} : memref<8192xi32, #tpu.memory_space<vmem>>, vector<16xi32>,
        %jit3A_660 = arith.constant 0.000000e+00 : f32
        %broadcast_in_dim3A_661 = vector.broadcast %jit3A_660 : f32 to vector<16xf32>
        %select_n3A_662 = arith.select %lt3A_654, %get3A_646, %broadcast_in_dim3A_661 : vector<16xi1>, vector<16xf32>
        %swap3A_663 = arith.index_cast %add3A_640 : i32 to index
        %swap3A_664 = tpu.vector_load %arg8[%swap3A_663] {strides = array<i32>} : memref<8192xf32, #tpu.memory_space<vmem>>, vector<16xf32>,
        %swap3A_665 = vector.shape_cast %swap3A_664 : vector<16xf32> to vector<16xf32>
        %swap3A_666 = vector.shape_cast %select_n3A_662 : vector<16xf32> to vector<16xf32>
        tpu.vector_store %arg8[%swap3A_663], %swap3A_666 {strides = array<i32>} : memref<8192xf32, #tpu.memory_space<vmem>>, vector<16xf32>,
        %mul3A_667 = arith.constant 128 : i32
        %mul3A_668 = arith.muli %scan3A_463, %mul3A_667 : i32
        %add3A_669 = arith.constant 112 : i32
        %add3A_670 = arith.addi %mul3A_668, %add3A_669 : i32
        %get3A_671 = arith.index_cast %add3A_670 : i32 to index
        %get3A_672 = tpu.vector_load %arg7[%get3A_671] {strides = array<i32>} : memref<8192xi32, #tpu.memory_space<vmem>>, vector<16xi32>,
        %get3A_673 = vector.shape_cast %get3A_672 : vector<16xi32> to vector<16xi32>
        %get3A_674 = arith.index_cast %add3A_670 : i32 to index
        %get3A_675 = tpu.vector_load %arg8[%get3A_674] {strides = array<i32>} : memref<8192xf32, #tpu.memory_space<vmem>>, vector<16xf32>,
        %get3A_676 = vector.shape_cast %get3A_675 : vector<16xf32> to vector<16xf32>
        %mul3A_677 = arith.constant 128 : i32
        %mul3A_678 = vector.broadcast %mul3A_677 : i32 to vector<16xi32>
        %mul3A_679 = arith.muli %get3A_673, %mul3A_678 : vector<16xi32>
        %sub3A_680 = vector.broadcast %mul3A_276 : i32 to vector<16xi32>
        %sub3A_681 = arith.subi %add3A_316, %sub3A_680 : vector<16xi32>
        %add3A_682 = arith.addi %mul3A_679, %sub3A_681 : vector<16xi32>
        %lt3A_683 = vector.broadcast %scan3A_390 : i32 to vector<16xi32>
        %lt3A_684 = arith.cmpi ult, %add3A_682, %lt3A_683 : vector<16xi32>
        %select_n3A_685 = arith.select %lt3A_684, %add3A_682, %add3A_388 : vector<16xi1>, vector<16xi32>
        %swap3A_686 = arith.index_cast %add3A_670 : i32 to index
        %swap3A_687 = tpu.vector_load %arg7[%swap3A_686] {strides = array<i32>} : memref<8192xi32, #tpu.memory_space<vmem>>, vector<16xi32>,
        %swap3A_688 = vector.shape_cast %swap3A_687 : vector<16xi32> to vector<16xi32>
        %swap3A_689 = vector.shape_cast %select_n3A_685 : vector<16xi32> to vector<16xi32>
        tpu.vector_store %arg7[%swap3A_686], %swap3A_689 {strides = array<i32>} : memref<8192xi32, #tpu.memory_space<vmem>>, vector<16xi32>,
        %jit3A_690 = arith.constant 0.000000e+00 : f32
        %broadcast_in_dim3A_691 = vector.broadcast %jit3A_690 : f32 to vector<16xf32>
        %select_n3A_692 = arith.select %lt3A_684, %get3A_676, %broadcast_in_dim3A_691 : vector<16xi1>, vector<16xf32>
        %swap3A_693 = arith.index_cast %add3A_670 : i32 to index
        %swap3A_694 = tpu.vector_load %arg8[%swap3A_693] {strides = array<i32>} : memref<8192xf32, #tpu.memory_space<vmem>>, vector<16xf32>,
        %swap3A_695 = vector.shape_cast %swap3A_694 : vector<16xf32> to vector<16xf32>
        %swap3A_696 = vector.shape_cast %select_n3A_692 : vector<16xf32> to vector<16xf32>
        tpu.vector_store %arg8[%swap3A_693], %swap3A_696 {strides = array<i32>} : memref<8192xf32, #tpu.memory_space<vmem>>, vector<16xf32>,
      }
      %scan3A_458 = arith.constant 64 : i32
      %dma_start3A_459 = arith.constant 0 : i32
      %dma_start3A_460 = tpu.memref_slice %arg6[%dma_start3A_459] : memref<1602560xf32, #tpu.memory_space<vmem_shared>> -> memref<1602560xf32, #tpu.memory_space<vmem_shared>>
      tpu.enqueue_indirect_dma source(%arg8 : memref<8192xf32, #tpu.memory_space<vmem>>) target(%dma_start3A_460 : memref<1602560xf32, #tpu.memory_space<vmem_shared>>) offsets(%arg7 : memref<8192xi32, #tpu.memory_space<vmem>>) semaphore(%arg9 : memref<!tpu.dma_semaphore, #tpu.memory_space<semaphore_mem>>) {add = true}
      %dma_wait3A_461 = arith.constant 0 : i32
      %dma_wait3A_462 = tpu.memref_slice %arg6[%dma_wait3A_461] : memref<1602560xf32, #tpu.memory_space<vmem_shared>> -> memref<1602560xf32, #tpu.memory_space<vmem_shared>>
      tpu.wait_indirect_dma semaphore(%arg9 : memref<!tpu.dma_semaphore, #tpu.memory_space<semaphore_mem>>) src(%arg8 : memref<8192xf32, #tpu.memory_space<vmem>>) dst(%dma_wait3A_462 : memref<1602560xf32, #tpu.memory_space<vmem_shared>>)
    }
    %scan3A_395 = arith.constant 16 : i32
    %barrier3A_396 = arith.constant 0 : index
    tpu.barrier barrier_id(%barrier3A_396)
    %mul3A_397 = arith.constant 100096 : i32
    %mul3A_398 = arith.muli %arg1, %mul3A_397 : i32
    %add3A_399 = arith.constant 0 : i32
    %add3A_400 = arith.addi %add3A_399, %mul3A_398 : i32
    %mul3A_401 = arith.constant 100096 : i32
    %mul3A_402 = arith.muli %arg1, %mul3A_401 : i32
    %add3A_403 = arith.addi %mul3A_276, %mul3A_402 : i32
    "tpu.region"() ({
      %run_scoped3A = tpu.sem_alloc : memref<!tpu.dma_semaphore, #tpu.memory_space<semaphore_mem>>
      %dma_start3A = tpu.memref_slice %arg5[%add3A_403] : memref<12800000xf32, #tpu.memory_space<hbm>> -> memref<100096xf32, #tpu.memory_space<hbm>>
      %dma_start3A_443 = tpu.memref_slice %arg6[%add3A_400] : memref<1602560xf32, #tpu.memory_space<vmem_shared>> -> memref<100096xf32, #tpu.memory_space<vmem_shared>>
      tpu.enqueue_dma source(%dma_start3A_443 : memref<100096xf32, #tpu.memory_space<vmem_shared>>) target(%dma_start3A : memref<100096xf32, #tpu.memory_space<hbm>>) target_semaphore(%run_scoped3A : memref<!tpu.dma_semaphore, #tpu.memory_space<semaphore_mem>>)
      %dma_wait3A = tpu.memref_slice %arg5[%add3A_403] : memref<12800000xf32, #tpu.memory_space<hbm>> -> memref<100096xf32, #tpu.memory_space<hbm>>
      %dma_wait3A_444 = tpu.memref_slice %arg6[%add3A_400] : memref<1602560xf32, #tpu.memory_space<vmem_shared>> -> memref<100096xf32, #tpu.memory_space<vmem_shared>>
      tpu.wait_dma2 semaphore(%run_scoped3A : memref<!tpu.dma_semaphore, #tpu.memory_space<semaphore_mem>>) src(%dma_wait3A_444 : memref<100096xf32, #tpu.memory_space<vmem_shared>>) dst(%dma_wait3A : memref<100096xf32, #tpu.memory_space<hbm>>)
      tpu.yield
    }) : () -> ()
    %barrier3A_404 = arith.constant 0 : index
    tpu.barrier barrier_id(%barrier3A_404)
    %mul3A_405 = arith.constant 4 : i32
    %mul3A_406 = arith.muli %arg0, %mul3A_405 : i32
    %add3A_407 = arith.constant 3 : i32
    %add3A_408 = arith.addi %mul3A_406, %add3A_407 : i32
    %mul3A_409 = arith.constant 12512 : i32
    %mul3A_410 = arith.muli %add3A_408, %mul3A_409 : i32
    %mul3A_411 = arith.constant 128 : i32
    %mul3A_412 = arith.muli %mul3A_410, %mul3A_411 : i32
    %eq3A = arith.constant 0 : i32
    %eq3A_413 = arith.cmpi eq, %arg0, %eq3A : i32
    %convert_element_type3A = arith.extui %eq3A_413 : i1 to i32
    %cond3A = arith.constant 0 : i32
    %cond3A_414 = arith.cmpi ne, %convert_element_type3A, %cond3A : i32
    scf.if %cond3A_414 {
      %mul3A_443 = arith.constant 100096 : i32
      %mul3A_444 = arith.muli %arg1, %mul3A_443 : i32
      %add3A_445 = arith.addi %mul3A_412, %mul3A_444 : i32
      %mul3A_446 = arith.constant 100096 : i32
      %mul3A_447 = arith.muli %arg1, %mul3A_446 : i32
      %add3A_448 = arith.constant 0 : i32
      %add3A_449 = arith.addi %add3A_448, %mul3A_447 : i32
      "tpu.region"() ({
        %run_scoped3A = tpu.sem_alloc : memref<!tpu.dma_semaphore, #tpu.memory_space<semaphore_mem>>
        %dma_start3A = tpu.memref_slice %arg6[%add3A_449] : memref<1602560xf32, #tpu.memory_space<vmem_shared>> -> memref<100096xf32, #tpu.memory_space<vmem_shared>>
        %dma_start3A_450 = tpu.memref_slice %arg2[%add3A_445] : memref<12800000xf32, #tpu.memory_space<hbm>> -> memref<100096xf32, #tpu.memory_space<hbm>>
        tpu.enqueue_dma source(%dma_start3A_450 : memref<100096xf32, #tpu.memory_space<hbm>>) target(%dma_start3A : memref<100096xf32, #tpu.memory_space<vmem_shared>>) target_semaphore(%run_scoped3A : memref<!tpu.dma_semaphore, #tpu.memory_space<semaphore_mem>>)
        %dma_wait3A = tpu.memref_slice %arg6[%add3A_449] : memref<1602560xf32, #tpu.memory_space<vmem_shared>> -> memref<100096xf32, #tpu.memory_space<vmem_shared>>
        %dma_wait3A_451 = tpu.memref_slice %arg2[%add3A_445] : memref<12800000xf32, #tpu.memory_space<hbm>> -> memref<100096xf32, #tpu.memory_space<hbm>>
        tpu.wait_dma2 semaphore(%run_scoped3A : memref<!tpu.dma_semaphore, #tpu.memory_space<semaphore_mem>>) src(%dma_wait3A_451 : memref<100096xf32, #tpu.memory_space<hbm>>) dst(%dma_wait3A : memref<100096xf32, #tpu.memory_space<vmem_shared>>)
        tpu.yield
      }) : () -> ()
    } else {
    }
    %eq3A_415 = arith.constant 1 : i32
    %eq3A_416 = arith.cmpi eq, %arg0, %eq3A_415 : i32
    %convert_element_type3A_417 = arith.extui %eq3A_416 : i1 to i32
    %cond3A_418 = arith.constant 0 : i32
    %cond3A_419 = arith.cmpi ne, %convert_element_type3A_417, %cond3A_418 : i32
    scf.if %cond3A_419 {
      %mul3A_443 = arith.constant 99328 : i32
      %mul3A_444 = arith.muli %arg1, %mul3A_443 : i32
      %add3A_445 = arith.addi %mul3A_412, %mul3A_444 : i32
      %mul3A_446 = arith.constant 99328 : i32
      %mul3A_447 = arith.muli %arg1, %mul3A_446 : i32
      %add3A_448 = arith.constant 0 : i32
      %add3A_449 = arith.addi %add3A_448, %mul3A_447 : i32
      "tpu.region"() ({
        %run_scoped3A = tpu.sem_alloc : memref<!tpu.dma_semaphore, #tpu.memory_space<semaphore_mem>>
        %dma_start3A = tpu.memref_slice %arg6[%add3A_449] : memref<1602560xf32, #tpu.memory_space<vmem_shared>> -> memref<99328xf32, #tpu.memory_space<vmem_shared>>
        %dma_start3A_450 = tpu.memref_slice %arg2[%add3A_445] : memref<12800000xf32, #tpu.memory_space<hbm>> -> memref<99328xf32, #tpu.memory_space<hbm>>
        tpu.enqueue_dma source(%dma_start3A_450 : memref<99328xf32, #tpu.memory_space<hbm>>) target(%dma_start3A : memref<99328xf32, #tpu.memory_space<vmem_shared>>) target_semaphore(%run_scoped3A : memref<!tpu.dma_semaphore, #tpu.memory_space<semaphore_mem>>)
        %dma_wait3A = tpu.memref_slice %arg6[%add3A_449] : memref<1602560xf32, #tpu.memory_space<vmem_shared>> -> memref<99328xf32, #tpu.memory_space<vmem_shared>>
        %dma_wait3A_451 = tpu.memref_slice %arg2[%add3A_445] : memref<12800000xf32, #tpu.memory_space<hbm>> -> memref<99328xf32, #tpu.memory_space<hbm>>
        tpu.wait_dma2 semaphore(%run_scoped3A : memref<!tpu.dma_semaphore, #tpu.memory_space<semaphore_mem>>) src(%dma_wait3A_451 : memref<99328xf32, #tpu.memory_space<hbm>>) dst(%dma_wait3A : memref<99328xf32, #tpu.memory_space<vmem_shared>>)
        tpu.yield
      }) : () -> ()
    } else {
    }
    %barrier3A_420 = arith.constant 0 : index
    tpu.barrier barrier_id(%barrier3A_420)
    %eq3A_421 = arith.constant 0 : i32
    %eq3A_422 = arith.cmpi eq, %arg0, %eq3A_421 : i32
    %convert_element_type3A_423 = arith.extui %eq3A_422 : i1 to i32
    %cond3A_424 = arith.constant 0 : i32
    %cond3A_425 = arith.cmpi ne, %convert_element_type3A_423, %cond3A_424 : i32
    scf.if %cond3A_425 {
      %iota3A_443 = tpu.iota {dimensions = array<i32: 0>} : vector<16xi32>
      %add3A_444 = arith.constant 0 : i32
      %add3A_445 = vector.broadcast %add3A_444 : i32 to vector<16xi32>
      %add3A_446 = arith.addi %iota3A_443, %add3A_445 : vector<16xi32>
      %iota3A_447 = tpu.iota {dimensions = array<i32: 0>} : vector<16xi32>
      %add3A_448 = arith.constant 16 : i32
      %add3A_449 = vector.broadcast %add3A_448 : i32 to vector<16xi32>
      %add3A_450 = arith.addi %iota3A_447, %add3A_449 : vector<16xi32>
      %iota3A_451 = tpu.iota {dimensions = array<i32: 0>} : vector<16xi32>
      %add3A_452 = arith.constant 32 : i32
      %add3A_453 = vector.broadcast %add3A_452 : i32 to vector<16xi32>
      %add3A_454 = arith.addi %iota3A_451, %add3A_453 : vector<16xi32>
      %iota3A_455 = tpu.iota {dimensions = array<i32: 0>} : vector<16xi32>
      %add3A_456 = arith.constant 48 : i32
      %add3A_457 = vector.broadcast %add3A_456 : i32 to vector<16xi32>
      %add3A_458 = arith.addi %iota3A_455, %add3A_457 : vector<16xi32>
      %iota3A_459 = tpu.iota {dimensions = array<i32: 0>} : vector<16xi32>
      %add3A_460 = arith.constant 64 : i32
      %add3A_461 = vector.broadcast %add3A_460 : i32 to vector<16xi32>
      %add3A_462 = arith.addi %iota3A_459, %add3A_461 : vector<16xi32>
      %iota3A_463 = tpu.iota {dimensions = array<i32: 0>} : vector<16xi32>
      %add3A_464 = arith.constant 80 : i32
      %add3A_465 = vector.broadcast %add3A_464 : i32 to vector<16xi32>
      %add3A_466 = arith.addi %iota3A_463, %add3A_465 : vector<16xi32>
      %iota3A_467 = tpu.iota {dimensions = array<i32: 0>} : vector<16xi32>
      %add3A_468 = arith.constant 96 : i32
      %add3A_469 = vector.broadcast %add3A_468 : i32 to vector<16xi32>
      %add3A_470 = arith.addi %iota3A_467, %add3A_469 : vector<16xi32>
      %iota3A_471 = tpu.iota {dimensions = array<i32: 0>} : vector<16xi32>
      %add3A_472 = arith.constant 112 : i32
      %add3A_473 = vector.broadcast %add3A_472 : i32 to vector<16xi32>
      %add3A_474 = arith.addi %iota3A_471, %add3A_473 : vector<16xi32>
      %mul3A_475 = arith.constant 64 : i32
      %mul3A_476 = arith.muli %arg1, %mul3A_475 : i32
      %add3A_477 = arith.constant 1601536 : i32
      %add3A_478 = arith.addi %add3A_477, %mul3A_476 : i32
      %add3A_479 = arith.constant 0 : i32
      %add3A_480 = arith.addi %add3A_478, %add3A_479 : i32
      %iota3A_481 = tpu.iota {dimensions = array<i32: 0>} : vector<16xi32>
      %add3A_482 = vector.broadcast %add3A_480 : i32 to vector<16xi32>
      %add3A_483 = arith.addi %add3A_482, %iota3A_481 : vector<16xi32>
      %mul3A_484 = arith.constant 64 : i32
      %mul3A_485 = arith.muli %arg1, %mul3A_484 : i32
      %add3A_486 = arith.constant 1601536 : i32
      %add3A_487 = arith.addi %add3A_486, %mul3A_485 : i32
      %add3A_488 = arith.constant 16 : i32
      %add3A_489 = arith.addi %add3A_487, %add3A_488 : i32
      %iota3A_490 = tpu.iota {dimensions = array<i32: 0>} : vector<16xi32>
      %add3A_491 = vector.broadcast %add3A_489 : i32 to vector<16xi32>
      %add3A_492 = arith.addi %add3A_491, %iota3A_490 : vector<16xi32>
      %mul3A_493 = arith.constant 64 : i32
      %mul3A_494 = arith.muli %arg1, %mul3A_493 : i32
      %add3A_495 = arith.constant 1601536 : i32
      %add3A_496 = arith.addi %add3A_495, %mul3A_494 : i32
      %add3A_497 = arith.constant 32 : i32
      %add3A_498 = arith.addi %add3A_496, %add3A_497 : i32
      %iota3A_499 = tpu.iota {dimensions = array<i32: 0>} : vector<16xi32>
      %add3A_500 = vector.broadcast %add3A_498 : i32 to vector<16xi32>
      %add3A_501 = arith.addi %add3A_500, %iota3A_499 : vector<16xi32>
      %mul3A_502 = arith.constant 64 : i32
      %mul3A_503 = arith.muli %arg1, %mul3A_502 : i32
      %add3A_504 = arith.constant 1601536 : i32
      %add3A_505 = arith.addi %add3A_504, %mul3A_503 : i32
      %add3A_506 = arith.constant 48 : i32
      %add3A_507 = arith.addi %add3A_505, %add3A_506 : i32
      %iota3A_508 = tpu.iota {dimensions = array<i32: 0>} : vector<16xi32>
      %add3A_509 = vector.broadcast %add3A_507 : i32 to vector<16xi32>
      %add3A_510 = arith.addi %add3A_509, %iota3A_508 : vector<16xi32>
      %mul3A_511 = arith.constant 64 : i32
      %mul3A_512 = arith.muli %arg1, %mul3A_511 : i32
      %add3A_513 = arith.constant 1601536 : i32
      %add3A_514 = arith.addi %add3A_513, %mul3A_512 : i32
      %add3A_515 = arith.constant 0 : i32
      %add3A_516 = arith.addi %add3A_514, %add3A_515 : i32
      %iota3A_517 = tpu.iota {dimensions = array<i32: 0>} : vector<16xi32>
      %add3A_518 = vector.broadcast %add3A_516 : i32 to vector<16xi32>
      %add3A_519 = arith.addi %add3A_518, %iota3A_517 : vector<16xi32>
      %mul3A_520 = arith.constant 64 : i32
      %mul3A_521 = arith.muli %arg1, %mul3A_520 : i32
      %add3A_522 = arith.constant 1601536 : i32
      %add3A_523 = arith.addi %add3A_522, %mul3A_521 : i32
      %add3A_524 = arith.constant 16 : i32
      %add3A_525 = arith.addi %add3A_523, %add3A_524 : i32
      %iota3A_526 = tpu.iota {dimensions = array<i32: 0>} : vector<16xi32>
      %add3A_527 = vector.broadcast %add3A_525 : i32 to vector<16xi32>
      %add3A_528 = arith.addi %add3A_527, %iota3A_526 : vector<16xi32>
      %mul3A_529 = arith.constant 64 : i32
      %mul3A_530 = arith.muli %arg1, %mul3A_529 : i32
      %add3A_531 = arith.constant 1601536 : i32
      %add3A_532 = arith.addi %add3A_531, %mul3A_530 : i32
      %add3A_533 = arith.constant 32 : i32
      %add3A_534 = arith.addi %add3A_532, %add3A_533 : i32
      %iota3A_535 = tpu.iota {dimensions = array<i32: 0>} : vector<16xi32>
      %add3A_536 = vector.broadcast %add3A_534 : i32 to vector<16xi32>
      %add3A_537 = arith.addi %add3A_536, %iota3A_535 : vector<16xi32>
      %mul3A_538 = arith.constant 64 : i32
      %mul3A_539 = arith.muli %arg1, %mul3A_538 : i32
      %add3A_540 = arith.constant 1601536 : i32
      %add3A_541 = arith.addi %add3A_540, %mul3A_539 : i32
      %add3A_542 = arith.constant 48 : i32
      %add3A_543 = arith.addi %add3A_541, %add3A_542 : i32
      %iota3A_544 = tpu.iota {dimensions = array<i32: 0>} : vector<16xi32>
      %add3A_545 = vector.broadcast %add3A_543 : i32 to vector<16xi32>
      %add3A_546 = arith.addi %add3A_545, %iota3A_544 : vector<16xi32>
      %scan3A_547 = arith.constant 0 : i32
      %scan3A_548 = arith.constant 1601536 : i32
      %scan3A_549 = arith.constant 0 : i32
      %scan3A_550 = arith.constant 16 : i32
      %scan3A_551 = arith.addi %scan3A_549, %scan3A_550 : i32
      %scan3A_552 = arith.constant 1 : i32
      scf.for %scan3A_554 = %scan3A_549 to %scan3A_551 step %scan3A_552  : i32 {
        %mul3A_555 = arith.constant 8192 : i32
        %mul3A_556 = arith.muli %scan3A_554, %mul3A_555 : i32
        %add3A_557 = arith.addi %mul3A_0, %mul3A_556 : i32
        %dma_start3A = tpu.memref_slice %arg3[%add3A_557] : memref<2097152xi32, #tpu.memory_space<hbm>> -> memref<8192xi32, #tpu.memory_space<hbm>>
        %dma_start3A_558 = tpu.memref_slice %arg3[%add3A_557] : memref<2097152xi32, #tpu.memory_space<hbm>> -> memref<8192xi32, #tpu.memory_space<hbm>>
        tpu.enqueue_dma source(%dma_start3A_558 : memref<8192xi32, #tpu.memory_space<hbm>>) target(%arg7 : memref<8192xi32, #tpu.memory_space<vmem>>) target_semaphore(%arg9 : memref<!tpu.dma_semaphore, #tpu.memory_space<semaphore_mem>>)
        %dma_start3A_559 = tpu.memref_slice %arg4[%add3A_557] : memref<2097152xf32, #tpu.memory_space<hbm>> -> memref<8192xf32, #tpu.memory_space<hbm>>
        %dma_start3A_560 = tpu.memref_slice %arg4[%add3A_557] : memref<2097152xf32, #tpu.memory_space<hbm>> -> memref<8192xf32, #tpu.memory_space<hbm>>
        tpu.enqueue_dma source(%dma_start3A_560 : memref<8192xf32, #tpu.memory_space<hbm>>) target(%arg8 : memref<8192xf32, #tpu.memory_space<vmem>>) target_semaphore(%arg9 : memref<!tpu.dma_semaphore, #tpu.memory_space<semaphore_mem>>)
        %dma_wait3A = tpu.memref_slice %arg3[%add3A_557] : memref<2097152xi32, #tpu.memory_space<hbm>> -> memref<8192xi32, #tpu.memory_space<hbm>>
        %dma_wait3A_561 = tpu.memref_slice %arg3[%add3A_557] : memref<2097152xi32, #tpu.memory_space<hbm>> -> memref<8192xi32, #tpu.memory_space<hbm>>
        tpu.wait_dma2 semaphore(%arg9 : memref<!tpu.dma_semaphore, #tpu.memory_space<semaphore_mem>>) src(%dma_wait3A_561 : memref<8192xi32, #tpu.memory_space<hbm>>) dst(%arg7 : memref<8192xi32, #tpu.memory_space<vmem>>)
        %dma_wait3A_562 = tpu.memref_slice %arg4[%add3A_557] : memref<2097152xf32, #tpu.memory_space<hbm>> -> memref<8192xf32, #tpu.memory_space<hbm>>
        %dma_wait3A_563 = tpu.memref_slice %arg4[%add3A_557] : memref<2097152xf32, #tpu.memory_space<hbm>> -> memref<8192xf32, #tpu.memory_space<hbm>>
        tpu.wait_dma2 semaphore(%arg9 : memref<!tpu.dma_semaphore, #tpu.memory_space<semaphore_mem>>) src(%dma_wait3A_563 : memref<8192xf32, #tpu.memory_space<hbm>>) dst(%arg8 : memref<8192xf32, #tpu.memory_space<vmem>>)
        %scan3A_564 = arith.constant 0 : i32
        %scan3A_565 = arith.constant 0 : i32
        %scan3A_566 = arith.constant 64 : i32
        %scan3A_567 = arith.addi %scan3A_565, %scan3A_566 : i32
        %scan3A_568 = arith.constant 1 : i32
        scf.for %scan3A_574 = %scan3A_565 to %scan3A_567 step %scan3A_568  : i32 {
          %mul3A_575 = arith.constant 128 : i32
          %mul3A_576 = arith.muli %scan3A_574, %mul3A_575 : i32
          %add3A_577 = arith.constant 0 : i32
          %add3A_578 = arith.addi %mul3A_576, %add3A_577 : i32
          %get3A = arith.index_cast %add3A_578 : i32 to index
          %get3A_579 = tpu.vector_load %arg7[%get3A] {strides = array<i32>} : memref<8192xi32, #tpu.memory_space<vmem>>, vector<16xi32>,
          %get3A_580 = vector.shape_cast %get3A_579 : vector<16xi32> to vector<16xi32>
          %get3A_581 = arith.index_cast %add3A_578 : i32 to index
          %get3A_582 = tpu.vector_load %arg8[%get3A_581] {strides = array<i32>} : memref<8192xf32, #tpu.memory_space<vmem>>, vector<16xf32>,
          %get3A_583 = vector.shape_cast %get3A_582 : vector<16xf32> to vector<16xf32>
          %mul3A_584 = arith.constant 128 : i32
          %mul3A_585 = vector.broadcast %mul3A_584 : i32 to vector<16xi32>
          %mul3A_586 = arith.muli %get3A_580, %mul3A_585 : vector<16xi32>
          %sub3A = vector.broadcast %mul3A_412 : i32 to vector<16xi32>
          %sub3A_587 = arith.subi %add3A_446, %sub3A : vector<16xi32>
          %add3A_588 = arith.addi %mul3A_586, %sub3A_587 : vector<16xi32>
          %lt3A = vector.broadcast %scan3A_548 : i32 to vector<16xi32>
          %lt3A_589 = arith.cmpi ult, %add3A_588, %lt3A : vector<16xi32>
          %select_n3A = arith.select %lt3A_589, %add3A_588, %add3A_483 : vector<16xi1>, vector<16xi32>
          %swap3A = arith.index_cast %add3A_578 : i32 to index
          %swap3A_590 = tpu.vector_load %arg7[%swap3A] {strides = array<i32>} : memref<8192xi32, #tpu.memory_space<vmem>>, vector<16xi32>,
          %swap3A_591 = vector.shape_cast %swap3A_590 : vector<16xi32> to vector<16xi32>
          %swap3A_592 = vector.shape_cast %select_n3A : vector<16xi32> to vector<16xi32>
          tpu.vector_store %arg7[%swap3A], %swap3A_592 {strides = array<i32>} : memref<8192xi32, #tpu.memory_space<vmem>>, vector<16xi32>,
          %jit3A = arith.constant 0.000000e+00 : f32
          %broadcast_in_dim3A = vector.broadcast %jit3A : f32 to vector<16xf32>
          %select_n3A_593 = arith.select %lt3A_589, %get3A_583, %broadcast_in_dim3A : vector<16xi1>, vector<16xf32>
          %swap3A_594 = arith.index_cast %add3A_578 : i32 to index
          %swap3A_595 = tpu.vector_load %arg8[%swap3A_594] {strides = array<i32>} : memref<8192xf32, #tpu.memory_space<vmem>>, vector<16xf32>,
          %swap3A_596 = vector.shape_cast %swap3A_595 : vector<16xf32> to vector<16xf32>
          %swap3A_597 = vector.shape_cast %select_n3A_593 : vector<16xf32> to vector<16xf32>
          tpu.vector_store %arg8[%swap3A_594], %swap3A_597 {strides = array<i32>} : memref<8192xf32, #tpu.memory_space<vmem>>, vector<16xf32>,
          %mul3A_598 = arith.constant 128 : i32
          %mul3A_599 = arith.muli %scan3A_574, %mul3A_598 : i32
          %add3A_600 = arith.constant 16 : i32
          %add3A_601 = arith.addi %mul3A_599, %add3A_600 : i32
          %get3A_602 = arith.index_cast %add3A_601 : i32 to index
          %get3A_603 = tpu.vector_load %arg7[%get3A_602] {strides = array<i32>} : memref<8192xi32, #tpu.memory_space<vmem>>, vector<16xi32>,
          %get3A_604 = vector.shape_cast %get3A_603 : vector<16xi32> to vector<16xi32>
          %get3A_605 = arith.index_cast %add3A_601 : i32 to index
          %get3A_606 = tpu.vector_load %arg8[%get3A_605] {strides = array<i32>} : memref<8192xf32, #tpu.memory_space<vmem>>, vector<16xf32>,
          %get3A_607 = vector.shape_cast %get3A_606 : vector<16xf32> to vector<16xf32>
          %mul3A_608 = arith.constant 128 : i32
          %mul3A_609 = vector.broadcast %mul3A_608 : i32 to vector<16xi32>
          %mul3A_610 = arith.muli %get3A_604, %mul3A_609 : vector<16xi32>
          %sub3A_611 = vector.broadcast %mul3A_412 : i32 to vector<16xi32>
          %sub3A_612 = arith.subi %add3A_450, %sub3A_611 : vector<16xi32>
          %add3A_613 = arith.addi %mul3A_610, %sub3A_612 : vector<16xi32>
          %lt3A_614 = vector.broadcast %scan3A_548 : i32 to vector<16xi32>
          %lt3A_615 = arith.cmpi ult, %add3A_613, %lt3A_614 : vector<16xi32>
          %select_n3A_616 = arith.select %lt3A_615, %add3A_613, %add3A_492 : vector<16xi1>, vector<16xi32>
          %swap3A_617 = arith.index_cast %add3A_601 : i32 to index
          %swap3A_618 = tpu.vector_load %arg7[%swap3A_617] {strides = array<i32>} : memref<8192xi32, #tpu.memory_space<vmem>>, vector<16xi32>,
          %swap3A_619 = vector.shape_cast %swap3A_618 : vector<16xi32> to vector<16xi32>
          %swap3A_620 = vector.shape_cast %select_n3A_616 : vector<16xi32> to vector<16xi32>
          tpu.vector_store %arg7[%swap3A_617], %swap3A_620 {strides = array<i32>} : memref<8192xi32, #tpu.memory_space<vmem>>, vector<16xi32>,
          %jit3A_621 = arith.constant 0.000000e+00 : f32
          %broadcast_in_dim3A_622 = vector.broadcast %jit3A_621 : f32 to vector<16xf32>
          %select_n3A_623 = arith.select %lt3A_615, %get3A_607, %broadcast_in_dim3A_622 : vector<16xi1>, vector<16xf32>
          %swap3A_624 = arith.index_cast %add3A_601 : i32 to index
          %swap3A_625 = tpu.vector_load %arg8[%swap3A_624] {strides = array<i32>} : memref<8192xf32, #tpu.memory_space<vmem>>, vector<16xf32>,
          %swap3A_626 = vector.shape_cast %swap3A_625 : vector<16xf32> to vector<16xf32>
          %swap3A_627 = vector.shape_cast %select_n3A_623 : vector<16xf32> to vector<16xf32>
          tpu.vector_store %arg8[%swap3A_624], %swap3A_627 {strides = array<i32>} : memref<8192xf32, #tpu.memory_space<vmem>>, vector<16xf32>,
          %mul3A_628 = arith.constant 128 : i32
          %mul3A_629 = arith.muli %scan3A_574, %mul3A_628 : i32
          %add3A_630 = arith.constant 32 : i32
          %add3A_631 = arith.addi %mul3A_629, %add3A_630 : i32
          %get3A_632 = arith.index_cast %add3A_631 : i32 to index
          %get3A_633 = tpu.vector_load %arg7[%get3A_632] {strides = array<i32>} : memref<8192xi32, #tpu.memory_space<vmem>>, vector<16xi32>,
          %get3A_634 = vector.shape_cast %get3A_633 : vector<16xi32> to vector<16xi32>
          %get3A_635 = arith.index_cast %add3A_631 : i32 to index
          %get3A_636 = tpu.vector_load %arg8[%get3A_635] {strides = array<i32>} : memref<8192xf32, #tpu.memory_space<vmem>>, vector<16xf32>,
          %get3A_637 = vector.shape_cast %get3A_636 : vector<16xf32> to vector<16xf32>
          %mul3A_638 = arith.constant 128 : i32
          %mul3A_639 = vector.broadcast %mul3A_638 : i32 to vector<16xi32>
          %mul3A_640 = arith.muli %get3A_634, %mul3A_639 : vector<16xi32>
          %sub3A_641 = vector.broadcast %mul3A_412 : i32 to vector<16xi32>
          %sub3A_642 = arith.subi %add3A_454, %sub3A_641 : vector<16xi32>
          %add3A_643 = arith.addi %mul3A_640, %sub3A_642 : vector<16xi32>
          %lt3A_644 = vector.broadcast %scan3A_548 : i32 to vector<16xi32>
          %lt3A_645 = arith.cmpi ult, %add3A_643, %lt3A_644 : vector<16xi32>
          %select_n3A_646 = arith.select %lt3A_645, %add3A_643, %add3A_501 : vector<16xi1>, vector<16xi32>
          %swap3A_647 = arith.index_cast %add3A_631 : i32 to index
          %swap3A_648 = tpu.vector_load %arg7[%swap3A_647] {strides = array<i32>} : memref<8192xi32, #tpu.memory_space<vmem>>, vector<16xi32>,
          %swap3A_649 = vector.shape_cast %swap3A_648 : vector<16xi32> to vector<16xi32>
          %swap3A_650 = vector.shape_cast %select_n3A_646 : vector<16xi32> to vector<16xi32>
          tpu.vector_store %arg7[%swap3A_647], %swap3A_650 {strides = array<i32>} : memref<8192xi32, #tpu.memory_space<vmem>>, vector<16xi32>,
          %jit3A_651 = arith.constant 0.000000e+00 : f32
          %broadcast_in_dim3A_652 = vector.broadcast %jit3A_651 : f32 to vector<16xf32>
          %select_n3A_653 = arith.select %lt3A_645, %get3A_637, %broadcast_in_dim3A_652 : vector<16xi1>, vector<16xf32>
          %swap3A_654 = arith.index_cast %add3A_631 : i32 to index
          %swap3A_655 = tpu.vector_load %arg8[%swap3A_654] {strides = array<i32>} : memref<8192xf32, #tpu.memory_space<vmem>>, vector<16xf32>,
          %swap3A_656 = vector.shape_cast %swap3A_655 : vector<16xf32> to vector<16xf32>
          %swap3A_657 = vector.shape_cast %select_n3A_653 : vector<16xf32> to vector<16xf32>
          tpu.vector_store %arg8[%swap3A_654], %swap3A_657 {strides = array<i32>} : memref<8192xf32, #tpu.memory_space<vmem>>, vector<16xf32>,
          %mul3A_658 = arith.constant 128 : i32
          %mul3A_659 = arith.muli %scan3A_574, %mul3A_658 : i32
          %add3A_660 = arith.constant 48 : i32
          %add3A_661 = arith.addi %mul3A_659, %add3A_660 : i32
          %get3A_662 = arith.index_cast %add3A_661 : i32 to index
          %get3A_663 = tpu.vector_load %arg7[%get3A_662] {strides = array<i32>} : memref<8192xi32, #tpu.memory_space<vmem>>, vector<16xi32>,
          %get3A_664 = vector.shape_cast %get3A_663 : vector<16xi32> to vector<16xi32>
          %get3A_665 = arith.index_cast %add3A_661 : i32 to index
          %get3A_666 = tpu.vector_load %arg8[%get3A_665] {strides = array<i32>} : memref<8192xf32, #tpu.memory_space<vmem>>, vector<16xf32>,
          %get3A_667 = vector.shape_cast %get3A_666 : vector<16xf32> to vector<16xf32>
          %mul3A_668 = arith.constant 128 : i32
          %mul3A_669 = vector.broadcast %mul3A_668 : i32 to vector<16xi32>
          %mul3A_670 = arith.muli %get3A_664, %mul3A_669 : vector<16xi32>
          %sub3A_671 = vector.broadcast %mul3A_412 : i32 to vector<16xi32>
          %sub3A_672 = arith.subi %add3A_458, %sub3A_671 : vector<16xi32>
          %add3A_673 = arith.addi %mul3A_670, %sub3A_672 : vector<16xi32>
          %lt3A_674 = vector.broadcast %scan3A_548 : i32 to vector<16xi32>
          %lt3A_675 = arith.cmpi ult, %add3A_673, %lt3A_674 : vector<16xi32>
          %select_n3A_676 = arith.select %lt3A_675, %add3A_673, %add3A_510 : vector<16xi1>, vector<16xi32>
          %swap3A_677 = arith.index_cast %add3A_661 : i32 to index
          %swap3A_678 = tpu.vector_load %arg7[%swap3A_677] {strides = array<i32>} : memref<8192xi32, #tpu.memory_space<vmem>>, vector<16xi32>,
          %swap3A_679 = vector.shape_cast %swap3A_678 : vector<16xi32> to vector<16xi32>
          %swap3A_680 = vector.shape_cast %select_n3A_676 : vector<16xi32> to vector<16xi32>
          tpu.vector_store %arg7[%swap3A_677], %swap3A_680 {strides = array<i32>} : memref<8192xi32, #tpu.memory_space<vmem>>, vector<16xi32>,
          %jit3A_681 = arith.constant 0.000000e+00 : f32
          %broadcast_in_dim3A_682 = vector.broadcast %jit3A_681 : f32 to vector<16xf32>
          %select_n3A_683 = arith.select %lt3A_675, %get3A_667, %broadcast_in_dim3A_682 : vector<16xi1>, vector<16xf32>
          %swap3A_684 = arith.index_cast %add3A_661 : i32 to index
          %swap3A_685 = tpu.vector_load %arg8[%swap3A_684] {strides = array<i32>} : memref<8192xf32, #tpu.memory_space<vmem>>, vector<16xf32>,
          %swap3A_686 = vector.shape_cast %swap3A_685 : vector<16xf32> to vector<16xf32>
          %swap3A_687 = vector.shape_cast %select_n3A_683 : vector<16xf32> to vector<16xf32>
          tpu.vector_store %arg8[%swap3A_684], %swap3A_687 {strides = array<i32>} : memref<8192xf32, #tpu.memory_space<vmem>>, vector<16xf32>,
          %mul3A_688 = arith.constant 128 : i32
          %mul3A_689 = arith.muli %scan3A_574, %mul3A_688 : i32
          %add3A_690 = arith.constant 64 : i32
          %add3A_691 = arith.addi %mul3A_689, %add3A_690 : i32
          %get3A_692 = arith.index_cast %add3A_691 : i32 to index
          %get3A_693 = tpu.vector_load %arg7[%get3A_692] {strides = array<i32>} : memref<8192xi32, #tpu.memory_space<vmem>>, vector<16xi32>,
          %get3A_694 = vector.shape_cast %get3A_693 : vector<16xi32> to vector<16xi32>
          %get3A_695 = arith.index_cast %add3A_691 : i32 to index
          %get3A_696 = tpu.vector_load %arg8[%get3A_695] {strides = array<i32>} : memref<8192xf32, #tpu.memory_space<vmem>>, vector<16xf32>,
          %get3A_697 = vector.shape_cast %get3A_696 : vector<16xf32> to vector<16xf32>
          %mul3A_698 = arith.constant 128 : i32
          %mul3A_699 = vector.broadcast %mul3A_698 : i32 to vector<16xi32>
          %mul3A_700 = arith.muli %get3A_694, %mul3A_699 : vector<16xi32>
          %sub3A_701 = vector.broadcast %mul3A_412 : i32 to vector<16xi32>
          %sub3A_702 = arith.subi %add3A_462, %sub3A_701 : vector<16xi32>
          %add3A_703 = arith.addi %mul3A_700, %sub3A_702 : vector<16xi32>
          %lt3A_704 = vector.broadcast %scan3A_548 : i32 to vector<16xi32>
          %lt3A_705 = arith.cmpi ult, %add3A_703, %lt3A_704 : vector<16xi32>
          %select_n3A_706 = arith.select %lt3A_705, %add3A_703, %add3A_519 : vector<16xi1>, vector<16xi32>
          %swap3A_707 = arith.index_cast %add3A_691 : i32 to index
          %swap3A_708 = tpu.vector_load %arg7[%swap3A_707] {strides = array<i32>} : memref<8192xi32, #tpu.memory_space<vmem>>, vector<16xi32>,
          %swap3A_709 = vector.shape_cast %swap3A_708 : vector<16xi32> to vector<16xi32>
          %swap3A_710 = vector.shape_cast %select_n3A_706 : vector<16xi32> to vector<16xi32>
          tpu.vector_store %arg7[%swap3A_707], %swap3A_710 {strides = array<i32>} : memref<8192xi32, #tpu.memory_space<vmem>>, vector<16xi32>,
          %jit3A_711 = arith.constant 0.000000e+00 : f32
          %broadcast_in_dim3A_712 = vector.broadcast %jit3A_711 : f32 to vector<16xf32>
          %select_n3A_713 = arith.select %lt3A_705, %get3A_697, %broadcast_in_dim3A_712 : vector<16xi1>, vector<16xf32>
          %swap3A_714 = arith.index_cast %add3A_691 : i32 to index
          %swap3A_715 = tpu.vector_load %arg8[%swap3A_714] {strides = array<i32>} : memref<8192xf32, #tpu.memory_space<vmem>>, vector<16xf32>,
          %swap3A_716 = vector.shape_cast %swap3A_715 : vector<16xf32> to vector<16xf32>
          %swap3A_717 = vector.shape_cast %select_n3A_713 : vector<16xf32> to vector<16xf32>
          tpu.vector_store %arg8[%swap3A_714], %swap3A_717 {strides = array<i32>} : memref<8192xf32, #tpu.memory_space<vmem>>, vector<16xf32>,
          %mul3A_718 = arith.constant 128 : i32
          %mul3A_719 = arith.muli %scan3A_574, %mul3A_718 : i32
          %add3A_720 = arith.constant 80 : i32
          %add3A_721 = arith.addi %mul3A_719, %add3A_720 : i32
          %get3A_722 = arith.index_cast %add3A_721 : i32 to index
          %get3A_723 = tpu.vector_load %arg7[%get3A_722] {strides = array<i32>} : memref<8192xi32, #tpu.memory_space<vmem>>, vector<16xi32>,
          %get3A_724 = vector.shape_cast %get3A_723 : vector<16xi32> to vector<16xi32>
          %get3A_725 = arith.index_cast %add3A_721 : i32 to index
          %get3A_726 = tpu.vector_load %arg8[%get3A_725] {strides = array<i32>} : memref<8192xf32, #tpu.memory_space<vmem>>, vector<16xf32>,
          %get3A_727 = vector.shape_cast %get3A_726 : vector<16xf32> to vector<16xf32>
          %mul3A_728 = arith.constant 128 : i32
          %mul3A_729 = vector.broadcast %mul3A_728 : i32 to vector<16xi32>
          %mul3A_730 = arith.muli %get3A_724, %mul3A_729 : vector<16xi32>
          %sub3A_731 = vector.broadcast %mul3A_412 : i32 to vector<16xi32>
          %sub3A_732 = arith.subi %add3A_466, %sub3A_731 : vector<16xi32>
          %add3A_733 = arith.addi %mul3A_730, %sub3A_732 : vector<16xi32>
          %lt3A_734 = vector.broadcast %scan3A_548 : i32 to vector<16xi32>
          %lt3A_735 = arith.cmpi ult, %add3A_733, %lt3A_734 : vector<16xi32>
          %select_n3A_736 = arith.select %lt3A_735, %add3A_733, %add3A_528 : vector<16xi1>, vector<16xi32>
          %swap3A_737 = arith.index_cast %add3A_721 : i32 to index
          %swap3A_738 = tpu.vector_load %arg7[%swap3A_737] {strides = array<i32>} : memref<8192xi32, #tpu.memory_space<vmem>>, vector<16xi32>,
          %swap3A_739 = vector.shape_cast %swap3A_738 : vector<16xi32> to vector<16xi32>
          %swap3A_740 = vector.shape_cast %select_n3A_736 : vector<16xi32> to vector<16xi32>
          tpu.vector_store %arg7[%swap3A_737], %swap3A_740 {strides = array<i32>} : memref<8192xi32, #tpu.memory_space<vmem>>, vector<16xi32>,
          %jit3A_741 = arith.constant 0.000000e+00 : f32
          %broadcast_in_dim3A_742 = vector.broadcast %jit3A_741 : f32 to vector<16xf32>
          %select_n3A_743 = arith.select %lt3A_735, %get3A_727, %broadcast_in_dim3A_742 : vector<16xi1>, vector<16xf32>
          %swap3A_744 = arith.index_cast %add3A_721 : i32 to index
          %swap3A_745 = tpu.vector_load %arg8[%swap3A_744] {strides = array<i32>} : memref<8192xf32, #tpu.memory_space<vmem>>, vector<16xf32>,
          %swap3A_746 = vector.shape_cast %swap3A_745 : vector<16xf32> to vector<16xf32>
          %swap3A_747 = vector.shape_cast %select_n3A_743 : vector<16xf32> to vector<16xf32>
          tpu.vector_store %arg8[%swap3A_744], %swap3A_747 {strides = array<i32>} : memref<8192xf32, #tpu.memory_space<vmem>>, vector<16xf32>,
          %mul3A_748 = arith.constant 128 : i32
          %mul3A_749 = arith.muli %scan3A_574, %mul3A_748 : i32
          %add3A_750 = arith.constant 96 : i32
          %add3A_751 = arith.addi %mul3A_749, %add3A_750 : i32
          %get3A_752 = arith.index_cast %add3A_751 : i32 to index
          %get3A_753 = tpu.vector_load %arg7[%get3A_752] {strides = array<i32>} : memref<8192xi32, #tpu.memory_space<vmem>>, vector<16xi32>,
          %get3A_754 = vector.shape_cast %get3A_753 : vector<16xi32> to vector<16xi32>
          %get3A_755 = arith.index_cast %add3A_751 : i32 to index
          %get3A_756 = tpu.vector_load %arg8[%get3A_755] {strides = array<i32>} : memref<8192xf32, #tpu.memory_space<vmem>>, vector<16xf32>,
          %get3A_757 = vector.shape_cast %get3A_756 : vector<16xf32> to vector<16xf32>
          %mul3A_758 = arith.constant 128 : i32
          %mul3A_759 = vector.broadcast %mul3A_758 : i32 to vector<16xi32>
          %mul3A_760 = arith.muli %get3A_754, %mul3A_759 : vector<16xi32>
          %sub3A_761 = vector.broadcast %mul3A_412 : i32 to vector<16xi32>
          %sub3A_762 = arith.subi %add3A_470, %sub3A_761 : vector<16xi32>
          %add3A_763 = arith.addi %mul3A_760, %sub3A_762 : vector<16xi32>
          %lt3A_764 = vector.broadcast %scan3A_548 : i32 to vector<16xi32>
          %lt3A_765 = arith.cmpi ult, %add3A_763, %lt3A_764 : vector<16xi32>
          %select_n3A_766 = arith.select %lt3A_765, %add3A_763, %add3A_537 : vector<16xi1>, vector<16xi32>
          %swap3A_767 = arith.index_cast %add3A_751 : i32 to index
          %swap3A_768 = tpu.vector_load %arg7[%swap3A_767] {strides = array<i32>} : memref<8192xi32, #tpu.memory_space<vmem>>, vector<16xi32>,
          %swap3A_769 = vector.shape_cast %swap3A_768 : vector<16xi32> to vector<16xi32>
          %swap3A_770 = vector.shape_cast %select_n3A_766 : vector<16xi32> to vector<16xi32>
          tpu.vector_store %arg7[%swap3A_767], %swap3A_770 {strides = array<i32>} : memref<8192xi32, #tpu.memory_space<vmem>>, vector<16xi32>,
          %jit3A_771 = arith.constant 0.000000e+00 : f32
          %broadcast_in_dim3A_772 = vector.broadcast %jit3A_771 : f32 to vector<16xf32>
          %select_n3A_773 = arith.select %lt3A_765, %get3A_757, %broadcast_in_dim3A_772 : vector<16xi1>, vector<16xf32>
          %swap3A_774 = arith.index_cast %add3A_751 : i32 to index
          %swap3A_775 = tpu.vector_load %arg8[%swap3A_774] {strides = array<i32>} : memref<8192xf32, #tpu.memory_space<vmem>>, vector<16xf32>,
          %swap3A_776 = vector.shape_cast %swap3A_775 : vector<16xf32> to vector<16xf32>
          %swap3A_777 = vector.shape_cast %select_n3A_773 : vector<16xf32> to vector<16xf32>
          tpu.vector_store %arg8[%swap3A_774], %swap3A_777 {strides = array<i32>} : memref<8192xf32, #tpu.memory_space<vmem>>, vector<16xf32>,
          %mul3A_778 = arith.constant 128 : i32
          %mul3A_779 = arith.muli %scan3A_574, %mul3A_778 : i32
          %add3A_780 = arith.constant 112 : i32
          %add3A_781 = arith.addi %mul3A_779, %add3A_780 : i32
          %get3A_782 = arith.index_cast %add3A_781 : i32 to index
          %get3A_783 = tpu.vector_load %arg7[%get3A_782] {strides = array<i32>} : memref<8192xi32, #tpu.memory_space<vmem>>, vector<16xi32>,
          %get3A_784 = vector.shape_cast %get3A_783 : vector<16xi32> to vector<16xi32>
          %get3A_785 = arith.index_cast %add3A_781 : i32 to index
          %get3A_786 = tpu.vector_load %arg8[%get3A_785] {strides = array<i32>} : memref<8192xf32, #tpu.memory_space<vmem>>, vector<16xf32>,
          %get3A_787 = vector.shape_cast %get3A_786 : vector<16xf32> to vector<16xf32>
          %mul3A_788 = arith.constant 128 : i32
          %mul3A_789 = vector.broadcast %mul3A_788 : i32 to vector<16xi32>
          %mul3A_790 = arith.muli %get3A_784, %mul3A_789 : vector<16xi32>
          %sub3A_791 = vector.broadcast %mul3A_412 : i32 to vector<16xi32>
          %sub3A_792 = arith.subi %add3A_474, %sub3A_791 : vector<16xi32>
          %add3A_793 = arith.addi %mul3A_790, %sub3A_792 : vector<16xi32>
          %lt3A_794 = vector.broadcast %scan3A_548 : i32 to vector<16xi32>
          %lt3A_795 = arith.cmpi ult, %add3A_793, %lt3A_794 : vector<16xi32>
          %select_n3A_796 = arith.select %lt3A_795, %add3A_793, %add3A_546 : vector<16xi1>, vector<16xi32>
          %swap3A_797 = arith.index_cast %add3A_781 : i32 to index
          %swap3A_798 = tpu.vector_load %arg7[%swap3A_797] {strides = array<i32>} : memref<8192xi32, #tpu.memory_space<vmem>>, vector<16xi32>,
          %swap3A_799 = vector.shape_cast %swap3A_798 : vector<16xi32> to vector<16xi32>
          %swap3A_800 = vector.shape_cast %select_n3A_796 : vector<16xi32> to vector<16xi32>
          tpu.vector_store %arg7[%swap3A_797], %swap3A_800 {strides = array<i32>} : memref<8192xi32, #tpu.memory_space<vmem>>, vector<16xi32>,
          %jit3A_801 = arith.constant 0.000000e+00 : f32
          %broadcast_in_dim3A_802 = vector.broadcast %jit3A_801 : f32 to vector<16xf32>
          %select_n3A_803 = arith.select %lt3A_795, %get3A_787, %broadcast_in_dim3A_802 : vector<16xi1>, vector<16xf32>
          %swap3A_804 = arith.index_cast %add3A_781 : i32 to index
          %swap3A_805 = tpu.vector_load %arg8[%swap3A_804] {strides = array<i32>} : memref<8192xf32, #tpu.memory_space<vmem>>, vector<16xf32>,
          %swap3A_806 = vector.shape_cast %swap3A_805 : vector<16xf32> to vector<16xf32>
          %swap3A_807 = vector.shape_cast %select_n3A_803 : vector<16xf32> to vector<16xf32>
          tpu.vector_store %arg8[%swap3A_804], %swap3A_807 {strides = array<i32>} : memref<8192xf32, #tpu.memory_space<vmem>>, vector<16xf32>,
        }
        %scan3A_569 = arith.constant 64 : i32
        %dma_start3A_570 = arith.constant 0 : i32
        %dma_start3A_571 = tpu.memref_slice %arg6[%dma_start3A_570] : memref<1602560xf32, #tpu.memory_space<vmem_shared>> -> memref<1602560xf32, #tpu.memory_space<vmem_shared>>
        tpu.enqueue_indirect_dma source(%arg8 : memref<8192xf32, #tpu.memory_space<vmem>>) target(%dma_start3A_571 : memref<1602560xf32, #tpu.memory_space<vmem_shared>>) offsets(%arg7 : memref<8192xi32, #tpu.memory_space<vmem>>) semaphore(%arg9 : memref<!tpu.dma_semaphore, #tpu.memory_space<semaphore_mem>>) {add = true}
        %dma_wait3A_572 = arith.constant 0 : i32
        %dma_wait3A_573 = tpu.memref_slice %arg6[%dma_wait3A_572] : memref<1602560xf32, #tpu.memory_space<vmem_shared>> -> memref<1602560xf32, #tpu.memory_space<vmem_shared>>
        tpu.wait_indirect_dma semaphore(%arg9 : memref<!tpu.dma_semaphore, #tpu.memory_space<semaphore_mem>>) src(%arg8 : memref<8192xf32, #tpu.memory_space<vmem>>) dst(%dma_wait3A_573 : memref<1602560xf32, #tpu.memory_space<vmem_shared>>)
      }
      %scan3A_553 = arith.constant 16 : i32
    } else {
    }
    %eq3A_426 = arith.constant 1 : i32
    %eq3A_427 = arith.cmpi eq, %arg0, %eq3A_426 : i32
    %convert_element_type3A_428 = arith.extui %eq3A_427 : i1 to i32
    %cond3A_429 = arith.constant 0 : i32
    %cond3A_430 = arith.cmpi ne, %convert_element_type3A_428, %cond3A_429 : i32
    scf.if %cond3A_430 {
      %iota3A_443 = tpu.iota {dimensions = array<i32: 0>} : vector<16xi32>
      %add3A_444 = arith.constant 0 : i32
      %add3A_445 = vector.broadcast %add3A_444 : i32 to vector<16xi32>
      %add3A_446 = arith.addi %iota3A_443, %add3A_445 : vector<16xi32>
      %iota3A_447 = tpu.iota {dimensions = array<i32: 0>} : vector<16xi32>
      %add3A_448 = arith.constant 16 : i32
      %add3A_449 = vector.broadcast %add3A_448 : i32 to vector<16xi32>
      %add3A_450 = arith.addi %iota3A_447, %add3A_449 : vector<16xi32>
      %iota3A_451 = tpu.iota {dimensions = array<i32: 0>} : vector<16xi32>
      %add3A_452 = arith.constant 32 : i32
      %add3A_453 = vector.broadcast %add3A_452 : i32 to vector<16xi32>
      %add3A_454 = arith.addi %iota3A_451, %add3A_453 : vector<16xi32>
      %iota3A_455 = tpu.iota {dimensions = array<i32: 0>} : vector<16xi32>
      %add3A_456 = arith.constant 48 : i32
      %add3A_457 = vector.broadcast %add3A_456 : i32 to vector<16xi32>
      %add3A_458 = arith.addi %iota3A_455, %add3A_457 : vector<16xi32>
      %iota3A_459 = tpu.iota {dimensions = array<i32: 0>} : vector<16xi32>
      %add3A_460 = arith.constant 64 : i32
      %add3A_461 = vector.broadcast %add3A_460 : i32 to vector<16xi32>
      %add3A_462 = arith.addi %iota3A_459, %add3A_461 : vector<16xi32>
      %iota3A_463 = tpu.iota {dimensions = array<i32: 0>} : vector<16xi32>
      %add3A_464 = arith.constant 80 : i32
      %add3A_465 = vector.broadcast %add3A_464 : i32 to vector<16xi32>
      %add3A_466 = arith.addi %iota3A_463, %add3A_465 : vector<16xi32>
      %iota3A_467 = tpu.iota {dimensions = array<i32: 0>} : vector<16xi32>
      %add3A_468 = arith.constant 96 : i32
      %add3A_469 = vector.broadcast %add3A_468 : i32 to vector<16xi32>
      %add3A_470 = arith.addi %iota3A_467, %add3A_469 : vector<16xi32>
      %iota3A_471 = tpu.iota {dimensions = array<i32: 0>} : vector<16xi32>
      %add3A_472 = arith.constant 112 : i32
      %add3A_473 = vector.broadcast %add3A_472 : i32 to vector<16xi32>
      %add3A_474 = arith.addi %iota3A_471, %add3A_473 : vector<16xi32>
      %mul3A_475 = arith.constant 64 : i32
      %mul3A_476 = arith.muli %arg1, %mul3A_475 : i32
      %add3A_477 = arith.constant 1601536 : i32
      %add3A_478 = arith.addi %add3A_477, %mul3A_476 : i32
      %add3A_479 = arith.constant 0 : i32
      %add3A_480 = arith.addi %add3A_478, %add3A_479 : i32
      %iota3A_481 = tpu.iota {dimensions = array<i32: 0>} : vector<16xi32>
      %add3A_482 = vector.broadcast %add3A_480 : i32 to vector<16xi32>
      %add3A_483 = arith.addi %add3A_482, %iota3A_481 : vector<16xi32>
      %mul3A_484 = arith.constant 64 : i32
      %mul3A_485 = arith.muli %arg1, %mul3A_484 : i32
      %add3A_486 = arith.constant 1601536 : i32
      %add3A_487 = arith.addi %add3A_486, %mul3A_485 : i32
      %add3A_488 = arith.constant 16 : i32
      %add3A_489 = arith.addi %add3A_487, %add3A_488 : i32
      %iota3A_490 = tpu.iota {dimensions = array<i32: 0>} : vector<16xi32>
      %add3A_491 = vector.broadcast %add3A_489 : i32 to vector<16xi32>
      %add3A_492 = arith.addi %add3A_491, %iota3A_490 : vector<16xi32>
      %mul3A_493 = arith.constant 64 : i32
      %mul3A_494 = arith.muli %arg1, %mul3A_493 : i32
      %add3A_495 = arith.constant 1601536 : i32
      %add3A_496 = arith.addi %add3A_495, %mul3A_494 : i32
      %add3A_497 = arith.constant 32 : i32
      %add3A_498 = arith.addi %add3A_496, %add3A_497 : i32
      %iota3A_499 = tpu.iota {dimensions = array<i32: 0>} : vector<16xi32>
      %add3A_500 = vector.broadcast %add3A_498 : i32 to vector<16xi32>
      %add3A_501 = arith.addi %add3A_500, %iota3A_499 : vector<16xi32>
      %mul3A_502 = arith.constant 64 : i32
      %mul3A_503 = arith.muli %arg1, %mul3A_502 : i32
      %add3A_504 = arith.constant 1601536 : i32
      %add3A_505 = arith.addi %add3A_504, %mul3A_503 : i32
      %add3A_506 = arith.constant 48 : i32
      %add3A_507 = arith.addi %add3A_505, %add3A_506 : i32
      %iota3A_508 = tpu.iota {dimensions = array<i32: 0>} : vector<16xi32>
      %add3A_509 = vector.broadcast %add3A_507 : i32 to vector<16xi32>
      %add3A_510 = arith.addi %add3A_509, %iota3A_508 : vector<16xi32>
      %mul3A_511 = arith.constant 64 : i32
      %mul3A_512 = arith.muli %arg1, %mul3A_511 : i32
      %add3A_513 = arith.constant 1601536 : i32
      %add3A_514 = arith.addi %add3A_513, %mul3A_512 : i32
      %add3A_515 = arith.constant 0 : i32
      %add3A_516 = arith.addi %add3A_514, %add3A_515 : i32
      %iota3A_517 = tpu.iota {dimensions = array<i32: 0>} : vector<16xi32>
      %add3A_518 = vector.broadcast %add3A_516 : i32 to vector<16xi32>
      %add3A_519 = arith.addi %add3A_518, %iota3A_517 : vector<16xi32>
      %mul3A_520 = arith.constant 64 : i32
      %mul3A_521 = arith.muli %arg1, %mul3A_520 : i32
      %add3A_522 = arith.constant 1601536 : i32
      %add3A_523 = arith.addi %add3A_522, %mul3A_521 : i32
      %add3A_524 = arith.constant 16 : i32
      %add3A_525 = arith.addi %add3A_523, %add3A_524 : i32
      %iota3A_526 = tpu.iota {dimensions = array<i32: 0>} : vector<16xi32>
      %add3A_527 = vector.broadcast %add3A_525 : i32 to vector<16xi32>
      %add3A_528 = arith.addi %add3A_527, %iota3A_526 : vector<16xi32>
      %mul3A_529 = arith.constant 64 : i32
      %mul3A_530 = arith.muli %arg1, %mul3A_529 : i32
      %add3A_531 = arith.constant 1601536 : i32
      %add3A_532 = arith.addi %add3A_531, %mul3A_530 : i32
      %add3A_533 = arith.constant 32 : i32
      %add3A_534 = arith.addi %add3A_532, %add3A_533 : i32
      %iota3A_535 = tpu.iota {dimensions = array<i32: 0>} : vector<16xi32>
      %add3A_536 = vector.broadcast %add3A_534 : i32 to vector<16xi32>
      %add3A_537 = arith.addi %add3A_536, %iota3A_535 : vector<16xi32>
      %mul3A_538 = arith.constant 64 : i32
      %mul3A_539 = arith.muli %arg1, %mul3A_538 : i32
      %add3A_540 = arith.constant 1601536 : i32
      %add3A_541 = arith.addi %add3A_540, %mul3A_539 : i32
      %add3A_542 = arith.constant 48 : i32
      %add3A_543 = arith.addi %add3A_541, %add3A_542 : i32
      %iota3A_544 = tpu.iota {dimensions = array<i32: 0>} : vector<16xi32>
      %add3A_545 = vector.broadcast %add3A_543 : i32 to vector<16xi32>
      %add3A_546 = arith.addi %add3A_545, %iota3A_544 : vector<16xi32>
      %scan3A_547 = arith.constant 0 : i32
      %scan3A_548 = arith.constant 1589248 : i32
      %scan3A_549 = arith.constant 0 : i32
      %scan3A_550 = arith.constant 16 : i32
      %scan3A_551 = arith.addi %scan3A_549, %scan3A_550 : i32
      %scan3A_552 = arith.constant 1 : i32
      scf.for %scan3A_554 = %scan3A_549 to %scan3A_551 step %scan3A_552  : i32 {
        %mul3A_555 = arith.constant 8192 : i32
        %mul3A_556 = arith.muli %scan3A_554, %mul3A_555 : i32
        %add3A_557 = arith.addi %mul3A_0, %mul3A_556 : i32
        %dma_start3A = tpu.memref_slice %arg3[%add3A_557] : memref<2097152xi32, #tpu.memory_space<hbm>> -> memref<8192xi32, #tpu.memory_space<hbm>>
        %dma_start3A_558 = tpu.memref_slice %arg3[%add3A_557] : memref<2097152xi32, #tpu.memory_space<hbm>> -> memref<8192xi32, #tpu.memory_space<hbm>>
        tpu.enqueue_dma source(%dma_start3A_558 : memref<8192xi32, #tpu.memory_space<hbm>>) target(%arg7 : memref<8192xi32, #tpu.memory_space<vmem>>) target_semaphore(%arg9 : memref<!tpu.dma_semaphore, #tpu.memory_space<semaphore_mem>>)
        %dma_start3A_559 = tpu.memref_slice %arg4[%add3A_557] : memref<2097152xf32, #tpu.memory_space<hbm>> -> memref<8192xf32, #tpu.memory_space<hbm>>
        %dma_start3A_560 = tpu.memref_slice %arg4[%add3A_557] : memref<2097152xf32, #tpu.memory_space<hbm>> -> memref<8192xf32, #tpu.memory_space<hbm>>
        tpu.enqueue_dma source(%dma_start3A_560 : memref<8192xf32, #tpu.memory_space<hbm>>) target(%arg8 : memref<8192xf32, #tpu.memory_space<vmem>>) target_semaphore(%arg9 : memref<!tpu.dma_semaphore, #tpu.memory_space<semaphore_mem>>)
        %dma_wait3A = tpu.memref_slice %arg3[%add3A_557] : memref<2097152xi32, #tpu.memory_space<hbm>> -> memref<8192xi32, #tpu.memory_space<hbm>>
        %dma_wait3A_561 = tpu.memref_slice %arg3[%add3A_557] : memref<2097152xi32, #tpu.memory_space<hbm>> -> memref<8192xi32, #tpu.memory_space<hbm>>
        tpu.wait_dma2 semaphore(%arg9 : memref<!tpu.dma_semaphore, #tpu.memory_space<semaphore_mem>>) src(%dma_wait3A_561 : memref<8192xi32, #tpu.memory_space<hbm>>) dst(%arg7 : memref<8192xi32, #tpu.memory_space<vmem>>)
        %dma_wait3A_562 = tpu.memref_slice %arg4[%add3A_557] : memref<2097152xf32, #tpu.memory_space<hbm>> -> memref<8192xf32, #tpu.memory_space<hbm>>
        %dma_wait3A_563 = tpu.memref_slice %arg4[%add3A_557] : memref<2097152xf32, #tpu.memory_space<hbm>> -> memref<8192xf32, #tpu.memory_space<hbm>>
        tpu.wait_dma2 semaphore(%arg9 : memref<!tpu.dma_semaphore, #tpu.memory_space<semaphore_mem>>) src(%dma_wait3A_563 : memref<8192xf32, #tpu.memory_space<hbm>>) dst(%arg8 : memref<8192xf32, #tpu.memory_space<vmem>>)
        %scan3A_564 = arith.constant 0 : i32
        %scan3A_565 = arith.constant 0 : i32
        %scan3A_566 = arith.constant 64 : i32
        %scan3A_567 = arith.addi %scan3A_565, %scan3A_566 : i32
        %scan3A_568 = arith.constant 1 : i32
        scf.for %scan3A_574 = %scan3A_565 to %scan3A_567 step %scan3A_568  : i32 {
          %mul3A_575 = arith.constant 128 : i32
          %mul3A_576 = arith.muli %scan3A_574, %mul3A_575 : i32
          %add3A_577 = arith.constant 0 : i32
          %add3A_578 = arith.addi %mul3A_576, %add3A_577 : i32
          %get3A = arith.index_cast %add3A_578 : i32 to index
          %get3A_579 = tpu.vector_load %arg7[%get3A] {strides = array<i32>} : memref<8192xi32, #tpu.memory_space<vmem>>, vector<16xi32>,
          %get3A_580 = vector.shape_cast %get3A_579 : vector<16xi32> to vector<16xi32>
          %get3A_581 = arith.index_cast %add3A_578 : i32 to index
          %get3A_582 = tpu.vector_load %arg8[%get3A_581] {strides = array<i32>} : memref<8192xf32, #tpu.memory_space<vmem>>, vector<16xf32>,
          %get3A_583 = vector.shape_cast %get3A_582 : vector<16xf32> to vector<16xf32>
          %mul3A_584 = arith.constant 128 : i32
          %mul3A_585 = vector.broadcast %mul3A_584 : i32 to vector<16xi32>
          %mul3A_586 = arith.muli %get3A_580, %mul3A_585 : vector<16xi32>
          %sub3A = vector.broadcast %mul3A_412 : i32 to vector<16xi32>
          %sub3A_587 = arith.subi %add3A_446, %sub3A : vector<16xi32>
          %add3A_588 = arith.addi %mul3A_586, %sub3A_587 : vector<16xi32>
          %lt3A = vector.broadcast %scan3A_548 : i32 to vector<16xi32>
          %lt3A_589 = arith.cmpi ult, %add3A_588, %lt3A : vector<16xi32>
          %select_n3A = arith.select %lt3A_589, %add3A_588, %add3A_483 : vector<16xi1>, vector<16xi32>
          %swap3A = arith.index_cast %add3A_578 : i32 to index
          %swap3A_590 = tpu.vector_load %arg7[%swap3A] {strides = array<i32>} : memref<8192xi32, #tpu.memory_space<vmem>>, vector<16xi32>,
          %swap3A_591 = vector.shape_cast %swap3A_590 : vector<16xi32> to vector<16xi32>
          %swap3A_592 = vector.shape_cast %select_n3A : vector<16xi32> to vector<16xi32>
          tpu.vector_store %arg7[%swap3A], %swap3A_592 {strides = array<i32>} : memref<8192xi32, #tpu.memory_space<vmem>>, vector<16xi32>,
          %jit3A = arith.constant 0.000000e+00 : f32
          %broadcast_in_dim3A = vector.broadcast %jit3A : f32 to vector<16xf32>
          %select_n3A_593 = arith.select %lt3A_589, %get3A_583, %broadcast_in_dim3A : vector<16xi1>, vector<16xf32>
          %swap3A_594 = arith.index_cast %add3A_578 : i32 to index
          %swap3A_595 = tpu.vector_load %arg8[%swap3A_594] {strides = array<i32>} : memref<8192xf32, #tpu.memory_space<vmem>>, vector<16xf32>,
          %swap3A_596 = vector.shape_cast %swap3A_595 : vector<16xf32> to vector<16xf32>
          %swap3A_597 = vector.shape_cast %select_n3A_593 : vector<16xf32> to vector<16xf32>
          tpu.vector_store %arg8[%swap3A_594], %swap3A_597 {strides = array<i32>} : memref<8192xf32, #tpu.memory_space<vmem>>, vector<16xf32>,
          %mul3A_598 = arith.constant 128 : i32
          %mul3A_599 = arith.muli %scan3A_574, %mul3A_598 : i32
          %add3A_600 = arith.constant 16 : i32
          %add3A_601 = arith.addi %mul3A_599, %add3A_600 : i32
          %get3A_602 = arith.index_cast %add3A_601 : i32 to index
          %get3A_603 = tpu.vector_load %arg7[%get3A_602] {strides = array<i32>} : memref<8192xi32, #tpu.memory_space<vmem>>, vector<16xi32>,
          %get3A_604 = vector.shape_cast %get3A_603 : vector<16xi32> to vector<16xi32>
          %get3A_605 = arith.index_cast %add3A_601 : i32 to index
          %get3A_606 = tpu.vector_load %arg8[%get3A_605] {strides = array<i32>} : memref<8192xf32, #tpu.memory_space<vmem>>, vector<16xf32>,
          %get3A_607 = vector.shape_cast %get3A_606 : vector<16xf32> to vector<16xf32>
          %mul3A_608 = arith.constant 128 : i32
          %mul3A_609 = vector.broadcast %mul3A_608 : i32 to vector<16xi32>
          %mul3A_610 = arith.muli %get3A_604, %mul3A_609 : vector<16xi32>
          %sub3A_611 = vector.broadcast %mul3A_412 : i32 to vector<16xi32>
          %sub3A_612 = arith.subi %add3A_450, %sub3A_611 : vector<16xi32>
          %add3A_613 = arith.addi %mul3A_610, %sub3A_612 : vector<16xi32>
          %lt3A_614 = vector.broadcast %scan3A_548 : i32 to vector<16xi32>
          %lt3A_615 = arith.cmpi ult, %add3A_613, %lt3A_614 : vector<16xi32>
          %select_n3A_616 = arith.select %lt3A_615, %add3A_613, %add3A_492 : vector<16xi1>, vector<16xi32>
          %swap3A_617 = arith.index_cast %add3A_601 : i32 to index
          %swap3A_618 = tpu.vector_load %arg7[%swap3A_617] {strides = array<i32>} : memref<8192xi32, #tpu.memory_space<vmem>>, vector<16xi32>,
          %swap3A_619 = vector.shape_cast %swap3A_618 : vector<16xi32> to vector<16xi32>
          %swap3A_620 = vector.shape_cast %select_n3A_616 : vector<16xi32> to vector<16xi32>
          tpu.vector_store %arg7[%swap3A_617], %swap3A_620 {strides = array<i32>} : memref<8192xi32, #tpu.memory_space<vmem>>, vector<16xi32>,
          %jit3A_621 = arith.constant 0.000000e+00 : f32
          %broadcast_in_dim3A_622 = vector.broadcast %jit3A_621 : f32 to vector<16xf32>
          %select_n3A_623 = arith.select %lt3A_615, %get3A_607, %broadcast_in_dim3A_622 : vector<16xi1>, vector<16xf32>
          %swap3A_624 = arith.index_cast %add3A_601 : i32 to index
          %swap3A_625 = tpu.vector_load %arg8[%swap3A_624] {strides = array<i32>} : memref<8192xf32, #tpu.memory_space<vmem>>, vector<16xf32>,
          %swap3A_626 = vector.shape_cast %swap3A_625 : vector<16xf32> to vector<16xf32>
          %swap3A_627 = vector.shape_cast %select_n3A_623 : vector<16xf32> to vector<16xf32>
          tpu.vector_store %arg8[%swap3A_624], %swap3A_627 {strides = array<i32>} : memref<8192xf32, #tpu.memory_space<vmem>>, vector<16xf32>,
          %mul3A_628 = arith.constant 128 : i32
          %mul3A_629 = arith.muli %scan3A_574, %mul3A_628 : i32
          %add3A_630 = arith.constant 32 : i32
          %add3A_631 = arith.addi %mul3A_629, %add3A_630 : i32
          %get3A_632 = arith.index_cast %add3A_631 : i32 to index
          %get3A_633 = tpu.vector_load %arg7[%get3A_632] {strides = array<i32>} : memref<8192xi32, #tpu.memory_space<vmem>>, vector<16xi32>,
          %get3A_634 = vector.shape_cast %get3A_633 : vector<16xi32> to vector<16xi32>
          %get3A_635 = arith.index_cast %add3A_631 : i32 to index
          %get3A_636 = tpu.vector_load %arg8[%get3A_635] {strides = array<i32>} : memref<8192xf32, #tpu.memory_space<vmem>>, vector<16xf32>,
          %get3A_637 = vector.shape_cast %get3A_636 : vector<16xf32> to vector<16xf32>
          %mul3A_638 = arith.constant 128 : i32
          %mul3A_639 = vector.broadcast %mul3A_638 : i32 to vector<16xi32>
          %mul3A_640 = arith.muli %get3A_634, %mul3A_639 : vector<16xi32>
          %sub3A_641 = vector.broadcast %mul3A_412 : i32 to vector<16xi32>
          %sub3A_642 = arith.subi %add3A_454, %sub3A_641 : vector<16xi32>
          %add3A_643 = arith.addi %mul3A_640, %sub3A_642 : vector<16xi32>
          %lt3A_644 = vector.broadcast %scan3A_548 : i32 to vector<16xi32>
          %lt3A_645 = arith.cmpi ult, %add3A_643, %lt3A_644 : vector<16xi32>
          %select_n3A_646 = arith.select %lt3A_645, %add3A_643, %add3A_501 : vector<16xi1>, vector<16xi32>
          %swap3A_647 = arith.index_cast %add3A_631 : i32 to index
          %swap3A_648 = tpu.vector_load %arg7[%swap3A_647] {strides = array<i32>} : memref<8192xi32, #tpu.memory_space<vmem>>, vector<16xi32>,
          %swap3A_649 = vector.shape_cast %swap3A_648 : vector<16xi32> to vector<16xi32>
          %swap3A_650 = vector.shape_cast %select_n3A_646 : vector<16xi32> to vector<16xi32>
          tpu.vector_store %arg7[%swap3A_647], %swap3A_650 {strides = array<i32>} : memref<8192xi32, #tpu.memory_space<vmem>>, vector<16xi32>,
          %jit3A_651 = arith.constant 0.000000e+00 : f32
          %broadcast_in_dim3A_652 = vector.broadcast %jit3A_651 : f32 to vector<16xf32>
          %select_n3A_653 = arith.select %lt3A_645, %get3A_637, %broadcast_in_dim3A_652 : vector<16xi1>, vector<16xf32>
          %swap3A_654 = arith.index_cast %add3A_631 : i32 to index
          %swap3A_655 = tpu.vector_load %arg8[%swap3A_654] {strides = array<i32>} : memref<8192xf32, #tpu.memory_space<vmem>>, vector<16xf32>,
          %swap3A_656 = vector.shape_cast %swap3A_655 : vector<16xf32> to vector<16xf32>
          %swap3A_657 = vector.shape_cast %select_n3A_653 : vector<16xf32> to vector<16xf32>
          tpu.vector_store %arg8[%swap3A_654], %swap3A_657 {strides = array<i32>} : memref<8192xf32, #tpu.memory_space<vmem>>, vector<16xf32>,
          %mul3A_658 = arith.constant 128 : i32
          %mul3A_659 = arith.muli %scan3A_574, %mul3A_658 : i32
          %add3A_660 = arith.constant 48 : i32
          %add3A_661 = arith.addi %mul3A_659, %add3A_660 : i32
          %get3A_662 = arith.index_cast %add3A_661 : i32 to index
          %get3A_663 = tpu.vector_load %arg7[%get3A_662] {strides = array<i32>} : memref<8192xi32, #tpu.memory_space<vmem>>, vector<16xi32>,
          %get3A_664 = vector.shape_cast %get3A_663 : vector<16xi32> to vector<16xi32>
          %get3A_665 = arith.index_cast %add3A_661 : i32 to index
          %get3A_666 = tpu.vector_load %arg8[%get3A_665] {strides = array<i32>} : memref<8192xf32, #tpu.memory_space<vmem>>, vector<16xf32>,
          %get3A_667 = vector.shape_cast %get3A_666 : vector<16xf32> to vector<16xf32>
          %mul3A_668 = arith.constant 128 : i32
          %mul3A_669 = vector.broadcast %mul3A_668 : i32 to vector<16xi32>
          %mul3A_670 = arith.muli %get3A_664, %mul3A_669 : vector<16xi32>
          %sub3A_671 = vector.broadcast %mul3A_412 : i32 to vector<16xi32>
          %sub3A_672 = arith.subi %add3A_458, %sub3A_671 : vector<16xi32>
          %add3A_673 = arith.addi %mul3A_670, %sub3A_672 : vector<16xi32>
          %lt3A_674 = vector.broadcast %scan3A_548 : i32 to vector<16xi32>
          %lt3A_675 = arith.cmpi ult, %add3A_673, %lt3A_674 : vector<16xi32>
          %select_n3A_676 = arith.select %lt3A_675, %add3A_673, %add3A_510 : vector<16xi1>, vector<16xi32>
          %swap3A_677 = arith.index_cast %add3A_661 : i32 to index
          %swap3A_678 = tpu.vector_load %arg7[%swap3A_677] {strides = array<i32>} : memref<8192xi32, #tpu.memory_space<vmem>>, vector<16xi32>,
          %swap3A_679 = vector.shape_cast %swap3A_678 : vector<16xi32> to vector<16xi32>
          %swap3A_680 = vector.shape_cast %select_n3A_676 : vector<16xi32> to vector<16xi32>
          tpu.vector_store %arg7[%swap3A_677], %swap3A_680 {strides = array<i32>} : memref<8192xi32, #tpu.memory_space<vmem>>, vector<16xi32>,
          %jit3A_681 = arith.constant 0.000000e+00 : f32
          %broadcast_in_dim3A_682 = vector.broadcast %jit3A_681 : f32 to vector<16xf32>
          %select_n3A_683 = arith.select %lt3A_675, %get3A_667, %broadcast_in_dim3A_682 : vector<16xi1>, vector<16xf32>
          %swap3A_684 = arith.index_cast %add3A_661 : i32 to index
          %swap3A_685 = tpu.vector_load %arg8[%swap3A_684] {strides = array<i32>} : memref<8192xf32, #tpu.memory_space<vmem>>, vector<16xf32>,
          %swap3A_686 = vector.shape_cast %swap3A_685 : vector<16xf32> to vector<16xf32>
          %swap3A_687 = vector.shape_cast %select_n3A_683 : vector<16xf32> to vector<16xf32>
          tpu.vector_store %arg8[%swap3A_684], %swap3A_687 {strides = array<i32>} : memref<8192xf32, #tpu.memory_space<vmem>>, vector<16xf32>,
          %mul3A_688 = arith.constant 128 : i32
          %mul3A_689 = arith.muli %scan3A_574, %mul3A_688 : i32
          %add3A_690 = arith.constant 64 : i32
          %add3A_691 = arith.addi %mul3A_689, %add3A_690 : i32
          %get3A_692 = arith.index_cast %add3A_691 : i32 to index
          %get3A_693 = tpu.vector_load %arg7[%get3A_692] {strides = array<i32>} : memref<8192xi32, #tpu.memory_space<vmem>>, vector<16xi32>,
          %get3A_694 = vector.shape_cast %get3A_693 : vector<16xi32> to vector<16xi32>
          %get3A_695 = arith.index_cast %add3A_691 : i32 to index
          %get3A_696 = tpu.vector_load %arg8[%get3A_695] {strides = array<i32>} : memref<8192xf32, #tpu.memory_space<vmem>>, vector<16xf32>,
          %get3A_697 = vector.shape_cast %get3A_696 : vector<16xf32> to vector<16xf32>
          %mul3A_698 = arith.constant 128 : i32
          %mul3A_699 = vector.broadcast %mul3A_698 : i32 to vector<16xi32>
          %mul3A_700 = arith.muli %get3A_694, %mul3A_699 : vector<16xi32>
          %sub3A_701 = vector.broadcast %mul3A_412 : i32 to vector<16xi32>
          %sub3A_702 = arith.subi %add3A_462, %sub3A_701 : vector<16xi32>
          %add3A_703 = arith.addi %mul3A_700, %sub3A_702 : vector<16xi32>
          %lt3A_704 = vector.broadcast %scan3A_548 : i32 to vector<16xi32>
          %lt3A_705 = arith.cmpi ult, %add3A_703, %lt3A_704 : vector<16xi32>
          %select_n3A_706 = arith.select %lt3A_705, %add3A_703, %add3A_519 : vector<16xi1>, vector<16xi32>
          %swap3A_707 = arith.index_cast %add3A_691 : i32 to index
          %swap3A_708 = tpu.vector_load %arg7[%swap3A_707] {strides = array<i32>} : memref<8192xi32, #tpu.memory_space<vmem>>, vector<16xi32>,
          %swap3A_709 = vector.shape_cast %swap3A_708 : vector<16xi32> to vector<16xi32>
          %swap3A_710 = vector.shape_cast %select_n3A_706 : vector<16xi32> to vector<16xi32>
          tpu.vector_store %arg7[%swap3A_707], %swap3A_710 {strides = array<i32>} : memref<8192xi32, #tpu.memory_space<vmem>>, vector<16xi32>,
          %jit3A_711 = arith.constant 0.000000e+00 : f32
          %broadcast_in_dim3A_712 = vector.broadcast %jit3A_711 : f32 to vector<16xf32>
          %select_n3A_713 = arith.select %lt3A_705, %get3A_697, %broadcast_in_dim3A_712 : vector<16xi1>, vector<16xf32>
          %swap3A_714 = arith.index_cast %add3A_691 : i32 to index
          %swap3A_715 = tpu.vector_load %arg8[%swap3A_714] {strides = array<i32>} : memref<8192xf32, #tpu.memory_space<vmem>>, vector<16xf32>,
          %swap3A_716 = vector.shape_cast %swap3A_715 : vector<16xf32> to vector<16xf32>
          %swap3A_717 = vector.shape_cast %select_n3A_713 : vector<16xf32> to vector<16xf32>
          tpu.vector_store %arg8[%swap3A_714], %swap3A_717 {strides = array<i32>} : memref<8192xf32, #tpu.memory_space<vmem>>, vector<16xf32>,
          %mul3A_718 = arith.constant 128 : i32
          %mul3A_719 = arith.muli %scan3A_574, %mul3A_718 : i32
          %add3A_720 = arith.constant 80 : i32
          %add3A_721 = arith.addi %mul3A_719, %add3A_720 : i32
          %get3A_722 = arith.index_cast %add3A_721 : i32 to index
          %get3A_723 = tpu.vector_load %arg7[%get3A_722] {strides = array<i32>} : memref<8192xi32, #tpu.memory_space<vmem>>, vector<16xi32>,
          %get3A_724 = vector.shape_cast %get3A_723 : vector<16xi32> to vector<16xi32>
          %get3A_725 = arith.index_cast %add3A_721 : i32 to index
          %get3A_726 = tpu.vector_load %arg8[%get3A_725] {strides = array<i32>} : memref<8192xf32, #tpu.memory_space<vmem>>, vector<16xf32>,
          %get3A_727 = vector.shape_cast %get3A_726 : vector<16xf32> to vector<16xf32>
          %mul3A_728 = arith.constant 128 : i32
          %mul3A_729 = vector.broadcast %mul3A_728 : i32 to vector<16xi32>
          %mul3A_730 = arith.muli %get3A_724, %mul3A_729 : vector<16xi32>
          %sub3A_731 = vector.broadcast %mul3A_412 : i32 to vector<16xi32>
          %sub3A_732 = arith.subi %add3A_466, %sub3A_731 : vector<16xi32>
          %add3A_733 = arith.addi %mul3A_730, %sub3A_732 : vector<16xi32>
          %lt3A_734 = vector.broadcast %scan3A_548 : i32 to vector<16xi32>
          %lt3A_735 = arith.cmpi ult, %add3A_733, %lt3A_734 : vector<16xi32>
          %select_n3A_736 = arith.select %lt3A_735, %add3A_733, %add3A_528 : vector<16xi1>, vector<16xi32>
          %swap3A_737 = arith.index_cast %add3A_721 : i32 to index
          %swap3A_738 = tpu.vector_load %arg7[%swap3A_737] {strides = array<i32>} : memref<8192xi32, #tpu.memory_space<vmem>>, vector<16xi32>,
          %swap3A_739 = vector.shape_cast %swap3A_738 : vector<16xi32> to vector<16xi32>
          %swap3A_740 = vector.shape_cast %select_n3A_736 : vector<16xi32> to vector<16xi32>
          tpu.vector_store %arg7[%swap3A_737], %swap3A_740 {strides = array<i32>} : memref<8192xi32, #tpu.memory_space<vmem>>, vector<16xi32>,
          %jit3A_741 = arith.constant 0.000000e+00 : f32
          %broadcast_in_dim3A_742 = vector.broadcast %jit3A_741 : f32 to vector<16xf32>
          %select_n3A_743 = arith.select %lt3A_735, %get3A_727, %broadcast_in_dim3A_742 : vector<16xi1>, vector<16xf32>
          %swap3A_744 = arith.index_cast %add3A_721 : i32 to index
          %swap3A_745 = tpu.vector_load %arg8[%swap3A_744] {strides = array<i32>} : memref<8192xf32, #tpu.memory_space<vmem>>, vector<16xf32>,
          %swap3A_746 = vector.shape_cast %swap3A_745 : vector<16xf32> to vector<16xf32>
          %swap3A_747 = vector.shape_cast %select_n3A_743 : vector<16xf32> to vector<16xf32>
          tpu.vector_store %arg8[%swap3A_744], %swap3A_747 {strides = array<i32>} : memref<8192xf32, #tpu.memory_space<vmem>>, vector<16xf32>,
          %mul3A_748 = arith.constant 128 : i32
          %mul3A_749 = arith.muli %scan3A_574, %mul3A_748 : i32
          %add3A_750 = arith.constant 96 : i32
          %add3A_751 = arith.addi %mul3A_749, %add3A_750 : i32
          %get3A_752 = arith.index_cast %add3A_751 : i32 to index
          %get3A_753 = tpu.vector_load %arg7[%get3A_752] {strides = array<i32>} : memref<8192xi32, #tpu.memory_space<vmem>>, vector<16xi32>,
          %get3A_754 = vector.shape_cast %get3A_753 : vector<16xi32> to vector<16xi32>
          %get3A_755 = arith.index_cast %add3A_751 : i32 to index
          %get3A_756 = tpu.vector_load %arg8[%get3A_755] {strides = array<i32>} : memref<8192xf32, #tpu.memory_space<vmem>>, vector<16xf32>,
          %get3A_757 = vector.shape_cast %get3A_756 : vector<16xf32> to vector<16xf32>
          %mul3A_758 = arith.constant 128 : i32
          %mul3A_759 = vector.broadcast %mul3A_758 : i32 to vector<16xi32>
          %mul3A_760 = arith.muli %get3A_754, %mul3A_759 : vector<16xi32>
          %sub3A_761 = vector.broadcast %mul3A_412 : i32 to vector<16xi32>
          %sub3A_762 = arith.subi %add3A_470, %sub3A_761 : vector<16xi32>
          %add3A_763 = arith.addi %mul3A_760, %sub3A_762 : vector<16xi32>
          %lt3A_764 = vector.broadcast %scan3A_548 : i32 to vector<16xi32>
          %lt3A_765 = arith.cmpi ult, %add3A_763, %lt3A_764 : vector<16xi32>
          %select_n3A_766 = arith.select %lt3A_765, %add3A_763, %add3A_537 : vector<16xi1>, vector<16xi32>
          %swap3A_767 = arith.index_cast %add3A_751 : i32 to index
          %swap3A_768 = tpu.vector_load %arg7[%swap3A_767] {strides = array<i32>} : memref<8192xi32, #tpu.memory_space<vmem>>, vector<16xi32>,
          %swap3A_769 = vector.shape_cast %swap3A_768 : vector<16xi32> to vector<16xi32>
          %swap3A_770 = vector.shape_cast %select_n3A_766 : vector<16xi32> to vector<16xi32>
          tpu.vector_store %arg7[%swap3A_767], %swap3A_770 {strides = array<i32>} : memref<8192xi32, #tpu.memory_space<vmem>>, vector<16xi32>,
          %jit3A_771 = arith.constant 0.000000e+00 : f32
          %broadcast_in_dim3A_772 = vector.broadcast %jit3A_771 : f32 to vector<16xf32>
          %select_n3A_773 = arith.select %lt3A_765, %get3A_757, %broadcast_in_dim3A_772 : vector<16xi1>, vector<16xf32>
          %swap3A_774 = arith.index_cast %add3A_751 : i32 to index
          %swap3A_775 = tpu.vector_load %arg8[%swap3A_774] {strides = array<i32>} : memref<8192xf32, #tpu.memory_space<vmem>>, vector<16xf32>,
          %swap3A_776 = vector.shape_cast %swap3A_775 : vector<16xf32> to vector<16xf32>
          %swap3A_777 = vector.shape_cast %select_n3A_773 : vector<16xf32> to vector<16xf32>
          tpu.vector_store %arg8[%swap3A_774], %swap3A_777 {strides = array<i32>} : memref<8192xf32, #tpu.memory_space<vmem>>, vector<16xf32>,
          %mul3A_778 = arith.constant 128 : i32
          %mul3A_779 = arith.muli %scan3A_574, %mul3A_778 : i32
          %add3A_780 = arith.constant 112 : i32
          %add3A_781 = arith.addi %mul3A_779, %add3A_780 : i32
          %get3A_782 = arith.index_cast %add3A_781 : i32 to index
          %get3A_783 = tpu.vector_load %arg7[%get3A_782] {strides = array<i32>} : memref<8192xi32, #tpu.memory_space<vmem>>, vector<16xi32>,
          %get3A_784 = vector.shape_cast %get3A_783 : vector<16xi32> to vector<16xi32>
          %get3A_785 = arith.index_cast %add3A_781 : i32 to index
          %get3A_786 = tpu.vector_load %arg8[%get3A_785] {strides = array<i32>} : memref<8192xf32, #tpu.memory_space<vmem>>, vector<16xf32>,
          %get3A_787 = vector.shape_cast %get3A_786 : vector<16xf32> to vector<16xf32>
          %mul3A_788 = arith.constant 128 : i32
          %mul3A_789 = vector.broadcast %mul3A_788 : i32 to vector<16xi32>
          %mul3A_790 = arith.muli %get3A_784, %mul3A_789 : vector<16xi32>
          %sub3A_791 = vector.broadcast %mul3A_412 : i32 to vector<16xi32>
          %sub3A_792 = arith.subi %add3A_474, %sub3A_791 : vector<16xi32>
          %add3A_793 = arith.addi %mul3A_790, %sub3A_792 : vector<16xi32>
          %lt3A_794 = vector.broadcast %scan3A_548 : i32 to vector<16xi32>
          %lt3A_795 = arith.cmpi ult, %add3A_793, %lt3A_794 : vector<16xi32>
          %select_n3A_796 = arith.select %lt3A_795, %add3A_793, %add3A_546 : vector<16xi1>, vector<16xi32>
          %swap3A_797 = arith.index_cast %add3A_781 : i32 to index
          %swap3A_798 = tpu.vector_load %arg7[%swap3A_797] {strides = array<i32>} : memref<8192xi32, #tpu.memory_space<vmem>>, vector<16xi32>,
          %swap3A_799 = vector.shape_cast %swap3A_798 : vector<16xi32> to vector<16xi32>
          %swap3A_800 = vector.shape_cast %select_n3A_796 : vector<16xi32> to vector<16xi32>
          tpu.vector_store %arg7[%swap3A_797], %swap3A_800 {strides = array<i32>} : memref<8192xi32, #tpu.memory_space<vmem>>, vector<16xi32>,
          %jit3A_801 = arith.constant 0.000000e+00 : f32
          %broadcast_in_dim3A_802 = vector.broadcast %jit3A_801 : f32 to vector<16xf32>
          %select_n3A_803 = arith.select %lt3A_795, %get3A_787, %broadcast_in_dim3A_802 : vector<16xi1>, vector<16xf32>
          %swap3A_804 = arith.index_cast %add3A_781 : i32 to index
          %swap3A_805 = tpu.vector_load %arg8[%swap3A_804] {strides = array<i32>} : memref<8192xf32, #tpu.memory_space<vmem>>, vector<16xf32>,
          %swap3A_806 = vector.shape_cast %swap3A_805 : vector<16xf32> to vector<16xf32>
          %swap3A_807 = vector.shape_cast %select_n3A_803 : vector<16xf32> to vector<16xf32>
          tpu.vector_store %arg8[%swap3A_804], %swap3A_807 {strides = array<i32>} : memref<8192xf32, #tpu.memory_space<vmem>>, vector<16xf32>,
        }
        %scan3A_569 = arith.constant 64 : i32
        %dma_start3A_570 = arith.constant 0 : i32
        %dma_start3A_571 = tpu.memref_slice %arg6[%dma_start3A_570] : memref<1602560xf32, #tpu.memory_space<vmem_shared>> -> memref<1602560xf32, #tpu.memory_space<vmem_shared>>
        tpu.enqueue_indirect_dma source(%arg8 : memref<8192xf32, #tpu.memory_space<vmem>>) target(%dma_start3A_571 : memref<1602560xf32, #tpu.memory_space<vmem_shared>>) offsets(%arg7 : memref<8192xi32, #tpu.memory_space<vmem>>) semaphore(%arg9 : memref<!tpu.dma_semaphore, #tpu.memory_space<semaphore_mem>>) {add = true}
        %dma_wait3A_572 = arith.constant 0 : i32
        %dma_wait3A_573 = tpu.memref_slice %arg6[%dma_wait3A_572] : memref<1602560xf32, #tpu.memory_space<vmem_shared>> -> memref<1602560xf32, #tpu.memory_space<vmem_shared>>
        tpu.wait_indirect_dma semaphore(%arg9 : memref<!tpu.dma_semaphore, #tpu.memory_space<semaphore_mem>>) src(%arg8 : memref<8192xf32, #tpu.memory_space<vmem>>) dst(%dma_wait3A_573 : memref<1602560xf32, #tpu.memory_space<vmem_shared>>)
      }
      %scan3A_553 = arith.constant 16 : i32
    } else {
    }
    %barrier3A_431 = arith.constant 0 : index
    tpu.barrier barrier_id(%barrier3A_431)
    %eq3A_432 = arith.constant 0 : i32
    %eq3A_433 = arith.cmpi eq, %arg0, %eq3A_432 : i32
    %convert_element_type3A_434 = arith.extui %eq3A_433 : i1 to i32
    %cond3A_435 = arith.constant 0 : i32
    %cond3A_436 = arith.cmpi ne, %convert_element_type3A_434, %cond3A_435 : i32
    scf.if %cond3A_436 {
      %mul3A_443 = arith.constant 100096 : i32
      %mul3A_444 = arith.muli %arg1, %mul3A_443 : i32
      %add3A_445 = arith.constant 0 : i32
      %add3A_446 = arith.addi %add3A_445, %mul3A_444 : i32
      %mul3A_447 = arith.constant 100096 : i32
      %mul3A_448 = arith.muli %arg1, %mul3A_447 : i32
      %add3A_449 = arith.addi %mul3A_412, %mul3A_448 : i32
      "tpu.region"() ({
        %run_scoped3A = tpu.sem_alloc : memref<!tpu.dma_semaphore, #tpu.memory_space<semaphore_mem>>
        %dma_start3A = tpu.memref_slice %arg5[%add3A_449] : memref<12800000xf32, #tpu.memory_space<hbm>> -> memref<100096xf32, #tpu.memory_space<hbm>>
        %dma_start3A_450 = tpu.memref_slice %arg6[%add3A_446] : memref<1602560xf32, #tpu.memory_space<vmem_shared>> -> memref<100096xf32, #tpu.memory_space<vmem_shared>>
        tpu.enqueue_dma source(%dma_start3A_450 : memref<100096xf32, #tpu.memory_space<vmem_shared>>) target(%dma_start3A : memref<100096xf32, #tpu.memory_space<hbm>>) target_semaphore(%run_scoped3A : memref<!tpu.dma_semaphore, #tpu.memory_space<semaphore_mem>>)
        %dma_wait3A = tpu.memref_slice %arg5[%add3A_449] : memref<12800000xf32, #tpu.memory_space<hbm>> -> memref<100096xf32, #tpu.memory_space<hbm>>
        %dma_wait3A_451 = tpu.memref_slice %arg6[%add3A_446] : memref<1602560xf32, #tpu.memory_space<vmem_shared>> -> memref<100096xf32, #tpu.memory_space<vmem_shared>>
        tpu.wait_dma2 semaphore(%run_scoped3A : memref<!tpu.dma_semaphore, #tpu.memory_space<semaphore_mem>>) src(%dma_wait3A_451 : memref<100096xf32, #tpu.memory_space<vmem_shared>>) dst(%dma_wait3A : memref<100096xf32, #tpu.memory_space<hbm>>)
        tpu.yield
      }) : () -> ()
    } else {
    }
    %eq3A_437 = arith.constant 1 : i32
    %eq3A_438 = arith.cmpi eq, %arg0, %eq3A_437 : i32
    %convert_element_type3A_439 = arith.extui %eq3A_438 : i1 to i32
    %cond3A_440 = arith.constant 0 : i32
    %cond3A_441 = arith.cmpi ne, %convert_element_type3A_439, %cond3A_440 : i32
    scf.if %cond3A_441 {
      %mul3A_443 = arith.constant 99328 : i32
      %mul3A_444 = arith.muli %arg1, %mul3A_443 : i32
      %add3A_445 = arith.constant 0 : i32
      %add3A_446 = arith.addi %add3A_445, %mul3A_444 : i32
      %mul3A_447 = arith.constant 99328 : i32
      %mul3A_448 = arith.muli %arg1, %mul3A_447 : i32
      %add3A_449 = arith.addi %mul3A_412, %mul3A_448 : i32
      "tpu.region"() ({
        %run_scoped3A = tpu.sem_alloc : memref<!tpu.dma_semaphore, #tpu.memory_space<semaphore_mem>>
        %dma_start3A = tpu.memref_slice %arg5[%add3A_449] : memref<12800000xf32, #tpu.memory_space<hbm>> -> memref<99328xf32, #tpu.memory_space<hbm>>
        %dma_start3A_450 = tpu.memref_slice %arg6[%add3A_446] : memref<1602560xf32, #tpu.memory_space<vmem_shared>> -> memref<99328xf32, #tpu.memory_space<vmem_shared>>
        tpu.enqueue_dma source(%dma_start3A_450 : memref<99328xf32, #tpu.memory_space<vmem_shared>>) target(%dma_start3A : memref<99328xf32, #tpu.memory_space<hbm>>) target_semaphore(%run_scoped3A : memref<!tpu.dma_semaphore, #tpu.memory_space<semaphore_mem>>)
        %dma_wait3A = tpu.memref_slice %arg5[%add3A_449] : memref<12800000xf32, #tpu.memory_space<hbm>> -> memref<99328xf32, #tpu.memory_space<hbm>>
        %dma_wait3A_451 = tpu.memref_slice %arg6[%add3A_446] : memref<1602560xf32, #tpu.memory_space<vmem_shared>> -> memref<99328xf32, #tpu.memory_space<vmem_shared>>
        tpu.wait_dma2 semaphore(%run_scoped3A : memref<!tpu.dma_semaphore, #tpu.memory_space<semaphore_mem>>) src(%dma_wait3A_451 : memref<99328xf32, #tpu.memory_space<vmem_shared>>) dst(%dma_wait3A : memref<99328xf32, #tpu.memory_space<hbm>>)
        tpu.yield
      }) : () -> ()
    } else {
    }
    %barrier3A_442 = arith.constant 0 : index
    tpu.barrier barrier_id(%barrier3A_442)
    return
  }
}

</mosaic_0001>

<sc_bundles>
// kernel: _scatter_add_flat.3.cloned.1.call-start
scs
__scs_entry_jumppad:
0x0: {  	(pc) =	sbr.rel $0x88, $3  }
0x1: {  	(tag) =	ssettag $0x0;
	lr =	simm.s32 $0x1  }
0x2: {  	[smem:$0x3F9E] =	sst lr;
	_ =	strace $0xD0000000  }
0x3: {  	_ = 	snop  }
0x4: {  	_ = 	snop  }
0x5: {  	_ = 	snop  }
0x6: {  	_ = 	snop  }
0x7: {  	_ = 	snop  }
__scs_overlays_trampoline_lowered:
0x8: {  	[smem:$0x3FAD] =	sst s0  }
0x9: {  	[smem:$0x3FAE] =	sst s1  }
0xa: {  	[smem:$0x3FAF] =	sst s2  }
0xb: {  	[smem:$0x3FB0] =	sst s3  }
0xc: {  	[smem:$0x3FB1] =	sst s4  }
0xd: {  	[smem:$0x3FB2] =	sst s5  }
0xe: {  	[smem:$0x3FB3] =	sst s6  }
0xf: {  	[smem:$0x3FB4] =	sst s7  }
0x10: {  	[smem:$0x3FB5] =	sst s8  }
0x11: {  	[smem:$0x3FB6] =	sst s9;
	s0 =	simm.s32 @!p0 $0x0  }
0x12: {  	s1 =	sld [smem:$0x3F9C];
	s0 =	simm.s32 @p0 $0x1  }
0x13: {  	[smem:$0x3FB7] =	sst s0;
	s0 =	simm.s32 @!p1 $0x0  }
0x14: {  	s2 =	sld [smem:$0x3F9B];
	s0 =	simm.s32 @p1 $0x1  }
0x15: {  	[smem:$0x3FB8] =	sst s0;
	s0 =	simm.s32 @!p2 $0x0  }
0x16: {  	s3 =	sld [smem:$0x3FDB];
	s0 =	simm.s32 @p2 $0x1  }
0x17: {  	s4 =	simm.s32 $0x1BF5;
	[smem:$0x3FBA] =	sst s0  }
0x18: {  	s0 =	sld [smem:$0x3F9D];
	_ =	swait.ge [sflag:s4], $0x0  }
0x19: {  	s7 =	sld [smem:$0x3F9E]  }
0x1a: {  	s8 =	sadd.s32 $0xFFFFE003, lr  }
0x1b: {  	s9 =	sadd.s32 $0xFFFFFEF7, lr;
	s5 =	simm.s32 $0xFFFFFFFF;
	p2 =	slt.u32 s8, $0xFFFFF086  }
0x1c: {  	p1 =	slt.u32 s9, $0xF7A;
	s5 =	simm.s32 @!p2 $0x0  }
0x1d: {  	s5 =	simm.s32 @p1 $0x1;
	p0 =	seq.s32 s7, s2  }
0x1e: {  	s7 =	smul.u32 @!p0 $0xF7A, s2;
	p2 =	seq.s32 @!p0 s5, $0x0  }
0x1f: {  	s9 =	smul.u32 $0xF7A, s1;
	s8 =	simm.s32 @!p0 $0x1BF5;
	p2 =	por !p2, p0  }
0x20: {  	[sflag:s8] =	ssyncset.s32 @!p0 $0xFFFFF086;
	s6 =	sadd.s32 @!p0 s3, s7;
	s7 =	simm.s32 @!p0 $0x108  }
0x21: {  	s3 =	sadd.s32 s3, s9;
	s6 =	sadd.s32 @!p0 $0x88, s6;
	s7 =	simm.s32 @p2 $0x1082  }
0x22: {  	[simem:s7], [sflag:s8] =	dma.local @!p0 [hbm:s6], $0xF7A  }
0x23: {  	s9 =	sor.u32 $0xD0000000, s2;
	s6 =	simm.s32 $0x108;
	_ =	swait.ge @!p0 [sflag:s8], $0x0  }
0x24: {  	s3 =	sadd.s32 $0x88, s3;
	s6 =	simm.s32 @!p1 $0x1082;
	[sflag:s4] =	ssyncset.s32 $0xFFFFF086  }
0x25: {  	[simem:s6], [sflag:s4] =	dma.local [hbm:s3], $0xF7A  }
0x26: {  	[smem:$0x3F9E] =	sst s1;
	(tag) =	ssettag s2;
	_ =	strace s9  }
0x27: {  	s1 =	sld [smem:$0x3FAE]  }
0x28: {  	s2 =	sld [smem:$0x3FAF]  }
0x29: {  	s4 =	sld [smem:$0x3FB1]  }
0x2a: {  	p0 =	seq.s32 s5, $0x0;
	s5 =	sld [smem:$0x3FB2]  }
0x2b: {  	s6 =	sld [smem:$0x3FB3]  }
0x2c: {  	s7 =	sld [smem:$0x3FB4]  }
0x2d: {  	s3 =	simm.s32 $0x108;
	s8 =	sld [smem:$0x3FB5]  }
0x2e: {  	s3 =	simm.s32 @!p0 $0x1082;
	s9 =	sld [smem:$0x3FB6]  }
0x2f: {  	lr =	sadd.s32 s0, s3;
	s0 =	sld [smem:$0x3FAD]  }
0x30: {  	s3 =	sld [smem:$0x3FB0]  }
0x31: {  	[smem:$0x3FB9] =	sst s10  }
0x32: {  	s10 =	sld [smem:$0x3FB7];
	_ =	sdelay $0x3  }
0x33: {  	p0 =	seq.s32 s10, $0x1;
	s10 =	sld [smem:$0x3FB9];
	_ =	sdelay $0x3  }
0x34: {  	[smem:$0x3FB9] =	sst s10  }
0x35: {  	s10 =	sld [smem:$0x3FB8];
	_ =	sdelay $0x3  }
0x36: {  	p1 =	seq.s32 s10, $0x1;
	s10 =	sld [smem:$0x3FB9];
	_ =	sdelay $0x3  }
0x37: {  	[smem:$0x3FB9] =	sst s10  }
0x38: {  	s10 =	sld [smem:$0x3FBA]  }
0x39: {  	_ = 	snop;
	(pc) =	sbr.ind lr, $3  }
0x3a: {  	_ = 	snop  }
0x3b: {  	_ = 	snop  }
0x3c: {  	p2 =	seq.s32 s10, $0x1;
	s10 =	sld [smem:$0x3FB9]  }
0x3d: {  	_ =	shalt  }
0x3e: {  	_ =	shalt  }
0x3f: {  	_ =	shalt  }
0x40: {  	_ =	shalt  }
0x41: {  	_ =	shalt  }
0x42: {  	_ =	shalt  }
0x43: {  	_ =	shalt  }
0x44: {  	_ =	shalt  }
0x45: {  	_ =	shalt  }
0x46: {  	_ =	shalt  }
0x47: {  	_ =	shalt  }
0x48: {  	_ =	shalt  }
0x49: {  	_ =	shalt  }
0x4a: {  	_ =	shalt  }
0x4b: {  	_ =	shalt  }
0x4c: {  	_ =	shalt  }
0x4d: {  	_ =	shalt  }
0x4e: {  	_ =	shalt  }
0x4f: {  	_ =	shalt  }
0x50: {  	_ =	shalt  }
0x51: {  	_ =	shalt  }
0x52: {  	_ =	shalt  }
0x53: {  	_ =	shalt  }
0x54: {  	_ =	shalt  }
0x55: {  	_ =	shalt  }
0x56: {  	_ =	shalt  }
0x57: {  	_ =	shalt  }
0x58: {  	_ =	shalt  }
0x59: {  	_ =	shalt  }
0x5a: {  	_ =	shalt  }
0x5b: {  	_ =	shalt  }
0x5c: {  	_ =	shalt  }
0x5d: {  	_ =	shalt  }
0x5e: {  	_ =	shalt  }
0x5f: {  	_ =	shalt  }
0x60: {  	_ =	shalt  }
0x61: {  	_ =	shalt  }
0x62: {  	_ =	shalt  }
0x63: {  	_ =	shalt  }
0x64: {  	_ =	shalt  }
0x65: {  	_ =	shalt  }
0x66: {  	_ =	shalt  }
0x67: {  	_ =	shalt  }
0x68: {  	_ =	shalt  }
0x69: {  	_ =	shalt  }
0x6a: {  	_ =	shalt  }
0x6b: {  	_ =	shalt  }
0x6c: {  	_ =	shalt  }
0x6d: {  	_ =	shalt  }
0x6e: {  	_ =	shalt  }
0x6f: {  	_ =	shalt  }
0x70: {  	_ =	shalt  }
0x71: {  	_ =	shalt  }
0x72: {  	_ =	shalt  }
0x73: {  	_ =	shalt  }
0x74: {  	_ =	shalt  }
0x75: {  	_ =	shalt  }
0x76: {  	_ =	shalt  }
0x77: {  	_ =	shalt  }
0x78: {  	_ =	shalt  }
0x79: {  	_ =	shalt  }
0x7a: {  	_ =	shalt  }
0x7b: {  	_ =	shalt  }
0x7c: {  	_ =	shalt  }
0x7d: {  	_ =	shalt  }
0x7e: {  	_ =	shalt  }
0x7f: {  	_ =	shalt  }
0x80: {  	_ =	shalt  }
0x81: {  	_ =	shalt  }
0x82: {  	_ =	shalt  }
0x83: {  	_ =	shalt  }
0x84: {  	_ =	shalt  }
0x85: {  	_ =	shalt  }
0x86: {  	_ =	shalt  }
0x87: {  	_ =	shalt  }
.Lfunc_end0:
.L_simem_size_0:
called_computation_lowered:
.L_overlay_start_0:
0x88: {  	s2 =	sld [smem:$0x3FD9]  }
0x89: {  	s3 =	sld [smem:$0x3FFE];
	_ =	sdelay $0x1  }
0x8a: {  	s1 =	srdreg.scid  }
0x8b: {  	s0 =	sand.u32 $0x1, s1  }
0x8c: {  	s18 =	sshll.u32 s0, $0xA;
	s2 =	sadd.s32 s3, s2  }
0x8d: {  	s2 =	sadd.s32 s2, s18  }
0x8e: {  	[smem:$0x3FC5] =	sst s2  }
0x8f: {  	_ = 	snop  }
0x90: {  	s2 =	sld [smem:$0x3FC9]  }
0x91: {  	s19 =	sld [smem:$0x3FC8]  }
0x92: {  	s4 =	sld [smem:$0x3FC7]  }
0x93: {  	s5 =	sld [smem:$0x3FD0];
	(tm) =	ssettm $0x1  }
0x94: {  	s6 =	sld [smem:$0x3FFB];
	_ =	sdelay $0x3  }
0x95: {  	_ =	strace s6  }
0x96: {  	s6 =	sld [smem:$0x3FFC];
	_ =	sdelay $0x3  }
0x97: {  	_ =	strace s6  }
0x98: {  	s6 =	sld [smem:$0x3FFD];
	_ =	sdelay $0x3  }
0x99: {  	_ =	strace s6  }
0x9a: {  	_ =	strace $0x8FFFFFFF  }
0x9b: {  	s20 =	sld [smem:$0x3FDB];
	_ =	sdelay $0x1  }
0x9c: {  	s7 =	simm.s32 $_scs_section_size  }
0x9d: {  	s8 =	simm.s32 $_size__tile_overlayer_lowered;
	s9 =	simm.s32 $_tile_overlayer_lowered  }
0x9e: {  	s23 =	simm.s32 $0x1BFF;
	s22 =	sshll.u32 s9, $0x1;
	s6 =	sadd.s32 s7, s20  }
0x9f: {  	s10 =	simm.s32 $0x0;
	s21 =	sshll.u32 s8, $0x1;
	s8 =	sadd.s32 s22, s6  }
0xa0: {  	[timem:s10], [sflag:s23] =	dma.local [hbm:s8], s21  }
0xa1: {  	_ =	swait.ge [sflag:s23], s21  }
0xa2: {  	s7 =	ssub.s32 $0x0, s21;
	[sflag:s23] =	ssyncset.done $0x0  }
0xa3: {  	[sflag:s23] =	ssyncadd.s32 s7;
	_ =	sdelay $0x1  }
0xa4: {  	s24 =	simm.s32 $0x1B8B  }
0xa5: {  	_ =	swait.ge [sflag:s24], $0x1  }
0xa6: {  	[sflag:s24] =	ssyncset.done $0x0  }
0xa7: {  	s25 =	simm.s32 $0x1B8E;
	[sflag:s24] =	ssyncadd.s32 $0xFFFFFFFF  }
0xa8: {  	s26 =	simm.s32 $execute0_lowered;
	[smem:$0x3FD2] =	sst s25  }
0xa9: {  	s7 =	sshll.u32 s26, $0x1;
	_ =	strace $0x80000046;
	[dreg:$0x1] =	wrdreg $0xFFFFFFFF  }
0xaa: {  	s28 =	simm.s32 $_size_execute0_lowered;
	s6 =	sadd.s32 s6, s7;
	[dreg:$0x0] =	wrdreg $0x0  }
0xab: {  	s7 =	sshll.u32 s28, $0x1;
	[dreg:$0x2] =	wrdreg s6  }
0xac: {  	[dreg:$0x3] =	wrdreg s7  }
0xad: {  	[dreg:$0x4] =	wrdreg $0xC0  }
0xae: {  	_ =	task [dreg:s10], $0x5FFFF  }
0xaf: {  	[dreg:$0x1] =	wrdreg $0xFFFFFFFF  }
0xb0: {  	[dreg:$0x0] =	wrdreg $0x60  }
0xb1: {  	[dreg:$0x2] =	wrdreg s2  }
0xb2: {  	[dreg:$0x3] =	wrdreg s19  }
0xb3: {  	[dreg:$0x4] =	wrdreg s4  }
0xb4: {  	[dreg:$0x5] =	wrdreg s5  }
0xb5: {  	[dreg:$0x6] =	wrdreg $0x0  }
0xb6: {  	[dreg:$0x7] =	wrdreg $0x9  }
0xb7: {  	_ =	task.clear_ibuf [dreg:s10], $0x8FFFF;
	_ =	strace $0x90000046  }
0xb8: {  	s29 =	simm.s32 $0x9;
	_ =	strace $0x80000048  }
0xb9: {  	_ =	swait.ge [sflag:s29], $0x1  }
0xba: {  	[sflag:s29] =	ssyncadd.s32 $0xFFFFFFFF  }
0xbb: {  	_ =	strace $0x90000048  }
0xbc: {  	_ =	sfence  }
0xbd: {  	s30 =	sld [smem:$0x0];
	_ =	sdelay $0x2  }
0xbe: {  	s31 =	sshll.u32 s1, $0xD;
	s1 =	sshrl.u32 s1, $0x2  }
0xbf: {  	s3 =	sand.u32 $0x4000, s31;
	s1 =	sadd.s32 s1, s30  }
0xc0: {  	s0 =	sor.u32 s3, s0;
	s1 =	sshll.u32 s1, $0x11  }
0xc1: {  	s0 =	sor.u32 s1, s0  }
0xc2: {  	s0 =	sadd.s32 $0x8F2B, s0  }
0xc3: {  	[sflag:s0] =	ssyncadd.remote.s32 $0x1  }
0xc4: {  	_ =	sfence.sel $0xFFFF  }
0xc5: {  	[dreg:$0x0] =	wrdreg $0xFFFFFFFF;
	(pc) =	sbr.abs _section_cstart, $3  }
0xc6: {  	[dreg:$0x1] =	wrdreg $0xFFFFFFFF  }
0xc7: {  	_ =	task.clear_ibuf [dreg:s10], $0x2FFFF;
	_ =	strace $0x9FFFFFFF  }
0xc8: {  	(tm) =	ssettm $0x7FFFFFFF  }
0xc9: {  	_ =	shalt  }
tec
execute0_lowered:
.L_overlay_start_1:
0x0: {  	(tag) =	ssettag $0x1  }
0x1: {  	s19 =	rddreg [dreg:$0x0]  }
0x2: {  	s1 =	rddreg [dreg:$0x1]  }
0x3: {  	s2 =	rddreg [dreg:$0x2]  }
0x4: {  	s3 =	rddreg [dreg:$0x3]  }
0x5: {  	s4 =	rddreg [dreg:$0x4]  }
0x6: {  	s0 =	srdreg.scid;
	s9 =	stileid.u32  }
0x7: {  	s5 =	simm.s32 $0x0;
	s20 =	simm.s32 $0x2000;
	s11 =	smul.u32 $0x18700, s9  }
0x8: {  	s0 =	sand.u32 $0x1, s0;
	[smem:$0x7FF] =	sst s5;
	s17 =	smul.u32 $0x18400, s9  }
0x9: {  	s13 =	sshll.u32 s9, $0x6;
	s10 =	smul.u32 $0x61C000, s0;
	_ =	strace $0x80000047  }
0xa: {  	s6 =	ssub.s32 $0x2, s0;
	s14 =	sor.u32 $0x187010, s13;
	s15 =	sor.u32 $0x187000, s13  }
0xb: {  	s16 =	sor.u32 $0x187020, s13;
	p0 =	seq.s32 s0, $0x0;
	s7 =	sshrl.u32 s6, $0x1  }
0xc: {  	v0 =	vlaneseq.u32;
	s23 =	ssub.s32 s6, s7;
	s21 =	sadd.s32 s11, s10;
	s6 =	sshll.u32 s9, $0x11  }
0xd: {  	v8 =	vor.u32 $0x10, v0;
	s7 =	sadd.s32 s11, s4;
	s9 =	sor.u32 $0x1C02, s13;
	s13 =	sor.u32 $0x187030, s13  }
0xe: {  	v9 =	vor.u32 $0x20, v0;
	v10 =	vor.u32 $0x30, v0;
	v11 =	vor.u32 $0x40, v0;
	s22 =	sadd.s32 $0x187000, s10;
	s25 =	sadd.s32 $0x30E000, s10;
	s26 =	sadd.s32 s17, s10  }
0xf: {  	v12 =	vor.u32 $0x50, v0;
	v13 =	vor.u32 $0x60, v0;
	v14 =	vor.u32 $0x70, v0;
	s17 =	sadd.s32 s17, s4;
	s12 =	sshrl.u32 s21, $0x3;
	s24 =	sadd.s32 s11, s22  }
0x10: {  	v15 =	vor.u32 $0xFFB6B000, v0;
	v16 =	vor.u32 $0xFFB6B010, v0;
	v17 =	vor.u32 $0xFFB6B020, v0;
	s29 =	sshrl.u32 s26, $0x3;
	s30 =	sadd.s32 s11, s25;
	s11 =	sshrl.u32 s11, $0x3  }
0x11: {  	v18 =	vor.u32 $0xFFB6B030, v0;
	v19 =	vor.u32 $0xFFB6B040, v0;
	v7 =	vmov s25;
	[dreg:$0x6] =	wrdreg s17;
	s23 =	smax.u32 s23, $0x1;
	s25 =	simm.s32 $0x1  }
0x12: {  	v20 =	vor.u32 $0xFFB6B050, v0;
	v21 =	vor.u32 $0xFFB6B060, v0;
	v5 =	vmov s10;
	s8 =	sadd.s32 s19, s12;
	s10 =	sadd.s32 s3, s12;
	s28 =	sshrl.u32 s24, $0x3  }
.Ltmp0:
0x13: {  	v22 =	vor.u32 $0xFFB6B070, v0;
	v23 =	vor.u32 $0xFF54F000, v0;
	v6 =	vmov s22;
	s21 =	sadd.s32 $0x92A00, s29;
	s22 =	sadd.s32 $0x92A00, s11;
	(pc) =	sbr.rel .LBB2_1-.Ltmp0, $4  }
0x14: {  	v24 =	vor.u32 $0xFF54F010, v0;
	v25 =	vor.u32 $0xFF54F020, v0;
	s11 =	simm.s32 $0x18740;
	s12 =	simm.s32 $0x1A740;
	s31 =	sshrl.u32 s30, $0x3  }
0x15: {  	v26 =	vor.u32 $0xFF54F030, v0;
	v2 =	vor.u32 s14, v0;
	v4 =	vor.u32 s13, v0;
	s24 =	simm.s32 $0x2;
	s13 =	sadd.s32 s19, s28;
	s14 =	sadd.s32 s3, s28  }
0x16: {  	v27 =	vor.u32 $0xFF54F040, v0;
	v1 =	vor.u32 s15, v0;
	v3 =	vor.u32 s16, v0;
	s15 =	sadd.s32 s19, s31;
	s16 =	sadd.s32 s3, s31;
	s18 =	sadd.s32 s19, s21  }
0x17: {  	v28 =	vor.u32 $0xFF54F050, v0;
	v29 =	vor.u32 $0xFF54F060, v0;
	v30 =	vor.u32 $0xFF54F070, v0;
	s19 =	sadd.s32 s19, s22;
	s21 =	sadd.s32 s3, s21;
	s22 =	sadd.s32 s3, s22  }
.LBB2_24:
0x18: {  	s5 =	sadd.s32 $0x1, s5  }
0x19: {  	p1 =	sne.s32 s5, s23  }
.Ltmp1:
0x1a: {  	_ = 	snop;
	(pc) =	sbr.rel @!p1 .LBB2_25-.Ltmp1, $2  }
0x1b: {  	_ =	sdelay $0x1  }
0x1c: {  	[bflag:$0x0] =	sbarrier.arrive $0xFFFF;
	_ =	sdelay $0x1  }
.LBB2_1:
0x1d: {  	s26 =	sshrl.u32 s7, $0x3  }
0x1e: {  	[spmem:s26], [sflag:s9] =	dma.local [hbm:s8], $0x30E0  }
0x1f: {  	_ =	swait.ge [sflag:s24], $0x30E0  }
0x20: {  	[sflag:s24] =	ssyncset.done $0x0  }
0x21: {  	[sflag:s24] =	ssyncadd.s32 $0xFFFFCF20  }
0x22: {  	s0 =	simm.s32 $0x0;
	[bflag:$0x0] =	sbarrier.arrive $0xFFFF  }
.LBB2_2:
0x23: {  	s3 =	sshll.u32 s0, $0xD  }
0x24: {  	s3 =	sadd.s32 s6, s3  }
0x25: {  	s3 =	sshrl.u32 s3, $0x3  }
0x26: {  	s29 =	simm.s32 $0x0;
	s28 =	sadd.s32 s1, s3  }
0x27: {  	[tilespmem:s11], [sflag:$0x1] =	stream.linear.gather [hbm4b:s28+s29], $0x2000, $0x38;
	[tilespmem:$0x1C740] =	vst v63  }
0x28: {  	s3 =	sadd.s32 s2, s3  }
0x29: {  	[tilespmem:s12], [sflag:$0x1] =	stream.linear.gather [hbm4b:s3+s29], $0x2000, $0x38;
	[tilespmem:$0x1C740] =	vst v63  }
0x2a: {  	_ =	swait.ge [sflag:s25], $0x2000  }
0x2b: {  	[sflag:s25] =	ssyncset.done $0x0  }
0x2c: {  	[sflag:s25] =	ssyncadd.s32 $0xFFFFE000  }
0x2d: {  	_ =	swait.ge [sflag:s25], $0x2000  }
0x2e: {  	[sflag:s25] =	ssyncset.done $0x0  }
0x2f: {  	s28 =	simm.s32 $0x0;
	[sflag:s25] =	ssyncadd.s32 $0xFFFFE000  }
0x30: {  	v31 =	vld [tilespmem:s28+$0x18740]  }
0x31: {  	v35 =	vld [tilespmem:s28+$0x187B0]  }
0x32: {  	v37 =	vld [tilespmem:s28+$0x18760]  }
0x33: {  	v39 =	vld [tilespmem:s28+$0x18790]  }
0x34: {  	v33 =	vld [tilespmem:s28+$0x18750];
	_ =	sdelay $0x1  }
0x35: {  	v34 =	vld [tilespmem:s28+$0x1A750]  }
0x36: {  	v40 =	vld [tilespmem:s28+$0x1A740];
	v31 =	vshll.u32 v31, $0x7;
	v35 =	vshll.u32 v35, $0x7  }
0x37: {  	v32 =	vld [tilespmem:s28+$0x1A790];
	v62 =	vshll.u32 v37, $0x7;
	v43 =	vshll.u32 v39, $0x7;
	v31 =	vsub.s32 v31, v5  }
0x38: {  	v36 =	vor.u32 v0, v31;
	vm1 =	vlt.u32 v31, $0x187000;
	v31 =	vshll.u32 v33, $0x7;
	v33 =	vld [tilespmem:s28+$0x18770]  }
0x39: {  	v38 =	vsub.s32 v35, v5;
	v39 =	vsub.s32 v62, v5;
	v41 =	vsel vm1, v36, v1;
	v36 =	vld [tilespmem:s28+$0x187A0]  }
0x3a: {  	v37 =	vld [tilespmem:s28+$0x18780];
	v63 =	vsub.s32 v43, v5;
	vm0 =	vlt.u32 v38, $0x187000;
	v42 =	vsub.s32 v31, v5  }
0x3b: {  	v35 =	vld [tilespmem:s28+$0x1A7B0];
	v44 =	vor.u32 v8, v42;
	vm2 =	vlt.u32 v42, $0x187000;
	v42 =	vnsel vm1, $0x0, v40  }
0x3c: {  	s3 =	simm.s32 $0x200;
	v31 =	vld [tilespmem:s28+$0x1A7A0];
	[tilespmem:s28+$0x18740] =	vst v41;
	v40 =	vor.u32 v12, v63;
	vm1 =	vlt.u32 v63, $0x187000;
	v41 =	vsel vm2, v44, v2  }
.LBB2_3:
0x3d: {  	s29 =	sshra.s32 s3, $0x2;
	p1 =	sne.s32 s3, $0x7E00;
	s3 =	sadd.s32 $0x200, s3;
	[tilespmem:s28+$0x1A740] =	vst v42;
	v34 =	vnsel vm2, $0x0, v34;
	v42 =	vld [tilespmem:s28+$0x1A760];
	vm2 =	vlt.u32 v39, $0x187000;
	v38 =	vor.u32 v14, v38  }
0x3e: {  	v33 =	vshll.u32 v33, $0x7;
	[tilespmem:s28+$0x1A750] =	vst v34;
	v34 =	vor.u32 v9, v39;
	v39 =	vld [tilespmem:s28+$0x1A770];
	v36 =	vshll.u32 v36, $0x7  }
0x3f: {  	v32 =	vnsel vm1, $0x0, v32;
	v33 =	vsub.s32 v33, v5;
	v43 =	vld [tilespmem:s29+$0x18740];
	[tilespmem:s28+$0x18750] =	vst v41;
	v36 =	vsub.s32 v36, v5  }
0x40: {  	v40 =	vsel vm1, v40, v2;
	v41 =	vld [tilespmem:s28+$0x1A780];
	v37 =	vshll.u32 v37, $0x7;
	[tilespmem:s28+$0x1A790] =	vst v32;
	v32 =	vsel vm0, v38, v4  }
0x41: {  	v34 =	vsel vm2, v34, v3;
	v44 =	vor.u32 v13, v36;
	v38 =	vld [tilespmem:s29+$0x18750];
	v37 =	vsub.s32 v37, v5;
	[tilespmem:s28+$0x187B0] =	vst v32  }
0x42: {  	vm3 =	vlt.u32 v33, $0x187000;
	vm1 =	vlt.u32 v36, $0x187000;
	v45 =	vld [tilespmem:s29+$0x187B0];
	[tilespmem:s28+$0x18760] =	vst v34;
	v46 =	vor.u32 v11, v37  }
0x43: {  	v32 =	vnsel vm2, $0x0, v42;
	v34 =	vsel vm1, v44, v3;
	v36 =	vld [tilespmem:s29+$0x18760];
	v47 =	vnsel vm3, $0x0, v39;
	[tilespmem:s28+$0x18790] =	vst v40  }
0x44: {  	v33 =	vor.u32 v10, v33;
	v35 =	vnsel vm0, $0x0, v35;
	v39 =	vshll.u32 v43, $0x7;
	v40 =	vld [tilespmem:s29+$0x18790];
	[tilespmem:s28+$0x187A0] =	vst v34  }
0x45: {  	v33 =	vsel vm3, v33, v4;
	vm0 =	vlt.u32 v37, $0x187000;
	v39 =	vsub.s32 v39, v5;
	v34 =	vld [tilespmem:s29+$0x1A750];
	[tilespmem:s28+$0x1A7B0] =	vst v35  }
0x46: {  	v35 =	vld [tilespmem:s29+$0x1A740];
	v37 =	vor.u32 v0, v39;
	vm2 =	vlt.u32 v39, $0x187000;
	[tilespmem:s28+$0x1A760] =	vst v32;
	v39 =	vnsel vm0, $0x0, v41  }
0x47: {  	v41 =	vsel vm2, v37, v1;
	v37 =	vshll.u32 v38, $0x7;
	v32 =	vld [tilespmem:s29+$0x1A790];
	v38 =	vshll.u32 v45, $0x7;
	[tilespmem:s28+$0x18770] =	vst v33  }
.Ltmp2:
0x48: {  	v31 =	vnsel vm1, $0x0, v31;
	v37 =	vsub.s32 v37, v5;
	v33 =	vld [tilespmem:s29+$0x18770];
	v38 =	vsub.s32 v38, v5;
	[tilespmem:s28+$0x1A780] =	vst v39;
	(pc) =	sbr.rel @p1 .LBB2_3-.Ltmp2, $4  }
0x49: {  	v42 =	vsel vm0, v46, v1;
	v39 =	vshll.u32 v36, $0x7;
	v40 =	vshll.u32 v40, $0x7;
	v36 =	vld [tilespmem:s29+$0x187A0];
	[tilespmem:s28+$0x1A7A0] =	vst v31  }
0x4a: {  	v43 =	vor.u32 v8, v37;
	v39 =	vsub.s32 v39, v5;
	vm0 =	vlt.u32 v38, $0x187000;
	v31 =	vld [tilespmem:s29+$0x1A7A0];
	[tilespmem:s28+$0x18780] =	vst v42  }
0x4b: {  	v42 =	vnsel vm2, $0x0, v35;
	vm2 =	vlt.u32 v37, $0x187000;
	v37 =	vld [tilespmem:s29+$0x18780];
	v35 =	vsub.s32 v40, v5;
	[tilespmem:s28+$0x1A770] =	vst v47;
	s28 =	smov.u32 s29  }
0x4c: {  	[tilespmem:s28+$0x18740] =	vst v41;
	v41 =	vsel vm2, v43, v2;
	v40 =	vor.u32 v12, v35;
	vm1 =	vlt.u32 v35, $0x187000;
	v35 =	vld [tilespmem:s28+$0x1A7B0]  }
0x4d: {  	[tilespmem:s28+$0x1A740] =	vst v42  }
0x4e: {  	v34 =	vnsel vm2, $0x0, v34;
	[tilespmem:s28+$0x18750] =	vst v41;
	vm12 =	vlt.u32 v39, $0x187000  }
0x4f: {  	v38 =	vor.u32 v14, v38;
	v32 =	vnsel vm1, $0x0, v32;
	v52 =	vor.u32 v9, v39;
	[tilespmem:s28+$0x1A750] =	vst v34  }
0x50: {  	v55 =	vsel vm1, v40, v2;
	v33 =	vshll.u32 v33, $0x7;
	v36 =	vshll.u32 v36, $0x7;
	[tilespmem:s28+$0x1A790] =	vst v32  }
0x51: {  	v53 =	vsel vm0, v38, v4;
	v54 =	vsel vm12, v52, v3;
	[tilespmem:s28+$0x18790] =	vst v55;
	v33 =	vsub.s32 v33, v5  }
0x52: {  	v49 =	vld [tilespmem:s28+$0x1A760];
	v36 =	vsub.s32 v36, v5;
	[tilespmem:s28+$0x187B0] =	vst v53;
	vm14 =	vlt.u32 v33, $0x187000;
	v33 =	vor.u32 v10, v33  }
0x53: {  	v50 =	vld [tilespmem:s28+$0x1A770];
	[tilespmem:s28+$0x18760] =	vst v54;
	v56 =	vor.u32 v13, v36;
	vm13 =	vlt.u32 v36, $0x187000;
	v61 =	vsel vm14, v33, v4  }
0x54: {  	v51 =	vld [tilespmem:s28+$0x1A780];
	v58 =	vsel vm13, v56, v3;
	[tilespmem:s28+$0x18770] =	vst v61  }
0x55: {  	v59 =	vnsel vm0, $0x0, v35;
	[tilespmem:s28+$0x187A0] =	vst v58  }
0x56: {  	v57 =	vshll.u32 v37, $0x7;
	v31 =	vnsel vm13, $0x0, v31;
	[tilespmem:s28+$0x1A7B0] =	vst v59  }
0x57: {  	v36 =	vsub.s32 v57, v5;
	v60 =	vnsel vm12, $0x0, v49;
	[tilespmem:s28+$0x1A7A0] =	vst v31  }
0x58: {  	vm15 =	vlt.u32 v36, $0x187000;
	v31 =	vnsel vm14, $0x0, v50;
	[tilespmem:s28+$0x1A760] =	vst v60  }
0x59: {  	s0 =	sadd.s32 $0x1, s0;
	v63 =	vor.u32 v11, v36;
	v62 =	vnsel vm15, $0x0, v51;
	[tilespmem:s28+$0x1A770] =	vst v31  }
0x5a: {  	p1 =	sne.s32 s0, $0x10;
	v32 =	vsel vm15, v63, v1;
	[tilespmem:s28+$0x1A780] =	vst v62  }
.Ltmp3:
0x5b: {  	[tilespmem:s28+$0x18780] =	vst v32;
	(pc) =	sbr.rel @p1 .LBB2_2-.Ltmp3, $4  }
0x5c: {  	[spmem:s4] =	stream.indirect.scatter.add.f32 [tilespmem:s12], [sflag:$0x1], $0x1, s11, s20, $0xb8;
	[tilespmem:$0x1C740] =	vst v63  }
0x5d: {  	_ =	swait.ge [sflag:s25], $0x2000  }
0x5e: {  	[sflag:s25] =	ssyncset.done $0x0  }
0x5f: {  	[sflag:s25] =	ssyncadd.s32 $0xFFFFE000  }
0x60: {  	[bflag:$0x0] =	sbarrier.arrive $0xFFFF  }
0x61: {  	[hbm:s10], [sflag:s9] =	dma.local [spmem:s26], $0x30E0  }
0x62: {  	_ =	swait.ge [sflag:s24], $0x30E0  }
0x63: {  	[sflag:s24] =	ssyncset.done $0x0  }
0x64: {  	[sflag:s24] =	ssyncadd.s32 $0xFFFFCF20  }
0x65: {  	[bflag:$0x0] =	sbarrier.arrive $0xFFFF  }
0x66: {  	[spmem:s26], [sflag:s9] =	dma.local [hbm:s13], $0x30E0  }
0x67: {  	_ =	swait.ge [sflag:s24], $0x30E0  }
0x68: {  	[sflag:s24] =	ssyncset.done $0x0  }
0x69: {  	[sflag:s24] =	ssyncadd.s32 $0xFFFFCF20  }
0x6a: {  	s0 =	simm.s32 $0x0;
	s28 =	simm.s32 $0x0;
	[bflag:$0x0] =	sbarrier.arrive $0xFFFF  }
.LBB2_6:
0x6b: {  	s3 =	sshll.u32 s28, $0xD  }
0x6c: {  	s3 =	sadd.s32 s6, s3  }
0x6d: {  	s3 =	sshrl.u32 s3, $0x3  }
0x6e: {  	s29 =	sadd.s32 s1, s3  }
0x6f: {  	[tilespmem:s11], [sflag:$0x1] =	stream.linear.gather [hbm4b:s29+s0], $0x2000, $0x38;
	[tilespmem:$0x1C740] =	vst v63  }
0x70: {  	s3 =	sadd.s32 s2, s3  }
0x71: {  	[tilespmem:s12], [sflag:$0x1] =	stream.linear.gather [hbm4b:s3+s0], $0x2000, $0x38;
	[tilespmem:$0x1C740] =	vst v63  }
0x72: {  	_ =	swait.ge [sflag:s25], $0x2000  }
0x73: {  	[sflag:s25] =	ssyncset.done $0x0  }
0x74: {  	[sflag:s25] =	ssyncadd.s32 $0xFFFFE000  }
0x75: {  	_ =	swait.ge [sflag:s25], $0x2000  }
0x76: {  	[sflag:s25] =	ssyncset.done $0x0  }
0x77: {  	s29 =	simm.s32 $0x0;
	[sflag:s25] =	ssyncadd.s32 $0xFFFFE000  }
0x78: {  	v31 =	vld [tilespmem:s29+$0x18740]  }
0x79: {  	v35 =	vld [tilespmem:s29+$0x187B0]  }
0x7a: {  	v37 =	vld [tilespmem:s29+$0x18760]  }
0x7b: {  	v39 =	vld [tilespmem:s29+$0x18790]  }
0x7c: {  	v33 =	vld [tilespmem:s29+$0x18750];
	_ =	sdelay $0x1  }
0x7d: {  	v34 =	vld [tilespmem:s29+$0x1A750]  }
0x7e: {  	v40 =	vld [tilespmem:s29+$0x1A740];
	v31 =	vshll.u32 v31, $0x7;
	v35 =	vshll.u32 v35, $0x7  }
0x7f: {  	v32 =	vld [tilespmem:s29+$0x1A790];
	v62 =	vshll.u32 v37, $0x7;
	v43 =	vshll.u32 v39, $0x7;
	v31 =	vsub.s32 v31, v6  }
0x80: {  	v36 =	vor.u32 v0, v31;
	vm1 =	vlt.u32 v31, $0x187000;
	v31 =	vshll.u32 v33, $0x7;
	v33 =	vld [tilespmem:s29+$0x18770]  }
0x81: {  	v38 =	vsub.s32 v35, v6;
	v39 =	vsub.s32 v62, v6;
	v41 =	vsel vm1, v36, v1;
	v36 =	vld [tilespmem:s29+$0x187A0]  }
0x82: {  	v37 =	vld [tilespmem:s29+$0x18780];
	v63 =	vsub.s32 v43, v6;
	vm0 =	vlt.u32 v38, $0x187000;
	v42 =	vsub.s32 v31, v6  }
0x83: {  	v35 =	vld [tilespmem:s29+$0x1A7B0];
	v44 =	vor.u32 v8, v42;
	vm2 =	vlt.u32 v42, $0x187000;
	v42 =	vnsel vm1, $0x0, v40  }
0x84: {  	s3 =	simm.s32 $0x200;
	v31 =	vld [tilespmem:s29+$0x1A7A0];
	[tilespmem:s29+$0x18740] =	vst v41;
	v40 =	vor.u32 v12, v63;
	vm1 =	vlt.u32 v63, $0x187000;
	v41 =	vsel vm2, v44, v2  }
.LBB2_7:
0x85: {  	s30 =	sshra.s32 s3, $0x2;
	p1 =	sne.s32 s3, $0x7E00;
	s3 =	sadd.s32 $0x200, s3;
	[tilespmem:s29+$0x1A740] =	vst v42;
	v34 =	vnsel vm2, $0x0, v34;
	v42 =	vld [tilespmem:s29+$0x1A760];
	vm2 =	vlt.u32 v39, $0x187000;
	v38 =	vor.u32 v14, v38  }
0x86: {  	v33 =	vshll.u32 v33, $0x7;
	[tilespmem:s29+$0x1A750] =	vst v34;
	v34 =	vor.u32 v9, v39;
	v39 =	vld [tilespmem:s29+$0x1A770];
	v36 =	vshll.u32 v36, $0x7  }
0x87: {  	v32 =	vnsel vm1, $0x0, v32;
	v33 =	vsub.s32 v33, v6;
	v43 =	vld [tilespmem:s30+$0x18740];
	[tilespmem:s29+$0x18750] =	vst v41;
	v36 =	vsub.s32 v36, v6  }
0x88: {  	v40 =	vsel vm1, v40, v2;
	v41 =	vld [tilespmem:s29+$0x1A780];
	v37 =	vshll.u32 v37, $0x7;
	[tilespmem:s29+$0x1A790] =	vst v32;
	v32 =	vsel vm0, v38, v4  }
0x89: {  	v34 =	vsel vm2, v34, v3;
	v44 =	vor.u32 v13, v36;
	v38 =	vld [tilespmem:s30+$0x18750];
	v37 =	vsub.s32 v37, v6;
	[tilespmem:s29+$0x187B0] =	vst v32  }
0x8a: {  	vm3 =	vlt.u32 v33, $0x187000;
	vm1 =	vlt.u32 v36, $0x187000;
	v45 =	vld [tilespmem:s30+$0x187B0];
	[tilespmem:s29+$0x18760] =	vst v34;
	v46 =	vor.u32 v11, v37  }
0x8b: {  	v32 =	vnsel vm2, $0x0, v42;
	v34 =	vsel vm1, v44, v3;
	v36 =	vld [tilespmem:s30+$0x18760];
	v47 =	vnsel vm3, $0x0, v39;
	[tilespmem:s29+$0x18790] =	vst v40  }
0x8c: {  	v33 =	vor.u32 v10, v33;
	v35 =	vnsel vm0, $0x0, v35;
	v39 =	vshll.u32 v43, $0x7;
	v40 =	vld [tilespmem:s30+$0x18790];
	[tilespmem:s29+$0x187A0] =	vst v34  }
0x8d: {  	v33 =	vsel vm3, v33, v4;
	vm0 =	vlt.u32 v37, $0x187000;
	v39 =	vsub.s32 v39, v6;
	v34 =	vld [tilespmem:s30+$0x1A750];
	[tilespmem:s29+$0x1A7B0] =	vst v35  }
0x8e: {  	v35 =	vld [tilespmem:s30+$0x1A740];
	v37 =	vor.u32 v0, v39;
	vm2 =	vlt.u32 v39, $0x187000;
	[tilespmem:s29+$0x1A760] =	vst v32;
	v39 =	vnsel vm0, $0x0, v41  }
0x8f: {  	v41 =	vsel vm2, v37, v1;
	v37 =	vshll.u32 v38, $0x7;
	v32 =	vld [tilespmem:s30+$0x1A790];
	v38 =	vshll.u32 v45, $0x7;
	[tilespmem:s29+$0x18770] =	vst v33  }
.Ltmp4:
0x90: {  	v31 =	vnsel vm1, $0x0, v31;
	v37 =	vsub.s32 v37, v6;
	v33 =	vld [tilespmem:s30+$0x18770];
	v38 =	vsub.s32 v38, v6;
	[tilespmem:s29+$0x1A780] =	vst v39;
	(pc) =	sbr.rel @p1 .LBB2_7-.Ltmp4, $4  }
0x91: {  	v42 =	vsel vm0, v46, v1;
	v39 =	vshll.u32 v36, $0x7;
	v40 =	vshll.u32 v40, $0x7;
	v36 =	vld [tilespmem:s30+$0x187A0];
	[tilespmem:s29+$0x1A7A0] =	vst v31  }
0x92: {  	v43 =	vor.u32 v8, v37;
	v39 =	vsub.s32 v39, v6;
	vm0 =	vlt.u32 v38, $0x187000;
	v31 =	vld [tilespmem:s30+$0x1A7A0];
	[tilespmem:s29+$0x18780] =	vst v42  }
0x93: {  	v42 =	vnsel vm2, $0x0, v35;
	vm2 =	vlt.u32 v37, $0x187000;
	v37 =	vld [tilespmem:s30+$0x18780];
	v35 =	vsub.s32 v40, v6;
	[tilespmem:s29+$0x1A770] =	vst v47;
	s29 =	smov.u32 s30  }
0x94: {  	[tilespmem:s29+$0x18740] =	vst v41;
	v41 =	vsel vm2, v43, v2;
	v40 =	vor.u32 v12, v35;
	vm1 =	vlt.u32 v35, $0x187000;
	v35 =	vld [tilespmem:s29+$0x1A7B0]  }
0x95: {  	[tilespmem:s29+$0x1A740] =	vst v42  }
0x96: {  	v34 =	vnsel vm2, $0x0, v34;
	[tilespmem:s29+$0x18750] =	vst v41;
	vm12 =	vlt.u32 v39, $0x187000  }
0x97: {  	v38 =	vor.u32 v14, v38;
	v32 =	vnsel vm1, $0x0, v32;
	v52 =	vor.u32 v9, v39;
	[tilespmem:s29+$0x1A750] =	vst v34  }
0x98: {  	v55 =	vsel vm1, v40, v2;
	v33 =	vshll.u32 v33, $0x7;
	v36 =	vshll.u32 v36, $0x7;
	[tilespmem:s29+$0x1A790] =	vst v32  }
0x99: {  	v53 =	vsel vm0, v38, v4;
	v54 =	vsel vm12, v52, v3;
	[tilespmem:s29+$0x18790] =	vst v55;
	v33 =	vsub.s32 v33, v6  }
0x9a: {  	v49 =	vld [tilespmem:s29+$0x1A760];
	v36 =	vsub.s32 v36, v6;
	[tilespmem:s29+$0x187B0] =	vst v53;
	vm14 =	vlt.u32 v33, $0x187000;
	v33 =	vor.u32 v10, v33  }
0x9b: {  	v50 =	vld [tilespmem:s29+$0x1A770];
	[tilespmem:s29+$0x18760] =	vst v54;
	v56 =	vor.u32 v13, v36;
	vm13 =	vlt.u32 v36, $0x187000;
	v61 =	vsel vm14, v33, v4  }
0x9c: {  	v51 =	vld [tilespmem:s29+$0x1A780];
	v58 =	vsel vm13, v56, v3;
	[tilespmem:s29+$0x18770] =	vst v61  }
0x9d: {  	v59 =	vnsel vm0, $0x0, v35;
	[tilespmem:s29+$0x187A0] =	vst v58  }
0x9e: {  	v57 =	vshll.u32 v37, $0x7;
	v31 =	vnsel vm13, $0x0, v31;
	[tilespmem:s29+$0x1A7B0] =	vst v59  }
0x9f: {  	v36 =	vsub.s32 v57, v6;
	v60 =	vnsel vm12, $0x0, v49;
	[tilespmem:s29+$0x1A7A0] =	vst v31  }
0xa0: {  	vm15 =	vlt.u32 v36, $0x187000;
	v31 =	vnsel vm14, $0x0, v50;
	[tilespmem:s29+$0x1A760] =	vst v60  }
0xa1: {  	s28 =	sadd.s32 $0x1, s28;
	v63 =	vor.u32 v11, v36;
	v62 =	vnsel vm15, $0x0, v51;
	[tilespmem:s29+$0x1A770] =	vst v31  }
0xa2: {  	p1 =	sne.s32 s28, $0x10;
	v32 =	vsel vm15, v63, v1;
	[tilespmem:s29+$0x1A780] =	vst v62  }
.Ltmp5:
0xa3: {  	[tilespmem:s29+$0x18780] =	vst v32;
	(pc) =	sbr.rel @p1 .LBB2_6-.Ltmp5, $4  }
0xa4: {  	[spmem:s4] =	stream.indirect.scatter.add.f32 [tilespmem:s12], [sflag:$0x1], $0x1, s11, s20, $0xb8;
	[tilespmem:$0x1C740] =	vst v63  }
0xa5: {  	_ =	swait.ge [sflag:s25], $0x2000  }
0xa6: {  	[sflag:s25] =	ssyncset.done $0x0  }
0xa7: {  	[sflag:s25] =	ssyncadd.s32 $0xFFFFE000  }
0xa8: {  	[bflag:$0x0] =	sbarrier.arrive $0xFFFF  }
0xa9: {  	[hbm:s14], [sflag:s9] =	dma.local [spmem:s26], $0x30E0  }
0xaa: {  	_ =	swait.ge [sflag:s24], $0x30E0  }
0xab: {  	[sflag:s24] =	ssyncset.done $0x0  }
0xac: {  	[sflag:s24] =	ssyncadd.s32 $0xFFFFCF20  }
0xad: {  	[bflag:$0x0] =	sbarrier.arrive $0xFFFF  }
0xae: {  	[spmem:s26], [sflag:s9] =	dma.local [hbm:s15], $0x30E0  }
0xaf: {  	_ =	swait.ge [sflag:s24], $0x30E0  }
0xb0: {  	[sflag:s24] =	ssyncset.done $0x0  }
0xb1: {  	[sflag:s24] =	ssyncadd.s32 $0xFFFFCF20  }
0xb2: {  	s0 =	simm.s32 $0x0;
	s28 =	simm.s32 $0x0;
	[bflag:$0x0] =	sbarrier.arrive $0xFFFF  }
.LBB2_10:
0xb3: {  	s3 =	sshll.u32 s28, $0xD  }
0xb4: {  	s3 =	sadd.s32 s6, s3  }
0xb5: {  	s3 =	sshrl.u32 s3, $0x3  }
0xb6: {  	s29 =	sadd.s32 s1, s3  }
0xb7: {  	[tilespmem:s11], [sflag:$0x1] =	stream.linear.gather [hbm4b:s29+s0], $0x2000, $0x38;
	[tilespmem:$0x1C740] =	vst v63  }
0xb8: {  	s3 =	sadd.s32 s2, s3  }
0xb9: {  	[tilespmem:s12], [sflag:$0x1] =	stream.linear.gather [hbm4b:s3+s0], $0x2000, $0x38;
	[tilespmem:$0x1C740] =	vst v63  }
0xba: {  	_ =	swait.ge [sflag:s25], $0x2000  }
0xbb: {  	[sflag:s25] =	ssyncset.done $0x0  }
0xbc: {  	[sflag:s25] =	ssyncadd.s32 $0xFFFFE000  }
0xbd: {  	_ =	swait.ge [sflag:s25], $0x2000  }
0xbe: {  	[sflag:s25] =	ssyncset.done $0x0  }
0xbf: {  	s29 =	simm.s32 $0x0;
	[sflag:s25] =	ssyncadd.s32 $0xFFFFE000  }
0xc0: {  	v31 =	vld [tilespmem:s29+$0x18740]  }
0xc1: {  	v35 =	vld [tilespmem:s29+$0x187B0]  }
0xc2: {  	v37 =	vld [tilespmem:s29+$0x18760]  }
0xc3: {  	v39 =	vld [tilespmem:s29+$0x18790]  }
0xc4: {  	v33 =	vld [tilespmem:s29+$0x18750];
	_ =	sdelay $0x1  }
0xc5: {  	v34 =	vld [tilespmem:s29+$0x1A750]  }
0xc6: {  	v40 =	vld [tilespmem:s29+$0x1A740];
	v31 =	vshll.u32 v31, $0x7;
	v35 =	vshll.u32 v35, $0x7  }
0xc7: {  	v32 =	vld [tilespmem:s29+$0x1A790];
	v62 =	vshll.u32 v37, $0x7;
	v43 =	vshll.u32 v39, $0x7;
	v31 =	vsub.s32 v31, v7  }
0xc8: {  	v36 =	vor.u32 v0, v31;
	vm1 =	vlt.u32 v31, $0x187000;
	v31 =	vshll.u32 v33, $0x7;
	v33 =	vld [tilespmem:s29+$0x18770]  }
0xc9: {  	v38 =	vsub.s32 v35, v7;
	v39 =	vsub.s32 v62, v7;
	v41 =	vsel vm1, v36, v1;
	v36 =	vld [tilespmem:s29+$0x187A0]  }
0xca: {  	v37 =	vld [tilespmem:s29+$0x18780];
	v63 =	vsub.s32 v43, v7;
	vm0 =	vlt.u32 v38, $0x187000;
	v42 =	vsub.s32 v31, v7  }
0xcb: {  	v35 =	vld [tilespmem:s29+$0x1A7B0];
	v44 =	vor.u32 v8, v42;
	vm2 =	vlt.u32 v42, $0x187000;
	v42 =	vnsel vm1, $0x0, v40  }
0xcc: {  	s3 =	simm.s32 $0x200;
	v31 =	vld [tilespmem:s29+$0x1A7A0];
	[tilespmem:s29+$0x18740] =	vst v41;
	v40 =	vor.u32 v12, v63;
	vm1 =	vlt.u32 v63, $0x187000;
	v41 =	vsel vm2, v44, v2  }
.LBB2_11:
0xcd: {  	s30 =	sshra.s32 s3, $0x2;
	p1 =	sne.s32 s3, $0x7E00;
	s3 =	sadd.s32 $0x200, s3;
	[tilespmem:s29+$0x1A740] =	vst v42;
	v34 =	vnsel vm2, $0x0, v34;
	v42 =	vld [tilespmem:s29+$0x1A760];
	vm2 =	vlt.u32 v39, $0x187000;
	v38 =	vor.u32 v14, v38  }
0xce: {  	v33 =	vshll.u32 v33, $0x7;
	[tilespmem:s29+$0x1A750] =	vst v34;
	v34 =	vor.u32 v9, v39;
	v39 =	vld [tilespmem:s29+$0x1A770];
	v36 =	vshll.u32 v36, $0x7  }
0xcf: {  	v32 =	vnsel vm1, $0x0, v32;
	v33 =	vsub.s32 v33, v7;
	v43 =	vld [tilespmem:s30+$0x18740];
	[tilespmem:s29+$0x18750] =	vst v41;
	v36 =	vsub.s32 v36, v7  }
0xd0: {  	v40 =	vsel vm1, v40, v2;
	v41 =	vld [tilespmem:s29+$0x1A780];
	v37 =	vshll.u32 v37, $0x7;
	[tilespmem:s29+$0x1A790] =	vst v32;
	v32 =	vsel vm0, v38, v4  }
0xd1: {  	v34 =	vsel vm2, v34, v3;
	v44 =	vor.u32 v13, v36;
	v38 =	vld [tilespmem:s30+$0x18750];
	v37 =	vsub.s32 v37, v7;
	[tilespmem:s29+$0x187B0] =	vst v32  }
0xd2: {  	vm3 =	vlt.u32 v33, $0x187000;
	vm1 =	vlt.u32 v36, $0x187000;
	v45 =	vld [tilespmem:s30+$0x187B0];
	[tilespmem:s29+$0x18760] =	vst v34;
	v46 =	vor.u32 v11, v37  }
0xd3: {  	v32 =	vnsel vm2, $0x0, v42;
	v34 =	vsel vm1, v44, v3;
	v36 =	vld [tilespmem:s30+$0x18760];
	v47 =	vnsel vm3, $0x0, v39;
	[tilespmem:s29+$0x18790] =	vst v40  }
0xd4: {  	v33 =	vor.u32 v10, v33;
	v35 =	vnsel vm0, $0x0, v35;
	v39 =	vshll.u32 v43, $0x7;
	v40 =	vld [tilespmem:s30+$0x18790];
	[tilespmem:s29+$0x187A0] =	vst v34  }
0xd5: {  	v33 =	vsel vm3, v33, v4;
	vm0 =	vlt.u32 v37, $0x187000;
	v39 =	vsub.s32 v39, v7;
	v34 =	vld [tilespmem:s30+$0x1A750];
	[tilespmem:s29+$0x1A7B0] =	vst v35  }
0xd6: {  	v35 =	vld [tilespmem:s30+$0x1A740];
	v37 =	vor.u32 v0, v39;
	vm2 =	vlt.u32 v39, $0x187000;
	[tilespmem:s29+$0x1A760] =	vst v32;
	v39 =	vnsel vm0, $0x0, v41  }
0xd7: {  	v41 =	vsel vm2, v37, v1;
	v37 =	vshll.u32 v38, $0x7;
	v32 =	vld [tilespmem:s30+$0x1A790];
	v38 =	vshll.u32 v45, $0x7;
	[tilespmem:s29+$0x18770] =	vst v33  }
.Ltmp6:
0xd8: {  	v31 =	vnsel vm1, $0x0, v31;
	v37 =	vsub.s32 v37, v7;
	v33 =	vld [tilespmem:s30+$0x18770];
	v38 =	vsub.s32 v38, v7;
	[tilespmem:s29+$0x1A780] =	vst v39;
	(pc) =	sbr.rel @p1 .LBB2_11-.Ltmp6, $4  }
0xd9: {  	v42 =	vsel vm0, v46, v1;
	v39 =	vshll.u32 v36, $0x7;
	v40 =	vshll.u32 v40, $0x7;
	v36 =	vld [tilespmem:s30+$0x187A0];
	[tilespmem:s29+$0x1A7A0] =	vst v31  }
0xda: {  	v43 =	vor.u32 v8, v37;
	v39 =	vsub.s32 v39, v7;
	vm0 =	vlt.u32 v38, $0x187000;
	v31 =	vld [tilespmem:s30+$0x1A7A0];
	[tilespmem:s29+$0x18780] =	vst v42  }
0xdb: {  	v42 =	vnsel vm2, $0x0, v35;
	vm2 =	vlt.u32 v37, $0x187000;
	v37 =	vld [tilespmem:s30+$0x18780];
	v35 =	vsub.s32 v40, v7;
	[tilespmem:s29+$0x1A770] =	vst v47;
	s29 =	smov.u32 s30  }
0xdc: {  	[tilespmem:s29+$0x18740] =	vst v41;
	v41 =	vsel vm2, v43, v2;
	v40 =	vor.u32 v12, v35;
	vm1 =	vlt.u32 v35, $0x187000;
	v35 =	vld [tilespmem:s29+$0x1A7B0]  }
0xdd: {  	[tilespmem:s29+$0x1A740] =	vst v42  }
0xde: {  	v34 =	vnsel vm2, $0x0, v34;
	[tilespmem:s29+$0x18750] =	vst v41;
	vm12 =	vlt.u32 v39, $0x187000  }
0xdf: {  	v38 =	vor.u32 v14, v38;
	v32 =	vnsel vm1, $0x0, v32;
	v52 =	vor.u32 v9, v39;
	[tilespmem:s29+$0x1A750] =	vst v34  }
0xe0: {  	v55 =	vsel vm1, v40, v2;
	v33 =	vshll.u32 v33, $0x7;
	v36 =	vshll.u32 v36, $0x7;
	[tilespmem:s29+$0x1A790] =	vst v32  }
0xe1: {  	v53 =	vsel vm0, v38, v4;
	v54 =	vsel vm12, v52, v3;
	[tilespmem:s29+$0x18790] =	vst v55;
	v33 =	vsub.s32 v33, v7  }
0xe2: {  	v49 =	vld [tilespmem:s29+$0x1A760];
	v36 =	vsub.s32 v36, v7;
	[tilespmem:s29+$0x187B0] =	vst v53;
	vm14 =	vlt.u32 v33, $0x187000;
	v33 =	vor.u32 v10, v33  }
0xe3: {  	v50 =	vld [tilespmem:s29+$0x1A770];
	[tilespmem:s29+$0x18760] =	vst v54;
	v56 =	vor.u32 v13, v36;
	vm13 =	vlt.u32 v36, $0x187000;
	v61 =	vsel vm14, v33, v4  }
0xe4: {  	v51 =	vld [tilespmem:s29+$0x1A780];
	v58 =	vsel vm13, v56, v3;
	[tilespmem:s29+$0x18770] =	vst v61  }
0xe5: {  	v59 =	vnsel vm0, $0x0, v35;
	[tilespmem:s29+$0x187A0] =	vst v58  }
0xe6: {  	v57 =	vshll.u32 v37, $0x7;
	v31 =	vnsel vm13, $0x0, v31;
	[tilespmem:s29+$0x1A7B0] =	vst v59  }
0xe7: {  	v36 =	vsub.s32 v57, v7;
	v60 =	vnsel vm12, $0x0, v49;
	[tilespmem:s29+$0x1A7A0] =	vst v31  }
0xe8: {  	vm15 =	vlt.u32 v36, $0x187000;
	v31 =	vnsel vm14, $0x0, v50;
	[tilespmem:s29+$0x1A760] =	vst v60  }
0xe9: {  	s28 =	sadd.s32 $0x1, s28;
	v63 =	vor.u32 v11, v36;
	v62 =	vnsel vm15, $0x0, v51;
	[tilespmem:s29+$0x1A770] =	vst v31  }
0xea: {  	p1 =	sne.s32 s28, $0x10;
	v32 =	vsel vm15, v63, v1;
	[tilespmem:s29+$0x1A780] =	vst v62  }
.Ltmp7:
0xeb: {  	[tilespmem:s29+$0x18780] =	vst v32;
	(pc) =	sbr.rel @p1 .LBB2_10-.Ltmp7, $4  }
0xec: {  	[spmem:s4] =	stream.indirect.scatter.add.f32 [tilespmem:s12], [sflag:$0x1], $0x1, s11, s20, $0xb8;
	[tilespmem:$0x1C740] =	vst v63  }
0xed: {  	_ =	swait.ge [sflag:s25], $0x2000  }
0xee: {  	[sflag:s25] =	ssyncset.done $0x0  }
0xef: {  	[sflag:s25] =	ssyncadd.s32 $0xFFFFE000  }
0xf0: {  	[bflag:$0x0] =	sbarrier.arrive $0xFFFF  }
0xf1: {  	[hbm:s16], [sflag:s9] =	dma.local [spmem:s26], $0x30E0  }
.Ltmp8:
0xf2: {  	_ =	swait.ge [sflag:s24], $0x30E0;
	(pc) =	sbr.rel @!p0 .LBB2_14-.Ltmp8, $3  }
0xf3: {  	[sflag:s24] =	ssyncset.done $0x0  }
0xf4: {  	[sflag:s24] =	ssyncadd.s32 $0xFFFFCF20  }
0xf5: {  	[bflag:$0x0] =	sbarrier.arrive $0xFFFF;
	_ =	sdelay $0x1  }
0xf6: {  	[spmem:s26], [sflag:s9] =	dma.local [hbm:s19], $0x30E0  }
0xf7: {  	_ =	swait.ge [sflag:s24], $0x30E0  }
0xf8: {  	[sflag:s24] =	ssyncset.done $0x0  }
0xf9: {  	[sflag:s24] =	ssyncadd.s32 $0xFFFFCF20  }
0xfa: {  	s28 =	simm.s32 $0x0;
	s29 =	simm.s32 $0x0;
	[bflag:$0x0] =	sbarrier.arrive $0xFFFF  }
.LBB2_20:
0xfb: {  	s0 =	sshll.u32 s29, $0xD  }
0xfc: {  	s0 =	sadd.s32 s6, s0  }
0xfd: {  	s0 =	sshrl.u32 s0, $0x3  }
0xfe: {  	s3 =	sadd.s32 s1, s0  }
0xff: {  	[tilespmem:s11], [sflag:$0x1] =	stream.linear.gather [hbm4b:s3+s28], $0x2000, $0x38;
	[tilespmem:$0x1C740] =	vst v63  }
0x100: {  	s0 =	sadd.s32 s2, s0  }
0x101: {  	[tilespmem:s12], [sflag:$0x1] =	stream.linear.gather [hbm4b:s0+s28], $0x2000, $0x38;
	[tilespmem:$0x1C740] =	vst v63  }
0x102: {  	_ =	swait.ge [sflag:s25], $0x2000  }
0x103: {  	[sflag:s25] =	ssyncset.done $0x0  }
0x104: {  	[sflag:s25] =	ssyncadd.s32 $0xFFFFE000  }
0x105: {  	_ =	swait.ge [sflag:s25], $0x2000  }
0x106: {  	[sflag:s25] =	ssyncset.done $0x0  }
0x107: {  	s0 =	simm.s32 $0x0;
	[sflag:s25] =	ssyncadd.s32 $0xFFFFE000  }
0x108: {  	v31 =	vld [tilespmem:s0+$0x18790]  }
0x109: {  	v32 =	vld [tilespmem:s0+$0x18740];
	_ =	sdelay $0x1  }
0x10a: {  	v33 =	vld [tilespmem:s0+$0x1A790];
	_ =	sdelay $0x1  }
0x10b: {  	v37 =	vld [tilespmem:s0+$0x187A0];
	v31 =	vshll.u32 v31, $0x7  }
0x10c: {  	v58 =	vld [tilespmem:s0+$0x18760];
	v32 =	vshll.u32 v32, $0x7;
	v36 =	vadd.s32 $0xFFB6B000, v31  }
0x10d: {  	v34 =	vld [tilespmem:s0+$0x1A740];
	v38 =	vadd.s32 $0xFFB6B000, v32;
	vm0 =	vlt.u32 v36, $0x187000  }
0x10e: {  	v35 =	vld [tilespmem:s0+$0x1A7A0];
	v32 =	vadd.s32 v15, v32;
	vm1 =	vlt.u32 v38, $0x187000;
	v33 =	vnsel vm0, $0x0, v33  }
0x10f: {  	v60 =	vld [tilespmem:s0+$0x1A760];
	v31 =	vadd.s32 v20, v31;
	v32 =	vsel vm1, v32, v1;
	[tilespmem:s0+$0x1A790] =	vst v33  }
0x110: {  	v59 =	vld [tilespmem:s0+$0x187B0];
	v62 =	vshll.u32 v37, $0x7;
	v31 =	vsel vm0, v31, v2;
	[tilespmem:s0+$0x18740] =	vst v32  }
0x111: {  	s30 =	simm.s32 $0x80;
	v45 =	vld [tilespmem:s0+$0x18750];
	v44 =	vshll.u32 v58, $0x7;
	v39 =	vadd.s32 $0xFFB6B000, v62;
	[tilespmem:s0+$0x18790] =	vst v31  }
0x112: {  	v36 =	vadd.s32 $0xFFB6B000, v44;
	v61 =	vnsel vm1, $0x0, v34;
	vm0 =	vlt.u32 v39, $0x187000;
	v31 =	vld [tilespmem:s30+$0x18740]  }
0x113: {  	vm1 =	vlt.u32 v36, $0x187000;
	v35 =	vnsel vm0, $0x0, v35;
	v63 =	vld [tilespmem:s30+$0x18790];
	[tilespmem:s0+$0x1A740] =	vst v61  }
0x114: {  	v38 =	vnsel vm1, $0x0, v60;
	v32 =	vadd.s32 v17, v44;
	v46 =	vld [tilespmem:s30+$0x1A790];
	[tilespmem:s0+$0x1A7A0] =	vst v35  }
0x115: {  	v42 =	vld [tilespmem:s0+$0x18780];
	v32 =	vsel vm1, v32, v3;
	[tilespmem:s0+$0x1A760] =	vst v38  }
0x116: {  	v47 =	vld [tilespmem:s0+$0x1A7B0];
	v49 =	vadd.s32 v21, v62;
	v33 =	vshll.u32 v59, $0x7;
	[tilespmem:s0+$0x18760] =	vst v32  }
0x117: {  	v51 =	vadd.s32 $0xFFB6B000, v33;
	v32 =	vsel vm0, v49, v3;
	v50 =	vld [tilespmem:s30+$0x1A740]  }
0x118: {  	v33 =	vadd.s32 v22, v33;
	vm0 =	vlt.u32 v51, $0x187000;
	v40 =	vld [tilespmem:s30+$0x1A7A0];
	[tilespmem:s0+$0x187A0] =	vst v32  }
0x119: {  	v53 =	vsel vm0, v33, v4;
	v54 =	vld [tilespmem:s30+$0x18760];
	v37 =	vshll.u32 v63, $0x7  }
0x11a: {  	v49 =	vshll.u32 v42, $0x7;
	v41 =	vld [tilespmem:s30+$0x187A0];
	[tilespmem:s0+$0x187B0] =	vst v53;
	v31 =	vshll.u32 v31, $0x7;
	v52 =	vadd.s32 $0xFFB6B000, v37  }
0x11b: {  	v35 =	vnsel vm0, $0x0, v47;
	v56 =	vld [tilespmem:s30+$0x187B0];
	v55 =	vadd.s32 $0xFFB6B000, v31;
	vm1 =	vlt.u32 v52, $0x187000  }
0x11c: {  	v48 =	vld [tilespmem:s0+$0x1A750];
	v31 =	vadd.s32 v15, v31;
	vm2 =	vlt.u32 v55, $0x187000;
	v36 =	vnsel vm1, $0x0, v46  }
0x11d: {  	v51 =	vadd.s32 $0xFFB6B000, v49;
	v57 =	vld [tilespmem:s30+$0x1A760];
	v37 =	vadd.s32 v20, v37;
	v31 =	vsel vm2, v31, v1;
	[tilespmem:s30+$0x1A790] =	vst v36  }
0x11e: {  	v34 =	vnsel vm2, $0x0, v50;
	v33 =	vshll.u32 v54, $0x7;
	[tilespmem:s30+$0x18740] =	vst v31;
	v31 =	vsel vm1, v37, v2  }
0x11f: {  	v46 =	vadd.s32 $0xFFB6B000, v33;
	v50 =	vadd.s32 v17, v33;
	v58 =	vld [tilespmem:s0+$0x1A780];
	[tilespmem:s30+$0x18790] =	vst v31;
	v31 =	vshll.u32 v45, $0x7  }
0x120: {  	s31 =	simm.s32 $0x100;
	v36 =	vshll.u32 v56, $0x7;
	vm1 =	vlt.u32 v46, $0x187000;
	v43 =	vld [tilespmem:s0+$0x18770];
	v44 =	vadd.s32 $0xFFB6B000, v31  }
0x121: {  	v45 =	vadd.s32 v22, v36;
	v59 =	vld [tilespmem:s31+$0x18740];
	[tilespmem:s0+$0x1A7B0] =	vst v35;
	v31 =	vadd.s32 v16, v31;
	vm0 =	vlt.u32 v44, $0x187000  }
0x122: {  	v36 =	vadd.s32 $0xFFB6B000, v36;
	v32 =	vnsel vm1, $0x0, v57;
	v60 =	vld [tilespmem:s31+$0x18790];
	[tilespmem:s30+$0x1A740] =	vst v34;
	v31 =	vsel vm0, v31, v2  }
0x123: {  	v52 =	vsel vm1, v50, v3;
	v34 =	vld [tilespmem:s0+$0x1A770];
	v61 =	vnsel vm0, $0x0, v48;
	[tilespmem:s0+$0x18750] =	vst v31;
	v31 =	vshll.u32 v41, $0x7  }
0x124: {  	v35 =	vadd.s32 v19, v49;
	vm1 =	vlt.u32 v51, $0x187000;
	v62 =	vadd.s32 $0xFFB6B000, v31;
	v63 =	vld [tilespmem:s30+$0x18750];
	[tilespmem:s0+$0x1A750] =	vst v61  }
0x125: {  	v38 =	vsel vm1, v35, v1;
	v31 =	vadd.s32 v21, v31;
	vm0 =	vlt.u32 v62, $0x187000;
	v48 =	vld [tilespmem:s31+$0x1A790];
	[tilespmem:s30+$0x1A760] =	vst v32  }
0x126: {  	v55 =	vnsel vm1, $0x0, v58;
	v33 =	vld [tilespmem:s30+$0x1A7B0];
	[tilespmem:s30+$0x18760] =	vst v52;
	v54 =	vshll.u32 v43, $0x7;
	v47 =	vnsel vm0, $0x0, v40  }
0x127: {  	v32 =	vld [tilespmem:s30+$0x1A750];
	v39 =	vshll.u32 v59, $0x7;
	v53 =	vsel vm0, v31, v3;
	v43 =	vadd.s32 $0xFFB6B000, v54;
	[tilespmem:s30+$0x1A7A0] =	vst v47  }
0x128: {  	v56 =	vshll.u32 v60, $0x7;
	v58 =	vadd.s32 v18, v54;
	vm0 =	vlt.u32 v36, $0x187000;
	v35 =	vld [tilespmem:s31+$0x1A740];
	[tilespmem:s0+$0x18780] =	vst v38  }
0x129: {  	v60 =	vadd.s32 $0xFFB6B000, v39;
	v62 =	vadd.s32 v15, v39;
	vm2 =	vlt.u32 v43, $0x187000;
	v31 =	vld [tilespmem:s31+$0x1A7A0];
	[tilespmem:s30+$0x187A0] =	vst v53  }
0x12a: {  	v59 =	vadd.s32 $0xFFB6B000, v56;
	vm1 =	vlt.u32 v60, $0x187000;
	v57 =	vnsel vm2, $0x0, v34;
	v37 =	vld [tilespmem:s31+$0x187A0];
	[tilespmem:s0+$0x1A780] =	vst v55  }
0x12b: {  	v61 =	vsel vm0, v45, v4;
	vm3 =	vlt.u32 v59, $0x187000;
	v42 =	vsel vm1, v62, v1;
	v34 =	vld [tilespmem:s30+$0x18780];
	[tilespmem:s0+$0x1A770] =	vst v57  }
0x12c: {  	v39 =	vshll.u32 v63, $0x7;
	v63 =	vadd.s32 v20, v56;
	v40 =	vnsel vm3, $0x0, v48;
	v38 =	vld [tilespmem:s31+$0x18760];
	[tilespmem:s30+$0x187B0] =	vst v61  }
0x12d: {  	s3 =	simm.s32 $0x600;
	v43 =	vsel vm2, v58, v4;
	v41 =	vadd.s32 $0xFFB6B000, v39;
	[tilespmem:s31+$0x1A790] =	vst v40;
	v40 =	vsel vm3, v63, v2;
	v36 =	vld [tilespmem:s31+$0x187B0]  }
.LBB2_21:
0x12e: {  	s17 =	sshra.s32 s3, $0x2;
	p1 =	sne.s32 s3, $0x7E00;
	s3 =	sadd.s32 $0x200, s3;
	v35 =	vnsel vm1, $0x0, v35;
	v44 =	vld [tilespmem:s31+$0x1A760];
	vm1 =	vlt.u32 v41, $0x187000;
	v33 =	vnsel vm0, $0x0, v33;
	[tilespmem:s0+$0x18770] =	vst v43  }
0x12f: {  	v39 =	vadd.s32 v16, v39;
	s0 =	smov.u32 s30;
	[tilespmem:s31+$0x18740] =	vst v42;
	v37 =	vshll.u32 v37, $0x7;
	v32 =	vnsel vm1, $0x0, v32;
	v41 =	vld [tilespmem:s30+$0x1A780];
	s30 =	smov.u32 s31;
	s31 =	smov.u32 s17  }
0x130: {  	v39 =	vsel vm1, v39, v2;
	[tilespmem:s30+$0x18790] =	vst v40;
	v40 =	vadd.s32 $0xFFB6B000, v37;
	v42 =	vld [tilespmem:s0+$0x18770];
	v34 =	vshll.u32 v34, $0x7  }
0x131: {  	v37 =	vadd.s32 v21, v37;
	v43 =	vld [tilespmem:s31+$0x18740];
	vm0 =	vlt.u32 v40, $0x187000;
	v40 =	vadd.s32 v19, v34;
	[tilespmem:s0+$0x1A7B0] =	vst v33  }
0x132: {  	v33 =	vshll.u32 v38, $0x7;
	v45 =	vld [tilespmem:s31+$0x18790];
	[tilespmem:s30+$0x1A740] =	vst v35;
	v37 =	vsel vm0, v37, v3;
	v31 =	vnsel vm0, $0x0, v31  }
0x133: {  	v34 =	vadd.s32 $0xFFB6B000, v34;
	v35 =	vadd.s32 $0xFFB6B000, v33;
	v36 =	vshll.u32 v36, $0x7;
	[tilespmem:s0+$0x18750] =	vst v39;
	v38 =	vld [tilespmem:s0+$0x1A770]  }
0x134: {  	v33 =	vadd.s32 v17, v33;
	vm1 =	vlt.u32 v34, $0x187000;
	vm0 =	vlt.u32 v35, $0x187000;
	v39 =	vld [tilespmem:s30+$0x18750];
	[tilespmem:s0+$0x1A750] =	vst v32  }
0x135: {  	v34 =	vsel vm0, v33, v3;
	v32 =	vnsel vm0, $0x0, v44;
	v41 =	vnsel vm1, $0x0, v41;
	v46 =	vld [tilespmem:s31+$0x1A790];
	[tilespmem:s30+$0x1A7A0] =	vst v31  }
0x136: {  	v40 =	vsel vm1, v40, v1;
	v44 =	vadd.s32 v22, v36;
	v31 =	vshll.u32 v42, $0x7;
	[tilespmem:s30+$0x1A760] =	vst v32;
	v33 =	vld [tilespmem:s30+$0x1A7B0]  }
0x137: {  	v42 =	vshll.u32 v43, $0x7;
	v43 =	vadd.s32 v18, v31;
	v32 =	vld [tilespmem:s30+$0x1A750];
	[tilespmem:s30+$0x18760] =	vst v34;
	v34 =	vadd.s32 $0xFFB6B000, v36  }
0x138: {  	v36 =	vadd.s32 $0xFFB6B000, v42;
	v35 =	vld [tilespmem:s31+$0x1A740];
	vm0 =	vlt.u32 v34, $0x187000;
	v34 =	vadd.s32 $0xFFB6B000, v31;
	[tilespmem:s0+$0x18780] =	vst v40  }
.Ltmp9:
0x139: {  	v40 =	vadd.s32 v15, v42;
	v42 =	vshll.u32 v45, $0x7;
	v31 =	vld [tilespmem:s31+$0x1A7A0];
	[tilespmem:s30+$0x187A0] =	vst v37;
	vm2 =	vlt.u32 v34, $0x187000;
	(pc) =	sbr.rel @p1 .LBB2_21-.Ltmp9, $4  }
0x13a: {  	vm1 =	vlt.u32 v36, $0x187000;
	v34 =	vadd.s32 $0xFFB6B000, v42;
	v37 =	vld [tilespmem:s31+$0x187A0];
	v36 =	vnsel vm2, $0x0, v38;
	[tilespmem:s0+$0x1A780] =	vst v41  }
0x13b: {  	v39 =	vshll.u32 v39, $0x7;
	v44 =	vsel vm0, v44, v4;
	vm3 =	vlt.u32 v34, $0x187000;
	v34 =	vld [tilespmem:s30+$0x18780];
	[tilespmem:s0+$0x1A770] =	vst v36  }
0x13c: {  	v41 =	vadd.s32 $0xFFB6B000, v39;
	v36 =	vadd.s32 v20, v42;
	v45 =	vnsel vm3, $0x0, v46;
	v38 =	vld [tilespmem:s31+$0x18760];
	[tilespmem:s30+$0x187B0] =	vst v44  }
0x13d: {  	v43 =	vsel vm2, v43, v4;
	v42 =	vsel vm1, v40, v1;
	v40 =	vsel vm3, v36, v2;
	[tilespmem:s31+$0x1A790] =	vst v45;
	v36 =	vld [tilespmem:s31+$0x187B0]  }
0x13e: {  	v44 =	vld [tilespmem:s31+$0x1A760];
	[tilespmem:s0+$0x18770] =	vst v43  }
0x13f: {  	[tilespmem:s31+$0x18740] =	vst v42  }
0x140: {  	v33 =	vnsel vm0, $0x0, v33;
	v35 =	vnsel vm1, $0x0, v35;
	v42 =	vld [tilespmem:s30+$0x1A780];
	[tilespmem:s31+$0x18790] =	vst v40  }
0x141: {  	vm7 =	vlt.u32 v41, $0x187000;
	v39 =	vadd.s32 v16, v39;
	v63 =	vshll.u32 v37, $0x7;
	[tilespmem:s30+$0x1A7B0] =	vst v33  }
0x142: {  	v62 =	vsel vm7, v39, v2;
	v41 =	vadd.s32 $0xFFB6B000, v63;
	v40 =	vld [tilespmem:s30+$0x18770];
	[tilespmem:s31+$0x1A740] =	vst v35  }
0x143: {  	v32 =	vnsel vm7, $0x0, v32;
	v43 =	vshll.u32 v38, $0x7;
	vm8 =	vlt.u32 v41, $0x187000;
	[tilespmem:s30+$0x18750] =	vst v62  }
0x144: {  	v46 =	vadd.s32 $0xFFB6B000, v43;
	v31 =	vnsel vm8, $0x0, v31;
	v47 =	vld [tilespmem:s31+$0x18750];
	[tilespmem:s30+$0x1A750] =	vst v32  }
0x145: {  	v45 =	vld [tilespmem:s30+$0x1A770];
	vm9 =	vlt.u32 v46, $0x187000;
	[tilespmem:s31+$0x1A7A0] =	vst v31;
	v31 =	vshll.u32 v34, $0x7  }
0x146: {  	v50 =	vadd.s32 v17, v43;
	v48 =	vnsel vm9, $0x0, v44;
	v49 =	vadd.s32 $0xFFB6B000, v31  }
0x147: {  	v33 =	vsel vm9, v50, v3;
	[tilespmem:s31+$0x1A760] =	vst v48;
	v31 =	vadd.s32 v19, v31;
	vm10 =	vlt.u32 v49, $0x187000  }
0x148: {  	v35 =	vadd.s32 v21, v63;
	v51 =	vld [tilespmem:s31+$0x1A7B0];
	[tilespmem:s31+$0x18760] =	vst v33;
	v54 =	vshll.u32 v40, $0x7;
	v31 =	vsel vm10, v31, v1  }
0x149: {  	v53 =	vsel vm8, v35, v3;
	v52 =	vld [tilespmem:s31+$0x1A750];
	v56 =	vadd.s32 $0xFFB6B000, v54;
	[tilespmem:s30+$0x18780] =	vst v31;
	v31 =	vshll.u32 v36, $0x7  }
0x14a: {  	v55 =	vnsel vm10, $0x0, v42;
	vm11 =	vlt.u32 v56, $0x187000;
	[tilespmem:s31+$0x187A0] =	vst v53;
	v57 =	vadd.s32 $0xFFB6B000, v31  }
0x14b: {  	v58 =	vnsel vm11, $0x0, v45;
	v31 =	vadd.s32 v22, v31;
	[tilespmem:s30+$0x1A780] =	vst v55;
	vm12 =	vlt.u32 v57, $0x187000  }
0x14c: {  	v35 =	vadd.s32 v18, v54;
	v36 =	vld [tilespmem:s31+$0x18780];
	v31 =	vsel vm12, v31, v4;
	[tilespmem:s30+$0x1A770] =	vst v58  }
0x14d: {  	[tilespmem:s31+$0x187B0] =	vst v31;
	v31 =	vsel vm11, v35, v4  }
0x14e: {  	[tilespmem:s30+$0x18770] =	vst v31  }
0x14f: {  	v59 =	vshll.u32 v47, $0x7;
	v61 =	vld [tilespmem:s31+$0x18770]  }
0x150: {  	v31 =	vadd.s32 $0xFFB6B000, v59  }
0x151: {  	v60 =	vld [tilespmem:s31+$0x1A780];
	vm13 =	vlt.u32 v31, $0x187000;
	v31 =	vnsel vm12, $0x0, v51  }
0x152: {  	v33 =	vadd.s32 v16, v59;
	v62 =	vld [tilespmem:s31+$0x1A770];
	[tilespmem:s31+$0x1A7B0] =	vst v31;
	v31 =	vshll.u32 v36, $0x7  }
0x153: {  	v33 =	vsel vm13, v33, v2;
	v32 =	vnsel vm13, $0x0, v52;
	v36 =	vadd.s32 $0xFFB6B000, v31  }
0x154: {  	[tilespmem:s31+$0x18750] =	vst v33;
	v31 =	vadd.s32 v19, v31;
	vm14 =	vlt.u32 v36, $0x187000;
	v34 =	vshll.u32 v61, $0x7  }
0x155: {  	[tilespmem:s31+$0x1A750] =	vst v32;
	v31 =	vsel vm14, v31, v1;
	v63 =	vadd.s32 $0xFFB6B000, v34  }
0x156: {  	v35 =	vnsel vm14, $0x0, v60;
	[tilespmem:s31+$0x18780] =	vst v31;
	vm15 =	vlt.u32 v63, $0x187000  }
0x157: {  	s29 =	sadd.s32 $0x1, s29;
	v31 =	vadd.s32 v18, v34;
	[tilespmem:s31+$0x1A780] =	vst v35;
	v32 =	vnsel vm15, $0x0, v62  }
0x158: {  	p1 =	sne.s32 s29, $0x10;
	v31 =	vsel vm15, v31, v4;
	[tilespmem:s31+$0x1A770] =	vst v32  }
.Ltmp10:
0x159: {  	[tilespmem:s31+$0x18770] =	vst v31;
	(pc) =	sbr.rel @p1 .LBB2_20-.Ltmp10, $4  }
0x15a: {  	[spmem:s4] =	stream.indirect.scatter.add.f32 [tilespmem:s12], [sflag:$0x1], $0x1, s11, s20, $0xb8;
	[tilespmem:$0x1C740] =	vst v63  }
0x15b: {  	_ =	swait.ge [sflag:s25], $0x2000  }
0x15c: {  	[sflag:s25] =	ssyncset.done $0x0  }
0x15d: {  	[sflag:s25] =	ssyncadd.s32 $0xFFFFE000  }
.Ltmp11:
0x15e: {  	[bflag:$0x0] =	sbarrier.arrive $0xFFFF;
	(pc) =	sbr.rel .LBB2_24-.Ltmp11, $4  }
0x15f: {  	[hbm:s22], [sflag:s9] =	dma.local [spmem:s26], $0x30E0  }
0x160: {  	_ =	swait.ge [sflag:s24], $0x30E0  }
0x161: {  	[sflag:s24] =	ssyncset.done $0x0  }
0x162: {  	[sflag:s24] =	ssyncadd.s32 $0xFFFFCF20  }
.LBB2_14:
0x163: {  	s0 =	rddreg [dreg:$0x6]  }
0x164: {  	s26 =	sshrl.u32 s0, $0x3  }
0x165: {  	[spmem:s26], [sflag:s9] =	dma.local [hbm:s18], $0x3080  }
0x166: {  	_ =	swait.ge [sflag:s24], $0x3080  }
0x167: {  	[sflag:s24] =	ssyncset.done $0x0  }
0x168: {  	[sflag:s24] =	ssyncadd.s32 $0xFFFFCF80  }
0x169: {  	s28 =	simm.s32 $0x0;
	s29 =	simm.s32 $0x0;
	[bflag:$0x0] =	sbarrier.arrive $0xFFFF  }
.LBB2_15:
0x16a: {  	s0 =	sshll.u32 s29, $0xD  }
0x16b: {  	s0 =	sadd.s32 s6, s0  }
0x16c: {  	s0 =	sshrl.u32 s0, $0x3  }
0x16d: {  	s3 =	sadd.s32 s1, s0  }
0x16e: {  	[tilespmem:s11], [sflag:$0x1] =	stream.linear.gather [hbm4b:s3+s28], $0x2000, $0x38;
	[tilespmem:$0x1C740] =	vst v63  }
0x16f: {  	s0 =	sadd.s32 s2, s0  }
0x170: {  	[tilespmem:s12], [sflag:$0x1] =	stream.linear.gather [hbm4b:s0+s28], $0x2000, $0x38;
	[tilespmem:$0x1C740] =	vst v63  }
0x171: {  	_ =	swait.ge [sflag:s25], $0x2000  }
0x172: {  	[sflag:s25] =	ssyncset.done $0x0  }
0x173: {  	[sflag:s25] =	ssyncadd.s32 $0xFFFFE000  }
0x174: {  	_ =	swait.ge [sflag:s25], $0x2000  }
0x175: {  	[sflag:s25] =	ssyncset.done $0x0  }
0x176: {  	s0 =	simm.s32 $0x0;
	[sflag:s25] =	ssyncadd.s32 $0xFFFFE000  }
0x177: {  	v31 =	vld [tilespmem:s0+$0x18790]  }
0x178: {  	v32 =	vld [tilespmem:s0+$0x18740];
	_ =	sdelay $0x1  }
0x179: {  	v33 =	vld [tilespmem:s0+$0x1A790];
	_ =	sdelay $0x1  }
0x17a: {  	v37 =	vld [tilespmem:s0+$0x187A0];
	v31 =	vshll.u32 v31, $0x7  }
0x17b: {  	v58 =	vld [tilespmem:s0+$0x18760];
	v32 =	vshll.u32 v32, $0x7;
	v36 =	vadd.s32 $0xFF54F000, v31  }
0x17c: {  	v34 =	vld [tilespmem:s0+$0x1A740];
	v38 =	vadd.s32 $0xFF54F000, v32;
	vm0 =	vlt.u32 v36, $0x184000  }
0x17d: {  	v35 =	vld [tilespmem:s0+$0x1A7A0];
	v32 =	vadd.s32 v23, v32;
	vm1 =	vlt.u32 v38, $0x184000;
	v33 =	vnsel vm0, $0x0, v33  }
0x17e: {  	v60 =	vld [tilespmem:s0+$0x1A760];
	v31 =	vadd.s32 v28, v31;
	v32 =	vsel vm1, v32, v1;
	[tilespmem:s0+$0x1A790] =	vst v33  }
0x17f: {  	v59 =	vld [tilespmem:s0+$0x187B0];
	v62 =	vshll.u32 v37, $0x7;
	v31 =	vsel vm0, v31, v2;
	[tilespmem:s0+$0x18740] =	vst v32  }
0x180: {  	s30 =	simm.s32 $0x80;
	v45 =	vld [tilespmem:s0+$0x18750];
	v44 =	vshll.u32 v58, $0x7;
	v39 =	vadd.s32 $0xFF54F000, v62;
	[tilespmem:s0+$0x18790] =	vst v31  }
0x181: {  	v36 =	vadd.s32 $0xFF54F000, v44;
	v61 =	vnsel vm1, $0x0, v34;
	vm0 =	vlt.u32 v39, $0x184000;
	v31 =	vld [tilespmem:s30+$0x18740]  }
0x182: {  	vm1 =	vlt.u32 v36, $0x184000;
	v35 =	vnsel vm0, $0x0, v35;
	v63 =	vld [tilespmem:s30+$0x18790];
	[tilespmem:s0+$0x1A740] =	vst v61  }
0x183: {  	v38 =	vnsel vm1, $0x0, v60;
	v32 =	vadd.s32 v25, v44;
	v46 =	vld [tilespmem:s30+$0x1A790];
	[tilespmem:s0+$0x1A7A0] =	vst v35  }
0x184: {  	v42 =	vld [tilespmem:s0+$0x18780];
	v32 =	vsel vm1, v32, v3;
	[tilespmem:s0+$0x1A760] =	vst v38  }
0x185: {  	v47 =	vld [tilespmem:s0+$0x1A7B0];
	v49 =	vadd.s32 v29, v62;
	v33 =	vshll.u32 v59, $0x7;
	[tilespmem:s0+$0x18760] =	vst v32  }
0x186: {  	v51 =	vadd.s32 $0xFF54F000, v33;
	v32 =	vsel vm0, v49, v3;
	v50 =	vld [tilespmem:s30+$0x1A740]  }
0x187: {  	v33 =	vadd.s32 v30, v33;
	vm0 =	vlt.u32 v51, $0x184000;
	v40 =	vld [tilespmem:s30+$0x1A7A0];
	[tilespmem:s0+$0x187A0] =	vst v32  }
0x188: {  	v53 =	vsel vm0, v33, v4;
	v54 =	vld [tilespmem:s30+$0x18760];
	v37 =	vshll.u32 v63, $0x7  }
0x189: {  	v49 =	vshll.u32 v42, $0x7;
	v41 =	vld [tilespmem:s30+$0x187A0];
	[tilespmem:s0+$0x187B0] =	vst v53;
	v31 =	vshll.u32 v31, $0x7;
	v52 =	vadd.s32 $0xFF54F000, v37  }
0x18a: {  	v35 =	vnsel vm0, $0x0, v47;
	v56 =	vld [tilespmem:s30+$0x187B0];
	v55 =	vadd.s32 $0xFF54F000, v31;
	vm1 =	vlt.u32 v52, $0x184000  }
0x18b: {  	v48 =	vld [tilespmem:s0+$0x1A750];
	v31 =	vadd.s32 v23, v31;
	vm2 =	vlt.u32 v55, $0x184000;
	v36 =	vnsel vm1, $0x0, v46  }
0x18c: {  	v51 =	vadd.s32 $0xFF54F000, v49;
	v57 =	vld [tilespmem:s30+$0x1A760];
	v37 =	vadd.s32 v28, v37;
	v31 =	vsel vm2, v31, v1;
	[tilespmem:s30+$0x1A790] =	vst v36  }
0x18d: {  	v34 =	vnsel vm2, $0x0, v50;
	v33 =	vshll.u32 v54, $0x7;
	[tilespmem:s30+$0x18740] =	vst v31;
	v31 =	vsel vm1, v37, v2  }
0x18e: {  	v46 =	vadd.s32 $0xFF54F000, v33;
	v50 =	vadd.s32 v25, v33;
	v58 =	vld [tilespmem:s0+$0x1A780];
	[tilespmem:s30+$0x18790] =	vst v31;
	v31 =	vshll.u32 v45, $0x7  }
0x18f: {  	s31 =	simm.s32 $0x100;
	v36 =	vshll.u32 v56, $0x7;
	vm1 =	vlt.u32 v46, $0x184000;
	v43 =	vld [tilespmem:s0+$0x18770];
	v44 =	vadd.s32 $0xFF54F000, v31  }
0x190: {  	v45 =	vadd.s32 v30, v36;
	v59 =	vld [tilespmem:s31+$0x18740];
	[tilespmem:s0+$0x1A7B0] =	vst v35;
	v31 =	vadd.s32 v24, v31;
	vm0 =	vlt.u32 v44, $0x184000  }
0x191: {  	v36 =	vadd.s32 $0xFF54F000, v36;
	v32 =	vnsel vm1, $0x0, v57;
	v60 =	vld [tilespmem:s31+$0x18790];
	[tilespmem:s30+$0x1A740] =	vst v34;
	v31 =	vsel vm0, v31, v2  }
0x192: {  	v52 =	vsel vm1, v50, v3;
	v34 =	vld [tilespmem:s0+$0x1A770];
	v61 =	vnsel vm0, $0x0, v48;
	[tilespmem:s0+$0x18750] =	vst v31;
	v31 =	vshll.u32 v41, $0x7  }
0x193: {  	v35 =	vadd.s32 v27, v49;
	vm1 =	vlt.u32 v51, $0x184000;
	v62 =	vadd.s32 $0xFF54F000, v31;
	v63 =	vld [tilespmem:s30+$0x18750];
	[tilespmem:s0+$0x1A750] =	vst v61  }
0x194: {  	v38 =	vsel vm1, v35, v1;
	v31 =	vadd.s32 v29, v31;
	vm0 =	vlt.u32 v62, $0x184000;
	v48 =	vld [tilespmem:s31+$0x1A790];
	[tilespmem:s30+$0x1A760] =	vst v32  }
0x195: {  	v55 =	vnsel vm1, $0x0, v58;
	v33 =	vld [tilespmem:s30+$0x1A7B0];
	[tilespmem:s30+$0x18760] =	vst v52;
	v54 =	vshll.u32 v43, $0x7;
	v47 =	vnsel vm0, $0x0, v40  }
0x196: {  	v32 =	vld [tilespmem:s30+$0x1A750];
	v39 =	vshll.u32 v59, $0x7;
	v53 =	vsel vm0, v31, v3;
	v43 =	vadd.s32 $0xFF54F000, v54;
	[tilespmem:s30+$0x1A7A0] =	vst v47  }
0x197: {  	v56 =	vshll.u32 v60, $0x7;
	v58 =	vadd.s32 v26, v54;
	vm0 =	vlt.u32 v36, $0x184000;
	v35 =	vld [tilespmem:s31+$0x1A740];
	[tilespmem:s0+$0x18780] =	vst v38  }
0x198: {  	v60 =	vadd.s32 $0xFF54F000, v39;
	v62 =	vadd.s32 v23, v39;
	vm2 =	vlt.u32 v43, $0x184000;
	v31 =	vld [tilespmem:s31+$0x1A7A0];
	[tilespmem:s30+$0x187A0] =	vst v53  }
0x199: {  	v59 =	vadd.s32 $0xFF54F000, v56;
	vm1 =	vlt.u32 v60, $0x184000;
	v57 =	vnsel vm2, $0x0, v34;
	v37 =	vld [tilespmem:s31+$0x187A0];
	[tilespmem:s0+$0x1A780] =	vst v55  }
0x19a: {  	v61 =	vsel vm0, v45, v4;
	vm3 =	vlt.u32 v59, $0x184000;
	v42 =	vsel vm1, v62, v1;
	v34 =	vld [tilespmem:s30+$0x18780];
	[tilespmem:s0+$0x1A770] =	vst v57  }
0x19b: {  	v39 =	vshll.u32 v63, $0x7;
	v63 =	vadd.s32 v28, v56;
	v40 =	vnsel vm3, $0x0, v48;
	v38 =	vld [tilespmem:s31+$0x18760];
	[tilespmem:s30+$0x187B0] =	vst v61  }
0x19c: {  	s3 =	simm.s32 $0x600;
	v43 =	vsel vm2, v58, v4;
	v41 =	vadd.s32 $0xFF54F000, v39;
	[tilespmem:s31+$0x1A790] =	vst v40;
	v40 =	vsel vm3, v63, v2;
	v36 =	vld [tilespmem:s31+$0x187B0]  }
.LBB2_16:
0x19d: {  	s17 =	sshra.s32 s3, $0x2;
	p1 =	sne.s32 s3, $0x7E00;
	s3 =	sadd.s32 $0x200, s3;
	v35 =	vnsel vm1, $0x0, v35;
	v44 =	vld [tilespmem:s31+$0x1A760];
	vm1 =	vlt.u32 v41, $0x184000;
	v33 =	vnsel vm0, $0x0, v33;
	[tilespmem:s0+$0x18770] =	vst v43  }
0x19e: {  	v39 =	vadd.s32 v24, v39;
	s0 =	smov.u32 s30;
	[tilespmem:s31+$0x18740] =	vst v42;
	v37 =	vshll.u32 v37, $0x7;
	v32 =	vnsel vm1, $0x0, v32;
	v41 =	vld [tilespmem:s30+$0x1A780];
	s30 =	smov.u32 s31;
	s31 =	smov.u32 s17  }
0x19f: {  	v39 =	vsel vm1, v39, v2;
	[tilespmem:s30+$0x18790] =	vst v40;
	v40 =	vadd.s32 $0xFF54F000, v37;
	v42 =	vld [tilespmem:s0+$0x18770];
	v34 =	vshll.u32 v34, $0x7  }
0x1a0: {  	v37 =	vadd.s32 v29, v37;
	v43 =	vld [tilespmem:s31+$0x18740];
	vm0 =	vlt.u32 v40, $0x184000;
	v40 =	vadd.s32 v27, v34;
	[tilespmem:s0+$0x1A7B0] =	vst v33  }
0x1a1: {  	v33 =	vshll.u32 v38, $0x7;
	v45 =	vld [tilespmem:s31+$0x18790];
	[tilespmem:s30+$0x1A740] =	vst v35;
	v37 =	vsel vm0, v37, v3;
	v31 =	vnsel vm0, $0x0, v31  }
0x1a2: {  	v34 =	vadd.s32 $0xFF54F000, v34;
	v35 =	vadd.s32 $0xFF54F000, v33;
	v36 =	vshll.u32 v36, $0x7;
	[tilespmem:s0+$0x18750] =	vst v39;
	v38 =	vld [tilespmem:s0+$0x1A770]  }
0x1a3: {  	v33 =	vadd.s32 v25, v33;
	vm1 =	vlt.u32 v34, $0x184000;
	vm0 =	vlt.u32 v35, $0x184000;
	v39 =	vld [tilespmem:s30+$0x18750];
	[tilespmem:s0+$0x1A750] =	vst v32  }
0x1a4: {  	v34 =	vsel vm0, v33, v3;
	v32 =	vnsel vm0, $0x0, v44;
	v41 =	vnsel vm1, $0x0, v41;
	v46 =	vld [tilespmem:s31+$0x1A790];
	[tilespmem:s30+$0x1A7A0] =	vst v31  }
0x1a5: {  	v40 =	vsel vm1, v40, v1;
	v44 =	vadd.s32 v30, v36;
	v31 =	vshll.u32 v42, $0x7;
	[tilespmem:s30+$0x1A760] =	vst v32;
	v33 =	vld [tilespmem:s30+$0x1A7B0]  }
0x1a6: {  	v42 =	vshll.u32 v43, $0x7;
	v43 =	vadd.s32 v26, v31;
	v32 =	vld [tilespmem:s30+$0x1A750];
	[tilespmem:s30+$0x18760] =	vst v34;
	v34 =	vadd.s32 $0xFF54F000, v36  }
0x1a7: {  	v36 =	vadd.s32 $0xFF54F000, v42;
	v35 =	vld [tilespmem:s31+$0x1A740];
	vm0 =	vlt.u32 v34, $0x184000;
	v34 =	vadd.s32 $0xFF54F000, v31;
	[tilespmem:s0+$0x18780] =	vst v40  }
.Ltmp12:
0x1a8: {  	v40 =	vadd.s32 v23, v42;
	v42 =	vshll.u32 v45, $0x7;
	v31 =	vld [tilespmem:s31+$0x1A7A0];
	[tilespmem:s30+$0x187A0] =	vst v37;
	vm2 =	vlt.u32 v34, $0x184000;
	(pc) =	sbr.rel @p1 .LBB2_16-.Ltmp12, $4  }
0x1a9: {  	vm1 =	vlt.u32 v36, $0x184000;
	v34 =	vadd.s32 $0xFF54F000, v42;
	v37 =	vld [tilespmem:s31+$0x187A0];
	v36 =	vnsel vm2, $0x0, v38;
	[tilespmem:s0+$0x1A780] =	vst v41  }
0x1aa: {  	v39 =	vshll.u32 v39, $0x7;
	v44 =	vsel vm0, v44, v4;
	vm3 =	vlt.u32 v34, $0x184000;
	v34 =	vld [tilespmem:s30+$0x18780];
	[tilespmem:s0+$0x1A770] =	vst v36  }
0x1ab: {  	v41 =	vadd.s32 $0xFF54F000, v39;
	v36 =	vadd.s32 v28, v42;
	v45 =	vnsel vm3, $0x0, v46;
	v38 =	vld [tilespmem:s31+$0x18760];
	[tilespmem:s30+$0x187B0] =	vst v44  }
0x1ac: {  	v43 =	vsel vm2, v43, v4;
	v42 =	vsel vm1, v40, v1;
	v40 =	vsel vm3, v36, v2;
	[tilespmem:s31+$0x1A790] =	vst v45;
	v36 =	vld [tilespmem:s31+$0x187B0]  }
0x1ad: {  	v44 =	vld [tilespmem:s31+$0x1A760];
	[tilespmem:s0+$0x18770] =	vst v43  }
0x1ae: {  	[tilespmem:s31+$0x18740] =	vst v42  }
0x1af: {  	v33 =	vnsel vm0, $0x0, v33;
	v35 =	vnsel vm1, $0x0, v35;
	v42 =	vld [tilespmem:s30+$0x1A780];
	[tilespmem:s31+$0x18790] =	vst v40  }
0x1b0: {  	vm7 =	vlt.u32 v41, $0x184000;
	v39 =	vadd.s32 v24, v39;
	v63 =	vshll.u32 v37, $0x7;
	[tilespmem:s30+$0x1A7B0] =	vst v33  }
0x1b1: {  	v62 =	vsel vm7, v39, v2;
	v41 =	vadd.s32 $0xFF54F000, v63;
	v40 =	vld [tilespmem:s30+$0x18770];
	[tilespmem:s31+$0x1A740] =	vst v35  }
0x1b2: {  	v32 =	vnsel vm7, $0x0, v32;
	v43 =	vshll.u32 v38, $0x7;
	vm8 =	vlt.u32 v41, $0x184000;
	[tilespmem:s30+$0x18750] =	vst v62  }
0x1b3: {  	v46 =	vadd.s32 $0xFF54F000, v43;
	v31 =	vnsel vm8, $0x0, v31;
	v47 =	vld [tilespmem:s31+$0x18750];
	[tilespmem:s30+$0x1A750] =	vst v32  }
0x1b4: {  	v45 =	vld [tilespmem:s30+$0x1A770];
	vm9 =	vlt.u32 v46, $0x184000;
	[tilespmem:s31+$0x1A7A0] =	vst v31;
	v31 =	vshll.u32 v34, $0x7  }
0x1b5: {  	v50 =	vadd.s32 v25, v43;
	v48 =	vnsel vm9, $0x0, v44;
	v49 =	vadd.s32 $0xFF54F000, v31  }
0x1b6: {  	v33 =	vsel vm9, v50, v3;
	[tilespmem:s31+$0x1A760] =	vst v48;
	v31 =	vadd.s32 v27, v31;
	vm10 =	vlt.u32 v49, $0x184000  }
0x1b7: {  	v35 =	vadd.s32 v29, v63;
	v51 =	vld [tilespmem:s31+$0x1A7B0];
	[tilespmem:s31+$0x18760] =	vst v33;
	v54 =	vshll.u32 v40, $0x7;
	v31 =	vsel vm10, v31, v1  }
0x1b8: {  	v53 =	vsel vm8, v35, v3;
	v52 =	vld [tilespmem:s31+$0x1A750];
	v56 =	vadd.s32 $0xFF54F000, v54;
	[tilespmem:s30+$0x18780] =	vst v31;
	v31 =	vshll.u32 v36, $0x7  }
0x1b9: {  	v55 =	vnsel vm10, $0x0, v42;
	vm11 =	vlt.u32 v56, $0x184000;
	[tilespmem:s31+$0x187A0] =	vst v53;
	v57 =	vadd.s32 $0xFF54F000, v31  }
0x1ba: {  	v58 =	vnsel vm11, $0x0, v45;
	v31 =	vadd.s32 v30, v31;
	[tilespmem:s30+$0x1A780] =	vst v55;
	vm12 =	vlt.u32 v57, $0x184000  }
0x1bb: {  	v35 =	vadd.s32 v26, v54;
	v36 =	vld [tilespmem:s31+$0x18780];
	v31 =	vsel vm12, v31, v4;
	[tilespmem:s30+$0x1A770] =	vst v58  }
0x1bc: {  	[tilespmem:s31+$0x187B0] =	vst v31;
	v31 =	vsel vm11, v35, v4  }
0x1bd: {  	[tilespmem:s30+$0x18770] =	vst v31  }
0x1be: {  	v59 =	vshll.u32 v47, $0x7;
	v61 =	vld [tilespmem:s31+$0x18770]  }
0x1bf: {  	v31 =	vadd.s32 $0xFF54F000, v59  }
0x1c0: {  	v60 =	vld [tilespmem:s31+$0x1A780];
	vm13 =	vlt.u32 v31, $0x184000;
	v31 =	vnsel vm12, $0x0, v51  }
0x1c1: {  	v33 =	vadd.s32 v24, v59;
	v62 =	vld [tilespmem:s31+$0x1A770];
	[tilespmem:s31+$0x1A7B0] =	vst v31;
	v31 =	vshll.u32 v36, $0x7  }
0x1c2: {  	v33 =	vsel vm13, v33, v2;
	v32 =	vnsel vm13, $0x0, v52;
	v36 =	vadd.s32 $0xFF54F000, v31  }
0x1c3: {  	[tilespmem:s31+$0x18750] =	vst v33;
	v31 =	vadd.s32 v27, v31;
	vm14 =	vlt.u32 v36, $0x184000;
	v34 =	vshll.u32 v61, $0x7  }
0x1c4: {  	[tilespmem:s31+$0x1A750] =	vst v32;
	v31 =	vsel vm14, v31, v1;
	v63 =	vadd.s32 $0xFF54F000, v34  }
0x1c5: {  	v35 =	vnsel vm14, $0x0, v60;
	[tilespmem:s31+$0x18780] =	vst v31;
	vm15 =	vlt.u32 v63, $0x184000  }
0x1c6: {  	s29 =	sadd.s32 $0x1, s29;
	v31 =	vadd.s32 v26, v34;
	[tilespmem:s31+$0x1A780] =	vst v35;
	v32 =	vnsel vm15, $0x0, v62  }
0x1c7: {  	p1 =	sne.s32 s29, $0x10;
	v31 =	vsel vm15, v31, v4;
	[tilespmem:s31+$0x1A770] =	vst v32  }
.Ltmp13:
0x1c8: {  	[tilespmem:s31+$0x18770] =	vst v31;
	(pc) =	sbr.rel @p1 .LBB2_15-.Ltmp13, $4  }
0x1c9: {  	[spmem:s4] =	stream.indirect.scatter.add.f32 [tilespmem:s12], [sflag:$0x1], $0x1, s11, s20, $0xb8;
	[tilespmem:$0x1C740] =	vst v63  }
0x1ca: {  	_ =	swait.ge [sflag:s25], $0x2000  }
0x1cb: {  	[sflag:s25] =	ssyncset.done $0x0  }
0x1cc: {  	[sflag:s25] =	ssyncadd.s32 $0xFFFFE000  }
.Ltmp14:
0x1cd: {  	[bflag:$0x0] =	sbarrier.arrive $0xFFFF;
	(pc) =	sbr.rel .LBB2_24-.Ltmp14, $4  }
0x1ce: {  	[hbm:s21], [sflag:s9] =	dma.local [spmem:s26], $0x3080  }
0x1cf: {  	_ =	swait.ge [sflag:s24], $0x3080  }
0x1d0: {  	[sflag:s24] =	ssyncset.done $0x0  }
0x1d1: {  	[sflag:s24] =	ssyncadd.s32 $0xFFFFCF80  }
.LBB2_25:
0x1d2: {  	_ =	sfence.sel $0x180000  }
0x1d3: {  	[bflag:$0x0] =	sbarrier.arrive $0xFFFF  }
0x1d4: {  	_ =	strace $0x90000047  }
0x1d5: {  	s0 =	stileid.u32;
	[bflag:$0x2] =	sbarrier.arrive $0xFFFF  }
0x1d6: {  	p0 =	sne.s32 s0, $0x0;
	s0 =	rddreg [dreg:$0x5]  }
0x1d7: {  	s0 =	sadd.s32 @!p0 $0x100000, s0  }
0x1d8: {  	[sflag:s0] =	ssyncadd.tile.s32 @!p0 $0x1;
	_ =	shalt  }
.Lfunc_end2:
_tile_overlayer_lowered:
.L_overlay_start_2:
0x1d9: {  	(tag) =	ssettag $0x2  }
0x1da: {  	s0 =	rddreg [dreg:$0x0];
	s2 =	stileid.u32  }
0x1db: {  	s1 =	rddreg [dreg:$0x1];
	p0 =	sne.s32 s2, $0x0  }
0x1dc: {  	s3 =	rddreg [dreg:$0x2];
	[bflag:$0x3] =	sbarrier.arrive $0xFFFF;
	s2 =	simm.s32 @!p0 $0x1C02  }
0x1dd: {  	[timem:s3], [sflag:s2] =	dma.local @!p0 [hbm:s0], s1  }
0x1de: {  	s0 =	simm.s32 @!p0 $0x2  }
0x1df: {  	_ =	swait.ge @!p0 [sflag:s0], s1  }
0x1e0: {  	s1 =	ssub.s32 @!p0 $0x0, s1;
	[sflag:s0] =	ssyncset.done @!p0 $0x0  }
0x1e1: {  	[sflag:s0] =	ssyncadd.s32 @!p0 s1  }
0x1e2: {  	[bflag:$0x3] =	sbarrier.arrive $0xFFFF  }
0x1e3: {  	_ =	shalt  }

</sc_bundles>
